<compile_context>
chip_gen: v7x
topology: tpu7x:2x2x1
jax: 0.10.2.dev20260603
libtpu: 0.0.44.dev20260713+nightly
codegen_flags: <defaults>
</compile_context>

<pallas_src>
import functools

import jax
import jax.numpy as jnp
from jax import lax
from jax.experimental import pallas as pl
from jax.experimental.pallas import tpu as pltpu
from jax.experimental.pallas import tpu_sc as plsc

N_NODES = 10000
IN_FEATS = 128
N_HIDDEN = 128
N_CLASSES = 64
N_EDGES = 320000

NC = 2
NS = 16
NW = NC * NS
LANES = 16

B = 128
NCHUNK = -(-N_EDGES // (NW * B))
NCHUNK = -(-NCHUNK // 4) * 4
E_PAD = NW * B * NCHUNK
RPT = 640
R = NS * RPT

_f32 = jnp.float32


def _agg_body(nfeat, count_deg, x_hbm, idxp_hbm, zrows_hbm, zdeg_hbm,
              out_acc_hbm, out_deg_hbm, idx_v, buf0_v, buf1_v, ones_v,
              acc_sh, deg_sh, gsem0, gsem1, isem0, isem1, isem2, isem3,
              ssem0, ssem1, osem0, osem1):
    c = lax.axis_index("c")
    s = lax.axis_index("s")
    w = c * NS + s
    row0 = s * RPT
    bufs = (buf0_v, buf1_v)
    gsems = (gsem0, gsem1)
    isems = (isem0, isem1, isem2, isem3)
    ssems = (ssem0, ssem1)
    osems = (osem0, osem1)

    pltpu.sync_copy(zrows_hbm.at[pl.ds(row0, RPT)], acc_sh.at[pl.ds(row0, RPT)])
    if count_deg:
        pltpu.sync_copy(zdeg_hbm.at[pl.ds(row0, RPT)], deg_sh.at[pl.ds(row0, RPT)])

        def fill_ones(i, carry):
            ones_v[pl.ds(i * LANES, LANES)] = jnp.ones((LANES,), _f32)
            return carry

        lax.fori_loop(0, B // LANES, fill_ones, 0)
    plsc.subcore_barrier()

    def idx_start(j, k):
        pltpu.async_copy(idxp_hbm.at[w, j], idx_v.at[pl.ds(2 * k, 2)], isems[k])

    def idx_wait(j, k):
        pltpu.make_async_copy(idxp_hbm.at[w, j], idx_v.at[pl.ds(2 * k, 2)],
                              isems[k]).wait()

    def g_start(k, p):
        pltpu.async_copy(x_hbm.at[idx_v.at[2 * k]], bufs[p], gsems[p])

    def g_wait(k, p):
        pltpu.make_async_copy(x_hbm.at[idx_v.at[2 * k]], bufs[p],
                              gsems[p]).wait()

    def scat(k, p):
        pltpu.async_copy(bufs[p], acc_sh.at[idx_v.at[2 * k + 1]], ssems[p],
                         add=True)
        if count_deg:
            pltpu.async_copy(ones_v, deg_sh.at[idx_v.at[2 * k + 1]], osems[p],
                             add=True)

    def scat_wait(km, p):
        pltpu.make_async_copy(bufs[p], acc_sh.at[idx_v.at[2 * km + 1]],
                              ssems[p]).wait()
        if count_deg:
            pltpu.make_async_copy(ones_v, deg_sh.at[idx_v.at[2 * km + 1]],
                                  osems[p]).wait()

    def step(j, k, first=False, last=False, refill=True):
        kn = (k + 1) % 4
        km = (k + 3) % 4
        p = k % 2
        if not last:
            idx_wait(j + 1, kn)
        if not first:
            scat_wait(km, 1 - p)
        if not last:
            g_start(kn, 1 - p)
        if not first and refill:
            idx_start(j + 3, km)
        g_wait(k, p)
        scat(k, p)

    for k in range(4):
        idx_start(k, k)
    idx_wait(0, 0)
    g_start(0, 0)

    for k in range(4):
        step(k, k, first=(k == 0))

    def quad(t, carry):
        a = 4 * t
        for k in range(4):
            step(a + k, k)
        return carry

    lax.fori_loop(1, NCHUNK // 4 - 1, quad, 0)
    a = NCHUNK - 4
    for k in range(4):
        step(a + k, k, last=(k == 3), refill=(k == 0))
    scat_wait(3, (NCHUNK - 1) % 2)

    plsc.subcore_barrier()
    pltpu.sync_copy(acc_sh.at[pl.ds(row0, RPT)],
                    out_acc_hbm.at[c, pl.ds(row0, RPT)])
    if count_deg:
        pltpu.sync_copy(deg_sh.at[pl.ds(row0, RPT)],
                        out_deg_hbm.at[c, pl.ds(row0, RPT)])


def _make_agg(nfeat, count_deg):
    mesh = plsc.VectorSubcoreMesh(core_axis_name="c", subcore_axis_name="s")
    out_type = [jax.ShapeDtypeStruct((NC, R, nfeat), _f32)]
    if count_deg:
        out_type.append(jax.ShapeDtypeStruct((NC, R), _f32))
    scratch = [
        pltpu.VMEM((8, B), jnp.int32),
        pltpu.VMEM((B, nfeat), _f32),
        pltpu.VMEM((B, nfeat), _f32),
        pltpu.VMEM((B,), _f32),
        pltpu.VMEM_SHARED((R, nfeat), _f32),
        pltpu.VMEM_SHARED((R,), _f32),
        pltpu.SemaphoreType.DMA,
        pltpu.SemaphoreType.DMA,
        pltpu.SemaphoreType.DMA,
        pltpu.SemaphoreType.DMA,
        pltpu.SemaphoreType.DMA,
        pltpu.SemaphoreType.DMA,
        pltpu.SemaphoreType.DMA,
        pltpu.SemaphoreType.DMA,
        pltpu.SemaphoreType.DMA,
        pltpu.SemaphoreType.DMA,
    ]

    if count_deg:
        def body(x_hbm, idxp, zrows, zdeg, out_acc, out_deg,
                 idx_v, buf0_v, buf1_v, ones_v, acc_sh, deg_sh,
                 gsem0, gsem1, isem0, isem1, isem2, isem3,
                 ssem0, ssem1, osem0, osem1):
            _agg_body(nfeat, True, x_hbm, idxp, zrows, zdeg,
                      out_acc, out_deg, idx_v, buf0_v, buf1_v,
                      ones_v, acc_sh, deg_sh, gsem0, gsem1,
                      isem0, isem1, isem2, isem3,
                      ssem0, ssem1, osem0, osem1)
    else:
        def body(x_hbm, idxp, zrows, out_acc,
                 idx_v, buf0_v, buf1_v, ones_v, acc_sh, deg_sh,
                 gsem0, gsem1, isem0, isem1, isem2, isem3,
                 ssem0, ssem1, osem0, osem1):
            _agg_body(nfeat, False, x_hbm, idxp, zrows, None,
                      out_acc, None, idx_v, buf0_v, buf1_v,
                      ones_v, acc_sh, deg_sh, gsem0, gsem1,
                      isem0, isem1, isem2, isem3,
                      ssem0, ssem1, osem0, osem1)

    params = None
    if nfeat % 128 != 0:
        params = pltpu.CompilerParams(use_tc_tiling_on_sc=False)
    return pl.kernel(body, out_type=tuple(out_type), mesh=mesh,
                     scratch_types=scratch, compiler_params=params)


_agg1 = _make_agg(IN_FEATS, True)
_agg2 = _make_agg(N_CLASSES, False)

R_B = 1280
_GRID = R // R_B


def _dense1_body(p_acc, p_deg, W1r, b1r, W2r, g_ref):
    a = p_acc[0] + p_acc[1]
    deg = jnp.maximum(p_deg[0] + p_deg[1], 1.0)
    a = a * (1.0 / deg)
    h = jnp.dot(a, W1r[...], preferred_element_type=_f32) + b1r[...]
    h = jnp.maximum(h, 0.0)
    g_ref[...] = jnp.dot(h, W2r[...], preferred_element_type=_f32)


def _dense2_body(q_ref, p_deg, b2r, o_ref):
    qsum = q_ref[0] + q_ref[1]
    deg = jnp.maximum(p_deg[0] + p_deg[1], 1.0)
    o_ref[...] = qsum / deg + b2r[...]


_dense1 = pl.pallas_call(
    _dense1_body,
    grid=(_GRID,),
    in_specs=[
        pl.BlockSpec((2, R_B, IN_FEATS), lambda i: (0, i, 0)),
        pl.BlockSpec((2, R_B, 1), lambda i: (0, i, 0)),
        pl.BlockSpec((IN_FEATS, N_HIDDEN), lambda i: (0, 0)),
        pl.BlockSpec((1, N_HIDDEN), lambda i: (0, 0)),
        pl.BlockSpec((N_HIDDEN, N_CLASSES), lambda i: (0, 0)),
    ],
    out_specs=pl.BlockSpec((R_B, N_CLASSES), lambda i: (i, 0)),
    out_shape=jax.ShapeDtypeStruct((R, N_CLASSES), _f32),
)

_dense2 = pl.pallas_call(
    _dense2_body,
    grid=(_GRID,),
    in_specs=[
        pl.BlockSpec((2, R_B, N_CLASSES), lambda i: (0, i, 0)),
        pl.BlockSpec((2, R_B, 1), lambda i: (0, i, 0)),
        pl.BlockSpec((1, N_CLASSES), lambda i: (0, 0)),
    ],
    out_specs=pl.BlockSpec((R_B, N_CLASSES), lambda i: (i, 0)),
    out_shape=jax.ShapeDtypeStruct((R, N_CLASSES), _f32),
)


def kernel(x, edge_index, W1, b1, W2, b2):
    src = edge_index[0].astype(jnp.int32)
    dst = edge_index[1].astype(jnp.int32)
    pad_n = E_PAD - N_EDGES
    pad_i = jnp.arange(pad_n, dtype=jnp.int32)
    src_p = jnp.concatenate([src, pad_i % N_NODES]).reshape(NW, NCHUNK, B)
    dst_p = jnp.concatenate([dst, N_NODES + pad_i % (R - N_NODES)]).reshape(
        NW, NCHUNK, B)
    idxp = jnp.stack([src_p, dst_p], axis=2)
    zrows1 = jnp.zeros((R, IN_FEATS), _f32)
    zrows2 = jnp.zeros((R, N_CLASSES), _f32)
    zdeg = jnp.zeros((R,), _f32)

    p_acc, p_deg = _agg1(x, idxp, zrows1, zdeg)
    p_deg3 = p_deg.reshape(NC, R, 1)
    g = _dense1(p_acc, p_deg3, W1, b1.reshape(1, N_HIDDEN), W2)
    (q,) = _agg2(g, idxp, zrows2)
    out = _dense2(q, p_deg3, b2.reshape(1, N_CLASSES))
    return out[:N_NODES]

# --- scband reference (transcript-rebuilt; emitter-appended) ---
"""Pipeline reference for scband-gcnsampling-12618613915856 (READ-ONLY COPY).

The authoritative reference and input builder live on the scoring server;
editing this copy changes nothing except your own understanding.
"""

import jax, jax.numpy as jnp
import numpy as np

N_NODES = 10000
N_EDGES = 320000
IN_FEATS = 128
N_HIDDEN = 128
N_CLASSES = 64


def setup_inputs(seed: int = 0) -> dict:
    key = jax.random.key(seed)
    k_x, k_ei, k_w1, k_b1, k_w2, k_b2 = jax.random.split(key, 6)
    x = jax.random.normal(k_x, (N_NODES, IN_FEATS), dtype=jnp.float32)
    edge_index = jax.random.randint(k_ei, (2, N_EDGES), 0, N_NODES, dtype=jnp.int64)
    # Learned parameters for the two NodeUpdate dense layers
    W1 = jax.random.normal(k_w1, (IN_FEATS, N_HIDDEN), dtype=jnp.float32) * (1.0 / np.sqrt(IN_FEATS))
    b1 = jnp.zeros((N_HIDDEN,), dtype=jnp.float32)
    W2 = jax.random.normal(k_w2, (N_HIDDEN, N_CLASSES), dtype=jnp.float32) * (1.0 / np.sqrt(N_HIDDEN))
    b2 = jnp.zeros((N_CLASSES,), dtype=jnp.float32)
    return {"x": x, "edge_index": edge_index, "W1": W1, "b1": b1, "W2": W2, "b2": b2}


def _mean_aggregate(h, src, dst, n_nodes):
    # copy_src message + mean reduce over mailbox (mean of incoming messages per dst node)
    msgs = jnp.take(h, src, axis=0)  # gather source features over edges
    summed = jax.ops.segment_sum(msgs, dst, num_segments=n_nodes)
    deg = jnp.bincount(dst, length=n_nodes).astype(jnp.float32)
    deg = jnp.maximum(deg, 1.0)
    return summed / deg[:, None]


def reference(x, edge_index, W1, b1, W2, b2):
    src = edge_index[0]
    dst = edge_index[1]
    # Layer 1: dropout(p=0.0) is identity; mean aggregation then dense + relu
    h = x
    h = _mean_aggregate(h, src, dst, N_NODES)
    h = h @ W1 + b1
    h = jax.nn.relu(h)
    # Layer 2 (final): mean aggregation then dense, no activation
    h = _mean_aggregate(h, src, dst, N_NODES)
    h = h @ W2 + b2
    return h

if __name__ == "__main__":
    import jax
    _d = setup_inputs()
    print(jax.jit(kernel)(*tuple(_d.values())))

</pallas_src>

<mosaic_0001>
#map = affine_map<(d0, d1) -> (0, 0)>
#map1 = affine_map<(d0, d1) -> (0, 0, 0, 0)>
#map2 = affine_map<(d0, d1) -> (0, 0, 0)>
module attributes {stable_mosaic.version = 14 : i64} {
  func.func @body(%arg0: i32, %arg1: i32, %arg2: memref<10240x64xf32, #tpu.memory_space<hbm>>, %arg3: memref<32x80x2x128xi32, #tpu.memory_space<hbm>>, %arg4: memref<10240x64xf32, #tpu.memory_space<hbm>>, %arg5: memref<2x10240x64xf32, #tpu.memory_space<hbm>>, %arg6: memref<8x128xi32, #tpu.memory_space<vmem>>, %arg7: memref<128x64xf32, #tpu.memory_space<vmem>>, %arg8: memref<128x64xf32, #tpu.memory_space<vmem>>, %arg9: memref<128xf32, #tpu.memory_space<vmem>>, %arg10: memref<10240x64xf32, #tpu.memory_space<vmem_shared>>, %arg11: memref<10240xf32, #tpu.memory_space<vmem_shared>>, %arg12: memref<!tpu.dma_semaphore, #tpu.memory_space<semaphore_mem>>, %arg13: memref<!tpu.dma_semaphore, #tpu.memory_space<semaphore_mem>>, %arg14: memref<!tpu.dma_semaphore, #tpu.memory_space<semaphore_mem>>, %arg15: memref<!tpu.dma_semaphore, #tpu.memory_space<semaphore_mem>>, %arg16: memref<!tpu.dma_semaphore, #tpu.memory_space<semaphore_mem>>, %arg17: memref<!tpu.dma_semaphore, #tpu.memory_space<semaphore_mem>>, %arg18: memref<!tpu.dma_semaphore, #tpu.memory_space<semaphore_mem>>, %arg19: memref<!tpu.dma_semaphore, #tpu.memory_space<semaphore_mem>>, %arg20: memref<!tpu.dma_semaphore, #tpu.memory_space<semaphore_mem>>, %arg21: memref<!tpu.dma_semaphore, #tpu.memory_space<semaphore_mem>>) attributes {dimension_semantics = [#tpu.dimension_semantics<core_parallel>, #tpu.dimension_semantics<subcore_parallel>], iteration_bounds = array<i64: 2, 16>, scalar_prefetch = 0 : i64, scratch_operands = 16 : i64, tpu.core_type = #tpu.core_type<sc_vector_subcore>, window_params = [{transform_indices = #map}, {transform_indices = #map1}, {transform_indices = #map}, {transform_indices = #map2}]} {
    %mul3A = arith.constant 16 : i32
    %mul3A_0 = arith.muli %arg0, %mul3A : i32
    %add3A = arith.addi %mul3A_0, %arg1 : i32
    %mul3A_1 = arith.constant 640 : i32
    %mul3A_2 = arith.muli %arg1, %mul3A_1 : i32
    "tpu.region"() ({
      %run_scoped3A = tpu.sem_alloc : memref<!tpu.dma_semaphore, #tpu.memory_space<semaphore_mem>>
      %dma_start3A_471 = arith.constant 0 : i32
      %dma_start3A_472 = tpu.memref_slice %arg10[%mul3A_2, %dma_start3A_471] : memref<10240x64xf32, #tpu.memory_space<vmem_shared>> -> memref<640x64xf32, #tpu.memory_space<vmem_shared>>
      %dma_start3A_473 = arith.constant 0 : i32
      %dma_start3A_474 = tpu.memref_slice %arg4[%mul3A_2, %dma_start3A_473] : memref<10240x64xf32, #tpu.memory_space<hbm>> -> memref<640x64xf32, #tpu.memory_space<hbm>>
      tpu.enqueue_dma source(%dma_start3A_474 : memref<640x64xf32, #tpu.memory_space<hbm>>) target(%dma_start3A_472 : memref<640x64xf32, #tpu.memory_space<vmem_shared>>) target_semaphore(%run_scoped3A : memref<!tpu.dma_semaphore, #tpu.memory_space<semaphore_mem>>)
      %dma_wait3A_475 = arith.constant 0 : i32
      %dma_wait3A_476 = tpu.memref_slice %arg10[%mul3A_2, %dma_wait3A_475] : memref<10240x64xf32, #tpu.memory_space<vmem_shared>> -> memref<640x64xf32, #tpu.memory_space<vmem_shared>>
      %dma_wait3A_477 = arith.constant 0 : i32
      %dma_wait3A_478 = tpu.memref_slice %arg4[%mul3A_2, %dma_wait3A_477] : memref<10240x64xf32, #tpu.memory_space<hbm>> -> memref<640x64xf32, #tpu.memory_space<hbm>>
      tpu.wait_dma2 semaphore(%run_scoped3A : memref<!tpu.dma_semaphore, #tpu.memory_space<semaphore_mem>>) src(%dma_wait3A_478 : memref<640x64xf32, #tpu.memory_space<hbm>>) dst(%dma_wait3A_476 : memref<640x64xf32, #tpu.memory_space<vmem_shared>>)
      tpu.yield
    }) : () -> ()
    %barrier3A = arith.constant 0 : index
    tpu.barrier barrier_id(%barrier3A)
    %dma_start3A = arith.constant 0 : i32
    %dma_start3A_3 = arith.constant 0 : i32
    %dma_start3A_4 = arith.constant 0 : i32
    %dma_start3A_5 = tpu.memref_slice %arg6[%dma_start3A_3, %dma_start3A_4] : memref<8x128xi32, #tpu.memory_space<vmem>> -> memref<2x128xi32, #tpu.memory_space<vmem>>
    %dma_start3A_6 = arith.constant 0 : i32
    %dma_start3A_7 = arith.constant 0 : i32
    %dma_start3A_8 = tpu.memref_slice %arg3[%add3A, %dma_start3A, %dma_start3A_6, %dma_start3A_7] : memref<32x80x2x128xi32, #tpu.memory_space<hbm>> -> memref<1x1x2x128xi32, #tpu.memory_space<hbm>>
    %dma_start3A_9 = tpu.memref_squeeze %dma_start3A_8 : memref<1x1x2x128xi32, #tpu.memory_space<hbm>> -> memref<2x128xi32, #tpu.memory_space<hbm>>
    %dma_start3A_10 = arith.constant 0 : i32
    %dma_start3A_11 = arith.constant 0 : i32
    %dma_start3A_12 = tpu.memref_slice %arg6[%dma_start3A_10, %dma_start3A_11] : memref<8x128xi32, #tpu.memory_space<vmem>> -> memref<2x128xi32, #tpu.memory_space<vmem>>
    %dma_start3A_13 = arith.constant 0 : i32
    %dma_start3A_14 = arith.constant 0 : i32
    %dma_start3A_15 = tpu.memref_slice %arg3[%add3A, %dma_start3A, %dma_start3A_13, %dma_start3A_14] : memref<32x80x2x128xi32, #tpu.memory_space<hbm>> -> memref<1x1x2x128xi32, #tpu.memory_space<hbm>>
    %dma_start3A_16 = tpu.memref_squeeze %dma_start3A_15 : memref<1x1x2x128xi32, #tpu.memory_space<hbm>> -> memref<2x128xi32, #tpu.memory_space<hbm>>
    tpu.enqueue_dma source(%dma_start3A_16 : memref<2x128xi32, #tpu.memory_space<hbm>>) target(%dma_start3A_12 : memref<2x128xi32, #tpu.memory_space<vmem>>) target_semaphore(%arg14 : memref<!tpu.dma_semaphore, #tpu.memory_space<semaphore_mem>>)
    %dma_start3A_17 = arith.constant 1 : i32
    %dma_start3A_18 = arith.constant 2 : i32
    %dma_start3A_19 = arith.constant 0 : i32
    %dma_start3A_20 = tpu.memref_slice %arg6[%dma_start3A_18, %dma_start3A_19] : memref<8x128xi32, #tpu.memory_space<vmem>> -> memref<2x128xi32, #tpu.memory_space<vmem>>
    %dma_start3A_21 = arith.constant 0 : i32
    %dma_start3A_22 = arith.constant 0 : i32
    %dma_start3A_23 = tpu.memref_slice %arg3[%add3A, %dma_start3A_17, %dma_start3A_21, %dma_start3A_22] : memref<32x80x2x128xi32, #tpu.memory_space<hbm>> -> memref<1x1x2x128xi32, #tpu.memory_space<hbm>>
    %dma_start3A_24 = tpu.memref_squeeze %dma_start3A_23 : memref<1x1x2x128xi32, #tpu.memory_space<hbm>> -> memref<2x128xi32, #tpu.memory_space<hbm>>
    %dma_start3A_25 = arith.constant 2 : i32
    %dma_start3A_26 = arith.constant 0 : i32
    %dma_start3A_27 = tpu.memref_slice %arg6[%dma_start3A_25, %dma_start3A_26] : memref<8x128xi32, #tpu.memory_space<vmem>> -> memref<2x128xi32, #tpu.memory_space<vmem>>
    %dma_start3A_28 = arith.constant 0 : i32
    %dma_start3A_29 = arith.constant 0 : i32
    %dma_start3A_30 = tpu.memref_slice %arg3[%add3A, %dma_start3A_17, %dma_start3A_28, %dma_start3A_29] : memref<32x80x2x128xi32, #tpu.memory_space<hbm>> -> memref<1x1x2x128xi32, #tpu.memory_space<hbm>>
    %dma_start3A_31 = tpu.memref_squeeze %dma_start3A_30 : memref<1x1x2x128xi32, #tpu.memory_space<hbm>> -> memref<2x128xi32, #tpu.memory_space<hbm>>
    tpu.enqueue_dma source(%dma_start3A_31 : memref<2x128xi32, #tpu.memory_space<hbm>>) target(%dma_start3A_27 : memref<2x128xi32, #tpu.memory_space<vmem>>) target_semaphore(%arg15 : memref<!tpu.dma_semaphore, #tpu.memory_space<semaphore_mem>>)
    %dma_start3A_32 = arith.constant 2 : i32
    %dma_start3A_33 = arith.constant 4 : i32
    %dma_start3A_34 = arith.constant 0 : i32
    %dma_start3A_35 = tpu.memref_slice %arg6[%dma_start3A_33, %dma_start3A_34] : memref<8x128xi32, #tpu.memory_space<vmem>> -> memref<2x128xi32, #tpu.memory_space<vmem>>
    %dma_start3A_36 = arith.constant 0 : i32
    %dma_start3A_37 = arith.constant 0 : i32
    %dma_start3A_38 = tpu.memref_slice %arg3[%add3A, %dma_start3A_32, %dma_start3A_36, %dma_start3A_37] : memref<32x80x2x128xi32, #tpu.memory_space<hbm>> -> memref<1x1x2x128xi32, #tpu.memory_space<hbm>>
    %dma_start3A_39 = tpu.memref_squeeze %dma_start3A_38 : memref<1x1x2x128xi32, #tpu.memory_space<hbm>> -> memref<2x128xi32, #tpu.memory_space<hbm>>
    %dma_start3A_40 = arith.constant 4 : i32
    %dma_start3A_41 = arith.constant 0 : i32
    %dma_start3A_42 = tpu.memref_slice %arg6[%dma_start3A_40, %dma_start3A_41] : memref<8x128xi32, #tpu.memory_space<vmem>> -> memref<2x128xi32, #tpu.memory_space<vmem>>
    %dma_start3A_43 = arith.constant 0 : i32
    %dma_start3A_44 = arith.constant 0 : i32
    %dma_start3A_45 = tpu.memref_slice %arg3[%add3A, %dma_start3A_32, %dma_start3A_43, %dma_start3A_44] : memref<32x80x2x128xi32, #tpu.memory_space<hbm>> -> memref<1x1x2x128xi32, #tpu.memory_space<hbm>>
    %dma_start3A_46 = tpu.memref_squeeze %dma_start3A_45 : memref<1x1x2x128xi32, #tpu.memory_space<hbm>> -> memref<2x128xi32, #tpu.memory_space<hbm>>
    tpu.enqueue_dma source(%dma_start3A_46 : memref<2x128xi32, #tpu.memory_space<hbm>>) target(%dma_start3A_42 : memref<2x128xi32, #tpu.memory_space<vmem>>) target_semaphore(%arg16 : memref<!tpu.dma_semaphore, #tpu.memory_space<semaphore_mem>>)
    %dma_start3A_47 = arith.constant 3 : i32
    %dma_start3A_48 = arith.constant 6 : i32
    %dma_start3A_49 = arith.constant 0 : i32
    %dma_start3A_50 = tpu.memref_slice %arg6[%dma_start3A_48, %dma_start3A_49] : memref<8x128xi32, #tpu.memory_space<vmem>> -> memref<2x128xi32, #tpu.memory_space<vmem>>
    %dma_start3A_51 = arith.constant 0 : i32
    %dma_start3A_52 = arith.constant 0 : i32
    %dma_start3A_53 = tpu.memref_slice %arg3[%add3A, %dma_start3A_47, %dma_start3A_51, %dma_start3A_52] : memref<32x80x2x128xi32, #tpu.memory_space<hbm>> -> memref<1x1x2x128xi32, #tpu.memory_space<hbm>>
    %dma_start3A_54 = tpu.memref_squeeze %dma_start3A_53 : memref<1x1x2x128xi32, #tpu.memory_space<hbm>> -> memref<2x128xi32, #tpu.memory_space<hbm>>
    %dma_start3A_55 = arith.constant 6 : i32
    %dma_start3A_56 = arith.constant 0 : i32
    %dma_start3A_57 = tpu.memref_slice %arg6[%dma_start3A_55, %dma_start3A_56] : memref<8x128xi32, #tpu.memory_space<vmem>> -> memref<2x128xi32, #tpu.memory_space<vmem>>
    %dma_start3A_58 = arith.constant 0 : i32
    %dma_start3A_59 = arith.constant 0 : i32
    %dma_start3A_60 = tpu.memref_slice %arg3[%add3A, %dma_start3A_47, %dma_start3A_58, %dma_start3A_59] : memref<32x80x2x128xi32, #tpu.memory_space<hbm>> -> memref<1x1x2x128xi32, #tpu.memory_space<hbm>>
    %dma_start3A_61 = tpu.memref_squeeze %dma_start3A_60 : memref<1x1x2x128xi32, #tpu.memory_space<hbm>> -> memref<2x128xi32, #tpu.memory_space<hbm>>
    tpu.enqueue_dma source(%dma_start3A_61 : memref<2x128xi32, #tpu.memory_space<hbm>>) target(%dma_start3A_57 : memref<2x128xi32, #tpu.memory_space<vmem>>) target_semaphore(%arg17 : memref<!tpu.dma_semaphore, #tpu.memory_space<semaphore_mem>>)
    %dma_wait3A = arith.constant 0 : i32
    %dma_wait3A_62 = arith.constant 0 : i32
    %dma_wait3A_63 = arith.constant 0 : i32
    %dma_wait3A_64 = tpu.memref_slice %arg6[%dma_wait3A_62, %dma_wait3A_63] : memref<8x128xi32, #tpu.memory_space<vmem>> -> memref<2x128xi32, #tpu.memory_space<vmem>>
    %dma_wait3A_65 = arith.constant 0 : i32
    %dma_wait3A_66 = arith.constant 0 : i32
    %dma_wait3A_67 = tpu.memref_slice %arg3[%add3A, %dma_wait3A, %dma_wait3A_65, %dma_wait3A_66] : memref<32x80x2x128xi32, #tpu.memory_space<hbm>> -> memref<1x1x2x128xi32, #tpu.memory_space<hbm>>
    %dma_wait3A_68 = tpu.memref_squeeze %dma_wait3A_67 : memref<1x1x2x128xi32, #tpu.memory_space<hbm>> -> memref<2x128xi32, #tpu.memory_space<hbm>>
    %dma_wait3A_69 = arith.constant 0 : i32
    %dma_wait3A_70 = arith.constant 0 : i32
    %dma_wait3A_71 = tpu.memref_slice %arg6[%dma_wait3A_69, %dma_wait3A_70] : memref<8x128xi32, #tpu.memory_space<vmem>> -> memref<2x128xi32, #tpu.memory_space<vmem>>
    %dma_wait3A_72 = arith.constant 0 : i32
    %dma_wait3A_73 = arith.constant 0 : i32
    %dma_wait3A_74 = tpu.memref_slice %arg3[%add3A, %dma_wait3A, %dma_wait3A_72, %dma_wait3A_73] : memref<32x80x2x128xi32, #tpu.memory_space<hbm>> -> memref<1x1x2x128xi32, #tpu.memory_space<hbm>>
    %dma_wait3A_75 = tpu.memref_squeeze %dma_wait3A_74 : memref<1x1x2x128xi32, #tpu.memory_space<hbm>> -> memref<2x128xi32, #tpu.memory_space<hbm>>
    tpu.wait_dma2 semaphore(%arg14 : memref<!tpu.dma_semaphore, #tpu.memory_space<semaphore_mem>>) src(%dma_wait3A_75 : memref<2x128xi32, #tpu.memory_space<hbm>>) dst(%dma_wait3A_71 : memref<2x128xi32, #tpu.memory_space<vmem>>)
    %dma_start3A_76 = arith.constant 0 : i32
    %dma_start3A_77 = arith.constant 0 : i32
    %dma_start3A_78 = tpu.memref_slice %arg6[%dma_start3A_76, %dma_start3A_77] : memref<8x128xi32, #tpu.memory_space<vmem>> -> memref<1x128xi32, #tpu.memory_space<vmem>>
    %dma_start3A_79 = tpu.memref_squeeze %dma_start3A_78 : memref<1x128xi32, #tpu.memory_space<vmem>> -> memref<128xi32, #tpu.memory_space<vmem>>
    %dma_start3A_80 = arith.constant 0 : i32
    %dma_start3A_81 = arith.constant 0 : i32
    %dma_start3A_82 = tpu.memref_slice %arg2[%dma_start3A_80, %dma_start3A_81] : memref<10240x64xf32, #tpu.memory_space<hbm>> -> memref<10240x64xf32, #tpu.memory_space<hbm>>
    tpu.enqueue_indirect_dma source(%dma_start3A_82 : memref<10240x64xf32, #tpu.memory_space<hbm>>) target(%arg7 : memref<128x64xf32, #tpu.memory_space<vmem>>) offsets(%dma_start3A_79 : memref<128xi32, #tpu.memory_space<vmem>>) semaphore(%arg12 : memref<!tpu.dma_semaphore, #tpu.memory_space<semaphore_mem>>)
    %dma_wait3A_83 = arith.constant 1 : i32
    %dma_wait3A_84 = arith.constant 2 : i32
    %dma_wait3A_85 = arith.constant 0 : i32
    %dma_wait3A_86 = tpu.memref_slice %arg6[%dma_wait3A_84, %dma_wait3A_85] : memref<8x128xi32, #tpu.memory_space<vmem>> -> memref<2x128xi32, #tpu.memory_space<vmem>>
    %dma_wait3A_87 = arith.constant 0 : i32
    %dma_wait3A_88 = arith.constant 0 : i32
    %dma_wait3A_89 = tpu.memref_slice %arg3[%add3A, %dma_wait3A_83, %dma_wait3A_87, %dma_wait3A_88] : memref<32x80x2x128xi32, #tpu.memory_space<hbm>> -> memref<1x1x2x128xi32, #tpu.memory_space<hbm>>
    %dma_wait3A_90 = tpu.memref_squeeze %dma_wait3A_89 : memref<1x1x2x128xi32, #tpu.memory_space<hbm>> -> memref<2x128xi32, #tpu.memory_space<hbm>>
    %dma_wait3A_91 = arith.constant 2 : i32
    %dma_wait3A_92 = arith.constant 0 : i32
    %dma_wait3A_93 = tpu.memref_slice %arg6[%dma_wait3A_91, %dma_wait3A_92] : memref<8x128xi32, #tpu.memory_space<vmem>> -> memref<2x128xi32, #tpu.memory_space<vmem>>
    %dma_wait3A_94 = arith.constant 0 : i32
    %dma_wait3A_95 = arith.constant 0 : i32
    %dma_wait3A_96 = tpu.memref_slice %arg3[%add3A, %dma_wait3A_83, %dma_wait3A_94, %dma_wait3A_95] : memref<32x80x2x128xi32, #tpu.memory_space<hbm>> -> memref<1x1x2x128xi32, #tpu.memory_space<hbm>>
    %dma_wait3A_97 = tpu.memref_squeeze %dma_wait3A_96 : memref<1x1x2x128xi32, #tpu.memory_space<hbm>> -> memref<2x128xi32, #tpu.memory_space<hbm>>
    tpu.wait_dma2 semaphore(%arg15 : memref<!tpu.dma_semaphore, #tpu.memory_space<semaphore_mem>>) src(%dma_wait3A_97 : memref<2x128xi32, #tpu.memory_space<hbm>>) dst(%dma_wait3A_93 : memref<2x128xi32, #tpu.memory_space<vmem>>)
    %dma_start3A_98 = arith.constant 2 : i32
    %dma_start3A_99 = arith.constant 0 : i32
    %dma_start3A_100 = tpu.memref_slice %arg6[%dma_start3A_98, %dma_start3A_99] : memref<8x128xi32, #tpu.memory_space<vmem>> -> memref<1x128xi32, #tpu.memory_space<vmem>>
    %dma_start3A_101 = tpu.memref_squeeze %dma_start3A_100 : memref<1x128xi32, #tpu.memory_space<vmem>> -> memref<128xi32, #tpu.memory_space<vmem>>
    %dma_start3A_102 = arith.constant 0 : i32
    %dma_start3A_103 = arith.constant 0 : i32
    %dma_start3A_104 = tpu.memref_slice %arg2[%dma_start3A_102, %dma_start3A_103] : memref<10240x64xf32, #tpu.memory_space<hbm>> -> memref<10240x64xf32, #tpu.memory_space<hbm>>
    tpu.enqueue_indirect_dma source(%dma_start3A_104 : memref<10240x64xf32, #tpu.memory_space<hbm>>) target(%arg8 : memref<128x64xf32, #tpu.memory_space<vmem>>) offsets(%dma_start3A_101 : memref<128xi32, #tpu.memory_space<vmem>>) semaphore(%arg13 : memref<!tpu.dma_semaphore, #tpu.memory_space<semaphore_mem>>)
    %dma_wait3A_105 = arith.constant 0 : i32
    %dma_wait3A_106 = arith.constant 0 : i32
    %dma_wait3A_107 = tpu.memref_slice %arg6[%dma_wait3A_105, %dma_wait3A_106] : memref<8x128xi32, #tpu.memory_space<vmem>> -> memref<1x128xi32, #tpu.memory_space<vmem>>
    %dma_wait3A_108 = tpu.memref_squeeze %dma_wait3A_107 : memref<1x128xi32, #tpu.memory_space<vmem>> -> memref<128xi32, #tpu.memory_space<vmem>>
    %dma_wait3A_109 = arith.constant 0 : i32
    %dma_wait3A_110 = arith.constant 0 : i32
    %dma_wait3A_111 = tpu.memref_slice %arg2[%dma_wait3A_109, %dma_wait3A_110] : memref<10240x64xf32, #tpu.memory_space<hbm>> -> memref<10240x64xf32, #tpu.memory_space<hbm>>
    tpu.wait_indirect_dma semaphore(%arg12 : memref<!tpu.dma_semaphore, #tpu.memory_space<semaphore_mem>>) src(%dma_wait3A_111 : memref<10240x64xf32, #tpu.memory_space<hbm>>) dst(%arg7 : memref<128x64xf32, #tpu.memory_space<vmem>>)
    %dma_start3A_112 = arith.constant 1 : i32
    %dma_start3A_113 = arith.constant 0 : i32
    %dma_start3A_114 = tpu.memref_slice %arg6[%dma_start3A_112, %dma_start3A_113] : memref<8x128xi32, #tpu.memory_space<vmem>> -> memref<1x128xi32, #tpu.memory_space<vmem>>
    %dma_start3A_115 = tpu.memref_squeeze %dma_start3A_114 : memref<1x128xi32, #tpu.memory_space<vmem>> -> memref<128xi32, #tpu.memory_space<vmem>>
    %dma_start3A_116 = arith.constant 0 : i32
    %dma_start3A_117 = arith.constant 0 : i32
    %dma_start3A_118 = tpu.memref_slice %arg10[%dma_start3A_116, %dma_start3A_117] : memref<10240x64xf32, #tpu.memory_space<vmem_shared>> -> memref<10240x64xf32, #tpu.memory_space<vmem_shared>>
    tpu.enqueue_indirect_dma source(%arg7 : memref<128x64xf32, #tpu.memory_space<vmem>>) target(%dma_start3A_118 : memref<10240x64xf32, #tpu.memory_space<vmem_shared>>) offsets(%dma_start3A_115 : memref<128xi32, #tpu.memory_space<vmem>>) semaphore(%arg18 : memref<!tpu.dma_semaphore, #tpu.memory_space<semaphore_mem>>) {add = true}
    %dma_wait3A_119 = arith.constant 2 : i32
    %dma_wait3A_120 = arith.constant 4 : i32
    %dma_wait3A_121 = arith.constant 0 : i32
    %dma_wait3A_122 = tpu.memref_slice %arg6[%dma_wait3A_120, %dma_wait3A_121] : memref<8x128xi32, #tpu.memory_space<vmem>> -> memref<2x128xi32, #tpu.memory_space<vmem>>
    %dma_wait3A_123 = arith.constant 0 : i32
    %dma_wait3A_124 = arith.constant 0 : i32
    %dma_wait3A_125 = tpu.memref_slice %arg3[%add3A, %dma_wait3A_119, %dma_wait3A_123, %dma_wait3A_124] : memref<32x80x2x128xi32, #tpu.memory_space<hbm>> -> memref<1x1x2x128xi32, #tpu.memory_space<hbm>>
    %dma_wait3A_126 = tpu.memref_squeeze %dma_wait3A_125 : memref<1x1x2x128xi32, #tpu.memory_space<hbm>> -> memref<2x128xi32, #tpu.memory_space<hbm>>
    %dma_wait3A_127 = arith.constant 4 : i32
    %dma_wait3A_128 = arith.constant 0 : i32
    %dma_wait3A_129 = tpu.memref_slice %arg6[%dma_wait3A_127, %dma_wait3A_128] : memref<8x128xi32, #tpu.memory_space<vmem>> -> memref<2x128xi32, #tpu.memory_space<vmem>>
    %dma_wait3A_130 = arith.constant 0 : i32
    %dma_wait3A_131 = arith.constant 0 : i32
    %dma_wait3A_132 = tpu.memref_slice %arg3[%add3A, %dma_wait3A_119, %dma_wait3A_130, %dma_wait3A_131] : memref<32x80x2x128xi32, #tpu.memory_space<hbm>> -> memref<1x1x2x128xi32, #tpu.memory_space<hbm>>
    %dma_wait3A_133 = tpu.memref_squeeze %dma_wait3A_132 : memref<1x1x2x128xi32, #tpu.memory_space<hbm>> -> memref<2x128xi32, #tpu.memory_space<hbm>>
    tpu.wait_dma2 semaphore(%arg16 : memref<!tpu.dma_semaphore, #tpu.memory_space<semaphore_mem>>) src(%dma_wait3A_133 : memref<2x128xi32, #tpu.memory_space<hbm>>) dst(%dma_wait3A_129 : memref<2x128xi32, #tpu.memory_space<vmem>>)
    %dma_wait3A_134 = arith.constant 1 : i32
    %dma_wait3A_135 = arith.constant 0 : i32
    %dma_wait3A_136 = tpu.memref_slice %arg6[%dma_wait3A_134, %dma_wait3A_135] : memref<8x128xi32, #tpu.memory_space<vmem>> -> memref<1x128xi32, #tpu.memory_space<vmem>>
    %dma_wait3A_137 = tpu.memref_squeeze %dma_wait3A_136 : memref<1x128xi32, #tpu.memory_space<vmem>> -> memref<128xi32, #tpu.memory_space<vmem>>
    %dma_wait3A_138 = arith.constant 0 : i32
    %dma_wait3A_139 = arith.constant 0 : i32
    %dma_wait3A_140 = tpu.memref_slice %arg10[%dma_wait3A_138, %dma_wait3A_139] : memref<10240x64xf32, #tpu.memory_space<vmem_shared>> -> memref<10240x64xf32, #tpu.memory_space<vmem_shared>>
    tpu.wait_indirect_dma semaphore(%arg18 : memref<!tpu.dma_semaphore, #tpu.memory_space<semaphore_mem>>) src(%arg7 : memref<128x64xf32, #tpu.memory_space<vmem>>) dst(%dma_wait3A_140 : memref<10240x64xf32, #tpu.memory_space<vmem_shared>>)
    %dma_start3A_141 = arith.constant 4 : i32
    %dma_start3A_142 = arith.constant 0 : i32
    %dma_start3A_143 = tpu.memref_slice %arg6[%dma_start3A_141, %dma_start3A_142] : memref<8x128xi32, #tpu.memory_space<vmem>> -> memref<1x128xi32, #tpu.memory_space<vmem>>
    %dma_start3A_144 = tpu.memref_squeeze %dma_start3A_143 : memref<1x128xi32, #tpu.memory_space<vmem>> -> memref<128xi32, #tpu.memory_space<vmem>>
    %dma_start3A_145 = arith.constant 0 : i32
    %dma_start3A_146 = arith.constant 0 : i32
    %dma_start3A_147 = tpu.memref_slice %arg2[%dma_start3A_145, %dma_start3A_146] : memref<10240x64xf32, #tpu.memory_space<hbm>> -> memref<10240x64xf32, #tpu.memory_space<hbm>>
    tpu.enqueue_indirect_dma source(%dma_start3A_147 : memref<10240x64xf32, #tpu.memory_space<hbm>>) target(%arg7 : memref<128x64xf32, #tpu.memory_space<vmem>>) offsets(%dma_start3A_144 : memref<128xi32, #tpu.memory_space<vmem>>) semaphore(%arg12 : memref<!tpu.dma_semaphore, #tpu.memory_space<semaphore_mem>>)
    %dma_start3A_148 = arith.constant 4 : i32
    %dma_start3A_149 = arith.constant 0 : i32
    %dma_start3A_150 = arith.constant 0 : i32
    %dma_start3A_151 = tpu.memref_slice %arg6[%dma_start3A_149, %dma_start3A_150] : memref<8x128xi32, #tpu.memory_space<vmem>> -> memref<2x128xi32, #tpu.memory_space<vmem>>
    %dma_start3A_152 = arith.constant 0 : i32
    %dma_start3A_153 = arith.constant 0 : i32
    %dma_start3A_154 = tpu.memref_slice %arg3[%add3A, %dma_start3A_148, %dma_start3A_152, %dma_start3A_153] : memref<32x80x2x128xi32, #tpu.memory_space<hbm>> -> memref<1x1x2x128xi32, #tpu.memory_space<hbm>>
    %dma_start3A_155 = tpu.memref_squeeze %dma_start3A_154 : memref<1x1x2x128xi32, #tpu.memory_space<hbm>> -> memref<2x128xi32, #tpu.memory_space<hbm>>
    %dma_start3A_156 = arith.constant 0 : i32
    %dma_start3A_157 = arith.constant 0 : i32
    %dma_start3A_158 = tpu.memref_slice %arg6[%dma_start3A_156, %dma_start3A_157] : memref<8x128xi32, #tpu.memory_space<vmem>> -> memref<2x128xi32, #tpu.memory_space<vmem>>
    %dma_start3A_159 = arith.constant 0 : i32
    %dma_start3A_160 = arith.constant 0 : i32
    %dma_start3A_161 = tpu.memref_slice %arg3[%add3A, %dma_start3A_148, %dma_start3A_159, %dma_start3A_160] : memref<32x80x2x128xi32, #tpu.memory_space<hbm>> -> memref<1x1x2x128xi32, #tpu.memory_space<hbm>>
    %dma_start3A_162 = tpu.memref_squeeze %dma_start3A_161 : memref<1x1x2x128xi32, #tpu.memory_space<hbm>> -> memref<2x128xi32, #tpu.memory_space<hbm>>
    tpu.enqueue_dma source(%dma_start3A_162 : memref<2x128xi32, #tpu.memory_space<hbm>>) target(%dma_start3A_158 : memref<2x128xi32, #tpu.memory_space<vmem>>) target_semaphore(%arg14 : memref<!tpu.dma_semaphore, #tpu.memory_space<semaphore_mem>>)
    %dma_wait3A_163 = arith.constant 2 : i32
    %dma_wait3A_164 = arith.constant 0 : i32
    %dma_wait3A_165 = tpu.memref_slice %arg6[%dma_wait3A_163, %dma_wait3A_164] : memref<8x128xi32, #tpu.memory_space<vmem>> -> memref<1x128xi32, #tpu.memory_space<vmem>>
    %dma_wait3A_166 = tpu.memref_squeeze %dma_wait3A_165 : memref<1x128xi32, #tpu.memory_space<vmem>> -> memref<128xi32, #tpu.memory_space<vmem>>
    %dma_wait3A_167 = arith.constant 0 : i32
    %dma_wait3A_168 = arith.constant 0 : i32
    %dma_wait3A_169 = tpu.memref_slice %arg2[%dma_wait3A_167, %dma_wait3A_168] : memref<10240x64xf32, #tpu.memory_space<hbm>> -> memref<10240x64xf32, #tpu.memory_space<hbm>>
    tpu.wait_indirect_dma semaphore(%arg13 : memref<!tpu.dma_semaphore, #tpu.memory_space<semaphore_mem>>) src(%dma_wait3A_169 : memref<10240x64xf32, #tpu.memory_space<hbm>>) dst(%arg8 : memref<128x64xf32, #tpu.memory_space<vmem>>)
    %dma_start3A_170 = arith.constant 3 : i32
    %dma_start3A_171 = arith.constant 0 : i32
    %dma_start3A_172 = tpu.memref_slice %arg6[%dma_start3A_170, %dma_start3A_171] : memref<8x128xi32, #tpu.memory_space<vmem>> -> memref<1x128xi32, #tpu.memory_space<vmem>>
    %dma_start3A_173 = tpu.memref_squeeze %dma_start3A_172 : memref<1x128xi32, #tpu.memory_space<vmem>> -> memref<128xi32, #tpu.memory_space<vmem>>
    %dma_start3A_174 = arith.constant 0 : i32
    %dma_start3A_175 = arith.constant 0 : i32
    %dma_start3A_176 = tpu.memref_slice %arg10[%dma_start3A_174, %dma_start3A_175] : memref<10240x64xf32, #tpu.memory_space<vmem_shared>> -> memref<10240x64xf32, #tpu.memory_space<vmem_shared>>
    tpu.enqueue_indirect_dma source(%arg8 : memref<128x64xf32, #tpu.memory_space<vmem>>) target(%dma_start3A_176 : memref<10240x64xf32, #tpu.memory_space<vmem_shared>>) offsets(%dma_start3A_173 : memref<128xi32, #tpu.memory_space<vmem>>) semaphore(%arg19 : memref<!tpu.dma_semaphore, #tpu.memory_space<semaphore_mem>>) {add = true}
    %dma_wait3A_177 = arith.constant 3 : i32
    %dma_wait3A_178 = arith.constant 6 : i32
    %dma_wait3A_179 = arith.constant 0 : i32
    %dma_wait3A_180 = tpu.memref_slice %arg6[%dma_wait3A_178, %dma_wait3A_179] : memref<8x128xi32, #tpu.memory_space<vmem>> -> memref<2x128xi32, #tpu.memory_space<vmem>>
    %dma_wait3A_181 = arith.constant 0 : i32
    %dma_wait3A_182 = arith.constant 0 : i32
    %dma_wait3A_183 = tpu.memref_slice %arg3[%add3A, %dma_wait3A_177, %dma_wait3A_181, %dma_wait3A_182] : memref<32x80x2x128xi32, #tpu.memory_space<hbm>> -> memref<1x1x2x128xi32, #tpu.memory_space<hbm>>
    %dma_wait3A_184 = tpu.memref_squeeze %dma_wait3A_183 : memref<1x1x2x128xi32, #tpu.memory_space<hbm>> -> memref<2x128xi32, #tpu.memory_space<hbm>>
    %dma_wait3A_185 = arith.constant 6 : i32
    %dma_wait3A_186 = arith.constant 0 : i32
    %dma_wait3A_187 = tpu.memref_slice %arg6[%dma_wait3A_185, %dma_wait3A_186] : memref<8x128xi32, #tpu.memory_space<vmem>> -> memref<2x128xi32, #tpu.memory_space<vmem>>
    %dma_wait3A_188 = arith.constant 0 : i32
    %dma_wait3A_189 = arith.constant 0 : i32
    %dma_wait3A_190 = tpu.memref_slice %arg3[%add3A, %dma_wait3A_177, %dma_wait3A_188, %dma_wait3A_189] : memref<32x80x2x128xi32, #tpu.memory_space<hbm>> -> memref<1x1x2x128xi32, #tpu.memory_space<hbm>>
    %dma_wait3A_191 = tpu.memref_squeeze %dma_wait3A_190 : memref<1x1x2x128xi32, #tpu.memory_space<hbm>> -> memref<2x128xi32, #tpu.memory_space<hbm>>
    tpu.wait_dma2 semaphore(%arg17 : memref<!tpu.dma_semaphore, #tpu.memory_space<semaphore_mem>>) src(%dma_wait3A_191 : memref<2x128xi32, #tpu.memory_space<hbm>>) dst(%dma_wait3A_187 : memref<2x128xi32, #tpu.memory_space<vmem>>)
    %dma_wait3A_192 = arith.constant 3 : i32
    %dma_wait3A_193 = arith.constant 0 : i32
    %dma_wait3A_194 = tpu.memref_slice %arg6[%dma_wait3A_192, %dma_wait3A_193] : memref<8x128xi32, #tpu.memory_space<vmem>> -> memref<1x128xi32, #tpu.memory_space<vmem>>
    %dma_wait3A_195 = tpu.memref_squeeze %dma_wait3A_194 : memref<1x128xi32, #tpu.memory_space<vmem>> -> memref<128xi32, #tpu.memory_space<vmem>>
    %dma_wait3A_196 = arith.constant 0 : i32
    %dma_wait3A_197 = arith.constant 0 : i32
    %dma_wait3A_198 = tpu.memref_slice %arg10[%dma_wait3A_196, %dma_wait3A_197] : memref<10240x64xf32, #tpu.memory_space<vmem_shared>> -> memref<10240x64xf32, #tpu.memory_space<vmem_shared>>
    tpu.wait_indirect_dma semaphore(%arg19 : memref<!tpu.dma_semaphore, #tpu.memory_space<semaphore_mem>>) src(%arg8 : memref<128x64xf32, #tpu.memory_space<vmem>>) dst(%dma_wait3A_198 : memref<10240x64xf32, #tpu.memory_space<vmem_shared>>)
    %dma_start3A_199 = arith.constant 6 : i32
    %dma_start3A_200 = arith.constant 0 : i32
    %dma_start3A_201 = tpu.memref_slice %arg6[%dma_start3A_199, %dma_start3A_200] : memref<8x128xi32, #tpu.memory_space<vmem>> -> memref<1x128xi32, #tpu.memory_space<vmem>>
    %dma_start3A_202 = tpu.memref_squeeze %dma_start3A_201 : memref<1x128xi32, #tpu.memory_space<vmem>> -> memref<128xi32, #tpu.memory_space<vmem>>
    %dma_start3A_203 = arith.constant 0 : i32
    %dma_start3A_204 = arith.constant 0 : i32
    %dma_start3A_205 = tpu.memref_slice %arg2[%dma_start3A_203, %dma_start3A_204] : memref<10240x64xf32, #tpu.memory_space<hbm>> -> memref<10240x64xf32, #tpu.memory_space<hbm>>
    tpu.enqueue_indirect_dma source(%dma_start3A_205 : memref<10240x64xf32, #tpu.memory_space<hbm>>) target(%arg8 : memref<128x64xf32, #tpu.memory_space<vmem>>) offsets(%dma_start3A_202 : memref<128xi32, #tpu.memory_space<vmem>>) semaphore(%arg13 : memref<!tpu.dma_semaphore, #tpu.memory_space<semaphore_mem>>)
    %dma_start3A_206 = arith.constant 5 : i32
    %dma_start3A_207 = arith.constant 2 : i32
    %dma_start3A_208 = arith.constant 0 : i32
    %dma_start3A_209 = tpu.memref_slice %arg6[%dma_start3A_207, %dma_start3A_208] : memref<8x128xi32, #tpu.memory_space<vmem>> -> memref<2x128xi32, #tpu.memory_space<vmem>>
    %dma_start3A_210 = arith.constant 0 : i32
    %dma_start3A_211 = arith.constant 0 : i32
    %dma_start3A_212 = tpu.memref_slice %arg3[%add3A, %dma_start3A_206, %dma_start3A_210, %dma_start3A_211] : memref<32x80x2x128xi32, #tpu.memory_space<hbm>> -> memref<1x1x2x128xi32, #tpu.memory_space<hbm>>
    %dma_start3A_213 = tpu.memref_squeeze %dma_start3A_212 : memref<1x1x2x128xi32, #tpu.memory_space<hbm>> -> memref<2x128xi32, #tpu.memory_space<hbm>>
    %dma_start3A_214 = arith.constant 2 : i32
    %dma_start3A_215 = arith.constant 0 : i32
    %dma_start3A_216 = tpu.memref_slice %arg6[%dma_start3A_214, %dma_start3A_215] : memref<8x128xi32, #tpu.memory_space<vmem>> -> memref<2x128xi32, #tpu.memory_space<vmem>>
    %dma_start3A_217 = arith.constant 0 : i32
    %dma_start3A_218 = arith.constant 0 : i32
    %dma_start3A_219 = tpu.memref_slice %arg3[%add3A, %dma_start3A_206, %dma_start3A_217, %dma_start3A_218] : memref<32x80x2x128xi32, #tpu.memory_space<hbm>> -> memref<1x1x2x128xi32, #tpu.memory_space<hbm>>
    %dma_start3A_220 = tpu.memref_squeeze %dma_start3A_219 : memref<1x1x2x128xi32, #tpu.memory_space<hbm>> -> memref<2x128xi32, #tpu.memory_space<hbm>>
    tpu.enqueue_dma source(%dma_start3A_220 : memref<2x128xi32, #tpu.memory_space<hbm>>) target(%dma_start3A_216 : memref<2x128xi32, #tpu.memory_space<vmem>>) target_semaphore(%arg15 : memref<!tpu.dma_semaphore, #tpu.memory_space<semaphore_mem>>)
    %dma_wait3A_221 = arith.constant 4 : i32
    %dma_wait3A_222 = arith.constant 0 : i32
    %dma_wait3A_223 = tpu.memref_slice %arg6[%dma_wait3A_221, %dma_wait3A_222] : memref<8x128xi32, #tpu.memory_space<vmem>> -> memref<1x128xi32, #tpu.memory_space<vmem>>
    %dma_wait3A_224 = tpu.memref_squeeze %dma_wait3A_223 : memref<1x128xi32, #tpu.memory_space<vmem>> -> memref<128xi32, #tpu.memory_space<vmem>>
    %dma_wait3A_225 = arith.constant 0 : i32
    %dma_wait3A_226 = arith.constant 0 : i32
    %dma_wait3A_227 = tpu.memref_slice %arg2[%dma_wait3A_225, %dma_wait3A_226] : memref<10240x64xf32, #tpu.memory_space<hbm>> -> memref<10240x64xf32, #tpu.memory_space<hbm>>
    tpu.wait_indirect_dma semaphore(%arg12 : memref<!tpu.dma_semaphore, #tpu.memory_space<semaphore_mem>>) src(%dma_wait3A_227 : memref<10240x64xf32, #tpu.memory_space<hbm>>) dst(%arg7 : memref<128x64xf32, #tpu.memory_space<vmem>>)
    %dma_start3A_228 = arith.constant 5 : i32
    %dma_start3A_229 = arith.constant 0 : i32
    %dma_start3A_230 = tpu.memref_slice %arg6[%dma_start3A_228, %dma_start3A_229] : memref<8x128xi32, #tpu.memory_space<vmem>> -> memref<1x128xi32, #tpu.memory_space<vmem>>
    %dma_start3A_231 = tpu.memref_squeeze %dma_start3A_230 : memref<1x128xi32, #tpu.memory_space<vmem>> -> memref<128xi32, #tpu.memory_space<vmem>>
    %dma_start3A_232 = arith.constant 0 : i32
    %dma_start3A_233 = arith.constant 0 : i32
    %dma_start3A_234 = tpu.memref_slice %arg10[%dma_start3A_232, %dma_start3A_233] : memref<10240x64xf32, #tpu.memory_space<vmem_shared>> -> memref<10240x64xf32, #tpu.memory_space<vmem_shared>>
    tpu.enqueue_indirect_dma source(%arg7 : memref<128x64xf32, #tpu.memory_space<vmem>>) target(%dma_start3A_234 : memref<10240x64xf32, #tpu.memory_space<vmem_shared>>) offsets(%dma_start3A_231 : memref<128xi32, #tpu.memory_space<vmem>>) semaphore(%arg18 : memref<!tpu.dma_semaphore, #tpu.memory_space<semaphore_mem>>) {add = true}
    %dma_wait3A_235 = arith.constant 4 : i32
    %dma_wait3A_236 = arith.constant 0 : i32
    %dma_wait3A_237 = arith.constant 0 : i32
    %dma_wait3A_238 = tpu.memref_slice %arg6[%dma_wait3A_236, %dma_wait3A_237] : memref<8x128xi32, #tpu.memory_space<vmem>> -> memref<2x128xi32, #tpu.memory_space<vmem>>
    %dma_wait3A_239 = arith.constant 0 : i32
    %dma_wait3A_240 = arith.constant 0 : i32
    %dma_wait3A_241 = tpu.memref_slice %arg3[%add3A, %dma_wait3A_235, %dma_wait3A_239, %dma_wait3A_240] : memref<32x80x2x128xi32, #tpu.memory_space<hbm>> -> memref<1x1x2x128xi32, #tpu.memory_space<hbm>>
    %dma_wait3A_242 = tpu.memref_squeeze %dma_wait3A_241 : memref<1x1x2x128xi32, #tpu.memory_space<hbm>> -> memref<2x128xi32, #tpu.memory_space<hbm>>
    %dma_wait3A_243 = arith.constant 0 : i32
    %dma_wait3A_244 = arith.constant 0 : i32
    %dma_wait3A_245 = tpu.memref_slice %arg6[%dma_wait3A_243, %dma_wait3A_244] : memref<8x128xi32, #tpu.memory_space<vmem>> -> memref<2x128xi32, #tpu.memory_space<vmem>>
    %dma_wait3A_246 = arith.constant 0 : i32
    %dma_wait3A_247 = arith.constant 0 : i32
    %dma_wait3A_248 = tpu.memref_slice %arg3[%add3A, %dma_wait3A_235, %dma_wait3A_246, %dma_wait3A_247] : memref<32x80x2x128xi32, #tpu.memory_space<hbm>> -> memref<1x1x2x128xi32, #tpu.memory_space<hbm>>
    %dma_wait3A_249 = tpu.memref_squeeze %dma_wait3A_248 : memref<1x1x2x128xi32, #tpu.memory_space<hbm>> -> memref<2x128xi32, #tpu.memory_space<hbm>>
    tpu.wait_dma2 semaphore(%arg14 : memref<!tpu.dma_semaphore, #tpu.memory_space<semaphore_mem>>) src(%dma_wait3A_249 : memref<2x128xi32, #tpu.memory_space<hbm>>) dst(%dma_wait3A_245 : memref<2x128xi32, #tpu.memory_space<vmem>>)
    %dma_wait3A_250 = arith.constant 5 : i32
    %dma_wait3A_251 = arith.constant 0 : i32
    %dma_wait3A_252 = tpu.memref_slice %arg6[%dma_wait3A_250, %dma_wait3A_251] : memref<8x128xi32, #tpu.memory_space<vmem>> -> memref<1x128xi32, #tpu.memory_space<vmem>>
    %dma_wait3A_253 = tpu.memref_squeeze %dma_wait3A_252 : memref<1x128xi32, #tpu.memory_space<vmem>> -> memref<128xi32, #tpu.memory_space<vmem>>
    %dma_wait3A_254 = arith.constant 0 : i32
    %dma_wait3A_255 = arith.constant 0 : i32
    %dma_wait3A_256 = tpu.memref_slice %arg10[%dma_wait3A_254, %dma_wait3A_255] : memref<10240x64xf32, #tpu.memory_space<vmem_shared>> -> memref<10240x64xf32, #tpu.memory_space<vmem_shared>>
    tpu.wait_indirect_dma semaphore(%arg18 : memref<!tpu.dma_semaphore, #tpu.memory_space<semaphore_mem>>) src(%arg7 : memref<128x64xf32, #tpu.memory_space<vmem>>) dst(%dma_wait3A_256 : memref<10240x64xf32, #tpu.memory_space<vmem_shared>>)
    %dma_start3A_257 = arith.constant 0 : i32
    %dma_start3A_258 = arith.constant 0 : i32
    %dma_start3A_259 = tpu.memref_slice %arg6[%dma_start3A_257, %dma_start3A_258] : memref<8x128xi32, #tpu.memory_space<vmem>> -> memref<1x128xi32, #tpu.memory_space<vmem>>
    %dma_start3A_260 = tpu.memref_squeeze %dma_start3A_259 : memref<1x128xi32, #tpu.memory_space<vmem>> -> memref<128xi32, #tpu.memory_space<vmem>>
    %dma_start3A_261 = arith.constant 0 : i32
    %dma_start3A_262 = arith.constant 0 : i32
    %dma_start3A_263 = tpu.memref_slice %arg2[%dma_start3A_261, %dma_start3A_262] : memref<10240x64xf32, #tpu.memory_space<hbm>> -> memref<10240x64xf32, #tpu.memory_space<hbm>>
    tpu.enqueue_indirect_dma source(%dma_start3A_263 : memref<10240x64xf32, #tpu.memory_space<hbm>>) target(%arg7 : memref<128x64xf32, #tpu.memory_space<vmem>>) offsets(%dma_start3A_260 : memref<128xi32, #tpu.memory_space<vmem>>) semaphore(%arg12 : memref<!tpu.dma_semaphore, #tpu.memory_space<semaphore_mem>>)
    %dma_start3A_264 = arith.constant 6 : i32
    %dma_start3A_265 = arith.constant 4 : i32
    %dma_start3A_266 = arith.constant 0 : i32
    %dma_start3A_267 = tpu.memref_slice %arg6[%dma_start3A_265, %dma_start3A_266] : memref<8x128xi32, #tpu.memory_space<vmem>> -> memref<2x128xi32, #tpu.memory_space<vmem>>
    %dma_start3A_268 = arith.constant 0 : i32
    %dma_start3A_269 = arith.constant 0 : i32
    %dma_start3A_270 = tpu.memref_slice %arg3[%add3A, %dma_start3A_264, %dma_start3A_268, %dma_start3A_269] : memref<32x80x2x128xi32, #tpu.memory_space<hbm>> -> memref<1x1x2x128xi32, #tpu.memory_space<hbm>>
    %dma_start3A_271 = tpu.memref_squeeze %dma_start3A_270 : memref<1x1x2x128xi32, #tpu.memory_space<hbm>> -> memref<2x128xi32, #tpu.memory_space<hbm>>
    %dma_start3A_272 = arith.constant 4 : i32
    %dma_start3A_273 = arith.constant 0 : i32
    %dma_start3A_274 = tpu.memref_slice %arg6[%dma_start3A_272, %dma_start3A_273] : memref<8x128xi32, #tpu.memory_space<vmem>> -> memref<2x128xi32, #tpu.memory_space<vmem>>
    %dma_start3A_275 = arith.constant 0 : i32
    %dma_start3A_276 = arith.constant 0 : i32
    %dma_start3A_277 = tpu.memref_slice %arg3[%add3A, %dma_start3A_264, %dma_start3A_275, %dma_start3A_276] : memref<32x80x2x128xi32, #tpu.memory_space<hbm>> -> memref<1x1x2x128xi32, #tpu.memory_space<hbm>>
    %dma_start3A_278 = tpu.memref_squeeze %dma_start3A_277 : memref<1x1x2x128xi32, #tpu.memory_space<hbm>> -> memref<2x128xi32, #tpu.memory_space<hbm>>
    tpu.enqueue_dma source(%dma_start3A_278 : memref<2x128xi32, #tpu.memory_space<hbm>>) target(%dma_start3A_274 : memref<2x128xi32, #tpu.memory_space<vmem>>) target_semaphore(%arg16 : memref<!tpu.dma_semaphore, #tpu.memory_space<semaphore_mem>>)
    %dma_wait3A_279 = arith.constant 6 : i32
    %dma_wait3A_280 = arith.constant 0 : i32
    %dma_wait3A_281 = tpu.memref_slice %arg6[%dma_wait3A_279, %dma_wait3A_280] : memref<8x128xi32, #tpu.memory_space<vmem>> -> memref<1x128xi32, #tpu.memory_space<vmem>>
    %dma_wait3A_282 = tpu.memref_squeeze %dma_wait3A_281 : memref<1x128xi32, #tpu.memory_space<vmem>> -> memref<128xi32, #tpu.memory_space<vmem>>
    %dma_wait3A_283 = arith.constant 0 : i32
    %dma_wait3A_284 = arith.constant 0 : i32
    %dma_wait3A_285 = tpu.memref_slice %arg2[%dma_wait3A_283, %dma_wait3A_284] : memref<10240x64xf32, #tpu.memory_space<hbm>> -> memref<10240x64xf32, #tpu.memory_space<hbm>>
    tpu.wait_indirect_dma semaphore(%arg13 : memref<!tpu.dma_semaphore, #tpu.memory_space<semaphore_mem>>) src(%dma_wait3A_285 : memref<10240x64xf32, #tpu.memory_space<hbm>>) dst(%arg8 : memref<128x64xf32, #tpu.memory_space<vmem>>)
    %dma_start3A_286 = arith.constant 7 : i32
    %dma_start3A_287 = arith.constant 0 : i32
    %dma_start3A_288 = tpu.memref_slice %arg6[%dma_start3A_286, %dma_start3A_287] : memref<8x128xi32, #tpu.memory_space<vmem>> -> memref<1x128xi32, #tpu.memory_space<vmem>>
    %dma_start3A_289 = tpu.memref_squeeze %dma_start3A_288 : memref<1x128xi32, #tpu.memory_space<vmem>> -> memref<128xi32, #tpu.memory_space<vmem>>
    %dma_start3A_290 = arith.constant 0 : i32
    %dma_start3A_291 = arith.constant 0 : i32
    %dma_start3A_292 = tpu.memref_slice %arg10[%dma_start3A_290, %dma_start3A_291] : memref<10240x64xf32, #tpu.memory_space<vmem_shared>> -> memref<10240x64xf32, #tpu.memory_space<vmem_shared>>
    tpu.enqueue_indirect_dma source(%arg8 : memref<128x64xf32, #tpu.memory_space<vmem>>) target(%dma_start3A_292 : memref<10240x64xf32, #tpu.memory_space<vmem_shared>>) offsets(%dma_start3A_289 : memref<128xi32, #tpu.memory_space<vmem>>) semaphore(%arg19 : memref<!tpu.dma_semaphore, #tpu.memory_space<semaphore_mem>>) {add = true}
    %scan3A = arith.constant 0 : i32
    %scan3A_293 = arith.constant 1 : i32
    %scan3A_294 = arith.constant 18 : i32
    %scan3A_295 = arith.addi %scan3A_293, %scan3A_294 : i32
    %scan3A_296 = arith.constant 1 : i32
    scf.for %scan3A_471 = %scan3A_293 to %scan3A_295 step %scan3A_296  : i32 {
      %mul3A_472 = arith.constant 4 : i32
      %mul3A_473 = arith.muli %mul3A_472, %scan3A_471 : i32
      %add3A_474 = arith.constant 0 : i32
      %add3A_475 = arith.addi %mul3A_473, %add3A_474 : i32
      %add3A_476 = arith.constant 1 : i32
      %add3A_477 = arith.addi %add3A_475, %add3A_476 : i32
      %dma_wait3A_478 = arith.constant 2 : i32
      %dma_wait3A_479 = arith.constant 0 : i32
      %dma_wait3A_480 = tpu.memref_slice %arg6[%dma_wait3A_478, %dma_wait3A_479] : memref<8x128xi32, #tpu.memory_space<vmem>> -> memref<2x128xi32, #tpu.memory_space<vmem>>
      %dma_wait3A_481 = arith.constant 0 : i32
      %dma_wait3A_482 = arith.constant 0 : i32
      %dma_wait3A_483 = tpu.memref_slice %arg3[%add3A, %add3A_477, %dma_wait3A_481, %dma_wait3A_482] : memref<32x80x2x128xi32, #tpu.memory_space<hbm>> -> memref<1x1x2x128xi32, #tpu.memory_space<hbm>>
      %dma_wait3A_484 = tpu.memref_squeeze %dma_wait3A_483 : memref<1x1x2x128xi32, #tpu.memory_space<hbm>> -> memref<2x128xi32, #tpu.memory_space<hbm>>
      %dma_wait3A_485 = arith.constant 2 : i32
      %dma_wait3A_486 = arith.constant 0 : i32
      %dma_wait3A_487 = tpu.memref_slice %arg6[%dma_wait3A_485, %dma_wait3A_486] : memref<8x128xi32, #tpu.memory_space<vmem>> -> memref<2x128xi32, #tpu.memory_space<vmem>>
      %dma_wait3A_488 = arith.constant 0 : i32
      %dma_wait3A_489 = arith.constant 0 : i32
      %dma_wait3A_490 = tpu.memref_slice %arg3[%add3A, %add3A_477, %dma_wait3A_488, %dma_wait3A_489] : memref<32x80x2x128xi32, #tpu.memory_space<hbm>> -> memref<1x1x2x128xi32, #tpu.memory_space<hbm>>
      %dma_wait3A_491 = tpu.memref_squeeze %dma_wait3A_490 : memref<1x1x2x128xi32, #tpu.memory_space<hbm>> -> memref<2x128xi32, #tpu.memory_space<hbm>>
      tpu.wait_dma2 semaphore(%arg15 : memref<!tpu.dma_semaphore, #tpu.memory_space<semaphore_mem>>) src(%dma_wait3A_491 : memref<2x128xi32, #tpu.memory_space<hbm>>) dst(%dma_wait3A_487 : memref<2x128xi32, #tpu.memory_space<vmem>>)
      %dma_wait3A_492 = arith.constant 7 : i32
      %dma_wait3A_493 = arith.constant 0 : i32
      %dma_wait3A_494 = tpu.memref_slice %arg6[%dma_wait3A_492, %dma_wait3A_493] : memref<8x128xi32, #tpu.memory_space<vmem>> -> memref<1x128xi32, #tpu.memory_space<vmem>>
      %dma_wait3A_495 = tpu.memref_squeeze %dma_wait3A_494 : memref<1x128xi32, #tpu.memory_space<vmem>> -> memref<128xi32, #tpu.memory_space<vmem>>
      %dma_wait3A_496 = arith.constant 0 : i32
      %dma_wait3A_497 = arith.constant 0 : i32
      %dma_wait3A_498 = tpu.memref_slice %arg10[%dma_wait3A_496, %dma_wait3A_497] : memref<10240x64xf32, #tpu.memory_space<vmem_shared>> -> memref<10240x64xf32, #tpu.memory_space<vmem_shared>>
      tpu.wait_indirect_dma semaphore(%arg19 : memref<!tpu.dma_semaphore, #tpu.memory_space<semaphore_mem>>) src(%arg8 : memref<128x64xf32, #tpu.memory_space<vmem>>) dst(%dma_wait3A_498 : memref<10240x64xf32, #tpu.memory_space<vmem_shared>>)
      %dma_start3A_499 = arith.constant 2 : i32
      %dma_start3A_500 = arith.constant 0 : i32
      %dma_start3A_501 = tpu.memref_slice %arg6[%dma_start3A_499, %dma_start3A_500] : memref<8x128xi32, #tpu.memory_space<vmem>> -> memref<1x128xi32, #tpu.memory_space<vmem>>
      %dma_start3A_502 = tpu.memref_squeeze %dma_start3A_501 : memref<1x128xi32, #tpu.memory_space<vmem>> -> memref<128xi32, #tpu.memory_space<vmem>>
      %dma_start3A_503 = arith.constant 0 : i32
      %dma_start3A_504 = arith.constant 0 : i32
      %dma_start3A_505 = tpu.memref_slice %arg2[%dma_start3A_503, %dma_start3A_504] : memref<10240x64xf32, #tpu.memory_space<hbm>> -> memref<10240x64xf32, #tpu.memory_space<hbm>>
      tpu.enqueue_indirect_dma source(%dma_start3A_505 : memref<10240x64xf32, #tpu.memory_space<hbm>>) target(%arg8 : memref<128x64xf32, #tpu.memory_space<vmem>>) offsets(%dma_start3A_502 : memref<128xi32, #tpu.memory_space<vmem>>) semaphore(%arg13 : memref<!tpu.dma_semaphore, #tpu.memory_space<semaphore_mem>>)
      %add3A_506 = arith.constant 3 : i32
      %add3A_507 = arith.addi %add3A_475, %add3A_506 : i32
      %dma_start3A_508 = arith.constant 6 : i32
      %dma_start3A_509 = arith.constant 0 : i32
      %dma_start3A_510 = tpu.memref_slice %arg6[%dma_start3A_508, %dma_start3A_509] : memref<8x128xi32, #tpu.memory_space<vmem>> -> memref<2x128xi32, #tpu.memory_space<vmem>>
      %dma_start3A_511 = arith.constant 0 : i32
      %dma_start3A_512 = arith.constant 0 : i32
      %dma_start3A_513 = tpu.memref_slice %arg3[%add3A, %add3A_507, %dma_start3A_511, %dma_start3A_512] : memref<32x80x2x128xi32, #tpu.memory_space<hbm>> -> memref<1x1x2x128xi32, #tpu.memory_space<hbm>>
      %dma_start3A_514 = tpu.memref_squeeze %dma_start3A_513 : memref<1x1x2x128xi32, #tpu.memory_space<hbm>> -> memref<2x128xi32, #tpu.memory_space<hbm>>
      %dma_start3A_515 = arith.constant 6 : i32
      %dma_start3A_516 = arith.constant 0 : i32
      %dma_start3A_517 = tpu.memref_slice %arg6[%dma_start3A_515, %dma_start3A_516] : memref<8x128xi32, #tpu.memory_space<vmem>> -> memref<2x128xi32, #tpu.memory_space<vmem>>
      %dma_start3A_518 = arith.constant 0 : i32
      %dma_start3A_519 = arith.constant 0 : i32
      %dma_start3A_520 = tpu.memref_slice %arg3[%add3A, %add3A_507, %dma_start3A_518, %dma_start3A_519] : memref<32x80x2x128xi32, #tpu.memory_space<hbm>> -> memref<1x1x2x128xi32, #tpu.memory_space<hbm>>
      %dma_start3A_521 = tpu.memref_squeeze %dma_start3A_520 : memref<1x1x2x128xi32, #tpu.memory_space<hbm>> -> memref<2x128xi32, #tpu.memory_space<hbm>>
      tpu.enqueue_dma source(%dma_start3A_521 : memref<2x128xi32, #tpu.memory_space<hbm>>) target(%dma_start3A_517 : memref<2x128xi32, #tpu.memory_space<vmem>>) target_semaphore(%arg17 : memref<!tpu.dma_semaphore, #tpu.memory_space<semaphore_mem>>)
      %dma_wait3A_522 = arith.constant 0 : i32
      %dma_wait3A_523 = arith.constant 0 : i32
      %dma_wait3A_524 = tpu.memref_slice %arg6[%dma_wait3A_522, %dma_wait3A_523] : memref<8x128xi32, #tpu.memory_space<vmem>> -> memref<1x128xi32, #tpu.memory_space<vmem>>
      %dma_wait3A_525 = tpu.memref_squeeze %dma_wait3A_524 : memref<1x128xi32, #tpu.memory_space<vmem>> -> memref<128xi32, #tpu.memory_space<vmem>>
      %dma_wait3A_526 = arith.constant 0 : i32
      %dma_wait3A_527 = arith.constant 0 : i32
      %dma_wait3A_528 = tpu.memref_slice %arg2[%dma_wait3A_526, %dma_wait3A_527] : memref<10240x64xf32, #tpu.memory_space<hbm>> -> memref<10240x64xf32, #tpu.memory_space<hbm>>
      tpu.wait_indirect_dma semaphore(%arg12 : memref<!tpu.dma_semaphore, #tpu.memory_space<semaphore_mem>>) src(%dma_wait3A_528 : memref<10240x64xf32, #tpu.memory_space<hbm>>) dst(%arg7 : memref<128x64xf32, #tpu.memory_space<vmem>>)
      %dma_start3A_529 = arith.constant 1 : i32
      %dma_start3A_530 = arith.constant 0 : i32
      %dma_start3A_531 = tpu.memref_slice %arg6[%dma_start3A_529, %dma_start3A_530] : memref<8x128xi32, #tpu.memory_space<vmem>> -> memref<1x128xi32, #tpu.memory_space<vmem>>
      %dma_start3A_532 = tpu.memref_squeeze %dma_start3A_531 : memref<1x128xi32, #tpu.memory_space<vmem>> -> memref<128xi32, #tpu.memory_space<vmem>>
      %dma_start3A_533 = arith.constant 0 : i32
      %dma_start3A_534 = arith.constant 0 : i32
      %dma_start3A_535 = tpu.memref_slice %arg10[%dma_start3A_533, %dma_start3A_534] : memref<10240x64xf32, #tpu.memory_space<vmem_shared>> -> memref<10240x64xf32, #tpu.memory_space<vmem_shared>>
      tpu.enqueue_indirect_dma source(%arg7 : memref<128x64xf32, #tpu.memory_space<vmem>>) target(%dma_start3A_535 : memref<10240x64xf32, #tpu.memory_space<vmem_shared>>) offsets(%dma_start3A_532 : memref<128xi32, #tpu.memory_space<vmem>>) semaphore(%arg18 : memref<!tpu.dma_semaphore, #tpu.memory_space<semaphore_mem>>) {add = true}
      %add3A_536 = arith.constant 1 : i32
      %add3A_537 = arith.addi %mul3A_473, %add3A_536 : i32
      %add3A_538 = arith.constant 1 : i32
      %add3A_539 = arith.addi %add3A_537, %add3A_538 : i32
      %dma_wait3A_540 = arith.constant 4 : i32
      %dma_wait3A_541 = arith.constant 0 : i32
      %dma_wait3A_542 = tpu.memref_slice %arg6[%dma_wait3A_540, %dma_wait3A_541] : memref<8x128xi32, #tpu.memory_space<vmem>> -> memref<2x128xi32, #tpu.memory_space<vmem>>
      %dma_wait3A_543 = arith.constant 0 : i32
      %dma_wait3A_544 = arith.constant 0 : i32
      %dma_wait3A_545 = tpu.memref_slice %arg3[%add3A, %add3A_539, %dma_wait3A_543, %dma_wait3A_544] : memref<32x80x2x128xi32, #tpu.memory_space<hbm>> -> memref<1x1x2x128xi32, #tpu.memory_space<hbm>>
      %dma_wait3A_546 = tpu.memref_squeeze %dma_wait3A_545 : memref<1x1x2x128xi32, #tpu.memory_space<hbm>> -> memref<2x128xi32, #tpu.memory_space<hbm>>
      %dma_wait3A_547 = arith.constant 4 : i32
      %dma_wait3A_548 = arith.constant 0 : i32
      %dma_wait3A_549 = tpu.memref_slice %arg6[%dma_wait3A_547, %dma_wait3A_548] : memref<8x128xi32, #tpu.memory_space<vmem>> -> memref<2x128xi32, #tpu.memory_space<vmem>>
      %dma_wait3A_550 = arith.constant 0 : i32
      %dma_wait3A_551 = arith.constant 0 : i32
      %dma_wait3A_552 = tpu.memref_slice %arg3[%add3A, %add3A_539, %dma_wait3A_550, %dma_wait3A_551] : memref<32x80x2x128xi32, #tpu.memory_space<hbm>> -> memref<1x1x2x128xi32, #tpu.memory_space<hbm>>
      %dma_wait3A_553 = tpu.memref_squeeze %dma_wait3A_552 : memref<1x1x2x128xi32, #tpu.memory_space<hbm>> -> memref<2x128xi32, #tpu.memory_space<hbm>>
      tpu.wait_dma2 semaphore(%arg16 : memref<!tpu.dma_semaphore, #tpu.memory_space<semaphore_mem>>) src(%dma_wait3A_553 : memref<2x128xi32, #tpu.memory_space<hbm>>) dst(%dma_wait3A_549 : memref<2x128xi32, #tpu.memory_space<vmem>>)
      %dma_wait3A_554 = arith.constant 1 : i32
      %dma_wait3A_555 = arith.constant 0 : i32
      %dma_wait3A_556 = tpu.memref_slice %arg6[%dma_wait3A_554, %dma_wait3A_555] : memref<8x128xi32, #tpu.memory_space<vmem>> -> memref<1x128xi32, #tpu.memory_space<vmem>>
      %dma_wait3A_557 = tpu.memref_squeeze %dma_wait3A_556 : memref<1x128xi32, #tpu.memory_space<vmem>> -> memref<128xi32, #tpu.memory_space<vmem>>
      %dma_wait3A_558 = arith.constant 0 : i32
      %dma_wait3A_559 = arith.constant 0 : i32
      %dma_wait3A_560 = tpu.memref_slice %arg10[%dma_wait3A_558, %dma_wait3A_559] : memref<10240x64xf32, #tpu.memory_space<vmem_shared>> -> memref<10240x64xf32, #tpu.memory_space<vmem_shared>>
      tpu.wait_indirect_dma semaphore(%arg18 : memref<!tpu.dma_semaphore, #tpu.memory_space<semaphore_mem>>) src(%arg7 : memref<128x64xf32, #tpu.memory_space<vmem>>) dst(%dma_wait3A_560 : memref<10240x64xf32, #tpu.memory_space<vmem_shared>>)
      %dma_start3A_561 = arith.constant 4 : i32
      %dma_start3A_562 = arith.constant 0 : i32
      %dma_start3A_563 = tpu.memref_slice %arg6[%dma_start3A_561, %dma_start3A_562] : memref<8x128xi32, #tpu.memory_space<vmem>> -> memref<1x128xi32, #tpu.memory_space<vmem>>
      %dma_start3A_564 = tpu.memref_squeeze %dma_start3A_563 : memref<1x128xi32, #tpu.memory_space<vmem>> -> memref<128xi32, #tpu.memory_space<vmem>>
      %dma_start3A_565 = arith.constant 0 : i32
      %dma_start3A_566 = arith.constant 0 : i32
      %dma_start3A_567 = tpu.memref_slice %arg2[%dma_start3A_565, %dma_start3A_566] : memref<10240x64xf32, #tpu.memory_space<hbm>> -> memref<10240x64xf32, #tpu.memory_space<hbm>>
      tpu.enqueue_indirect_dma source(%dma_start3A_567 : memref<10240x64xf32, #tpu.memory_space<hbm>>) target(%arg7 : memref<128x64xf32, #tpu.memory_space<vmem>>) offsets(%dma_start3A_564 : memref<128xi32, #tpu.memory_space<vmem>>) semaphore(%arg12 : memref<!tpu.dma_semaphore, #tpu.memory_space<semaphore_mem>>)
      %add3A_568 = arith.constant 3 : i32
      %add3A_569 = arith.addi %add3A_537, %add3A_568 : i32
      %dma_start3A_570 = arith.constant 0 : i32
      %dma_start3A_571 = arith.constant 0 : i32
      %dma_start3A_572 = tpu.memref_slice %arg6[%dma_start3A_570, %dma_start3A_571] : memref<8x128xi32, #tpu.memory_space<vmem>> -> memref<2x128xi32, #tpu.memory_space<vmem>>
      %dma_start3A_573 = arith.constant 0 : i32
      %dma_start3A_574 = arith.constant 0 : i32
      %dma_start3A_575 = tpu.memref_slice %arg3[%add3A, %add3A_569, %dma_start3A_573, %dma_start3A_574] : memref<32x80x2x128xi32, #tpu.memory_space<hbm>> -> memref<1x1x2x128xi32, #tpu.memory_space<hbm>>
      %dma_start3A_576 = tpu.memref_squeeze %dma_start3A_575 : memref<1x1x2x128xi32, #tpu.memory_space<hbm>> -> memref<2x128xi32, #tpu.memory_space<hbm>>
      %dma_start3A_577 = arith.constant 0 : i32
      %dma_start3A_578 = arith.constant 0 : i32
      %dma_start3A_579 = tpu.memref_slice %arg6[%dma_start3A_577, %dma_start3A_578] : memref<8x128xi32, #tpu.memory_space<vmem>> -> memref<2x128xi32, #tpu.memory_space<vmem>>
      %dma_start3A_580 = arith.constant 0 : i32
      %dma_start3A_581 = arith.constant 0 : i32
      %dma_start3A_582 = tpu.memref_slice %arg3[%add3A, %add3A_569, %dma_start3A_580, %dma_start3A_581] : memref<32x80x2x128xi32, #tpu.memory_space<hbm>> -> memref<1x1x2x128xi32, #tpu.memory_space<hbm>>
      %dma_start3A_583 = tpu.memref_squeeze %dma_start3A_582 : memref<1x1x2x128xi32, #tpu.memory_space<hbm>> -> memref<2x128xi32, #tpu.memory_space<hbm>>
      tpu.enqueue_dma source(%dma_start3A_583 : memref<2x128xi32, #tpu.memory_space<hbm>>) target(%dma_start3A_579 : memref<2x128xi32, #tpu.memory_space<vmem>>) target_semaphore(%arg14 : memref<!tpu.dma_semaphore, #tpu.memory_space<semaphore_mem>>)
      %dma_wait3A_584 = arith.constant 2 : i32
      %dma_wait3A_585 = arith.constant 0 : i32
      %dma_wait3A_586 = tpu.memref_slice %arg6[%dma_wait3A_584, %dma_wait3A_585] : memref<8x128xi32, #tpu.memory_space<vmem>> -> memref<1x128xi32, #tpu.memory_space<vmem>>
      %dma_wait3A_587 = tpu.memref_squeeze %dma_wait3A_586 : memref<1x128xi32, #tpu.memory_space<vmem>> -> memref<128xi32, #tpu.memory_space<vmem>>
      %dma_wait3A_588 = arith.constant 0 : i32
      %dma_wait3A_589 = arith.constant 0 : i32
      %dma_wait3A_590 = tpu.memref_slice %arg2[%dma_wait3A_588, %dma_wait3A_589] : memref<10240x64xf32, #tpu.memory_space<hbm>> -> memref<10240x64xf32, #tpu.memory_space<hbm>>
      tpu.wait_indirect_dma semaphore(%arg13 : memref<!tpu.dma_semaphore, #tpu.memory_space<semaphore_mem>>) src(%dma_wait3A_590 : memref<10240x64xf32, #tpu.memory_space<hbm>>) dst(%arg8 : memref<128x64xf32, #tpu.memory_space<vmem>>)
      %dma_start3A_591 = arith.constant 3 : i32
      %dma_start3A_592 = arith.constant 0 : i32
      %dma_start3A_593 = tpu.memref_slice %arg6[%dma_start3A_591, %dma_start3A_592] : memref<8x128xi32, #tpu.memory_space<vmem>> -> memref<1x128xi32, #tpu.memory_space<vmem>>
      %dma_start3A_594 = tpu.memref_squeeze %dma_start3A_593 : memref<1x128xi32, #tpu.memory_space<vmem>> -> memref<128xi32, #tpu.memory_space<vmem>>
      %dma_start3A_595 = arith.constant 0 : i32
      %dma_start3A_596 = arith.constant 0 : i32
      %dma_start3A_597 = tpu.memref_slice %arg10[%dma_start3A_595, %dma_start3A_596] : memref<10240x64xf32, #tpu.memory_space<vmem_shared>> -> memref<10240x64xf32, #tpu.memory_space<vmem_shared>>
      tpu.enqueue_indirect_dma source(%arg8 : memref<128x64xf32, #tpu.memory_space<vmem>>) target(%dma_start3A_597 : memref<10240x64xf32, #tpu.memory_space<vmem_shared>>) offsets(%dma_start3A_594 : memref<128xi32, #tpu.memory_space<vmem>>) semaphore(%arg19 : memref<!tpu.dma_semaphore, #tpu.memory_space<semaphore_mem>>) {add = true}
      %add3A_598 = arith.constant 2 : i32
      %add3A_599 = arith.addi %mul3A_473, %add3A_598 : i32
      %add3A_600 = arith.constant 1 : i32
      %add3A_601 = arith.addi %add3A_599, %add3A_600 : i32
      %dma_wait3A_602 = arith.constant 6 : i32
      %dma_wait3A_603 = arith.constant 0 : i32
      %dma_wait3A_604 = tpu.memref_slice %arg6[%dma_wait3A_602, %dma_wait3A_603] : memref<8x128xi32, #tpu.memory_space<vmem>> -> memref<2x128xi32, #tpu.memory_space<vmem>>
      %dma_wait3A_605 = arith.constant 0 : i32
      %dma_wait3A_606 = arith.constant 0 : i32
      %dma_wait3A_607 = tpu.memref_slice %arg3[%add3A, %add3A_601, %dma_wait3A_605, %dma_wait3A_606] : memref<32x80x2x128xi32, #tpu.memory_space<hbm>> -> memref<1x1x2x128xi32, #tpu.memory_space<hbm>>
      %dma_wait3A_608 = tpu.memref_squeeze %dma_wait3A_607 : memref<1x1x2x128xi32, #tpu.memory_space<hbm>> -> memref<2x128xi32, #tpu.memory_space<hbm>>
      %dma_wait3A_609 = arith.constant 6 : i32
      %dma_wait3A_610 = arith.constant 0 : i32
      %dma_wait3A_611 = tpu.memref_slice %arg6[%dma_wait3A_609, %dma_wait3A_610] : memref<8x128xi32, #tpu.memory_space<vmem>> -> memref<2x128xi32, #tpu.memory_space<vmem>>
      %dma_wait3A_612 = arith.constant 0 : i32
      %dma_wait3A_613 = arith.constant 0 : i32
      %dma_wait3A_614 = tpu.memref_slice %arg3[%add3A, %add3A_601, %dma_wait3A_612, %dma_wait3A_613] : memref<32x80x2x128xi32, #tpu.memory_space<hbm>> -> memref<1x1x2x128xi32, #tpu.memory_space<hbm>>
      %dma_wait3A_615 = tpu.memref_squeeze %dma_wait3A_614 : memref<1x1x2x128xi32, #tpu.memory_space<hbm>> -> memref<2x128xi32, #tpu.memory_space<hbm>>
      tpu.wait_dma2 semaphore(%arg17 : memref<!tpu.dma_semaphore, #tpu.memory_space<semaphore_mem>>) src(%dma_wait3A_615 : memref<2x128xi32, #tpu.memory_space<hbm>>) dst(%dma_wait3A_611 : memref<2x128xi32, #tpu.memory_space<vmem>>)
      %dma_wait3A_616 = arith.constant 3 : i32
      %dma_wait3A_617 = arith.constant 0 : i32
      %dma_wait3A_618 = tpu.memref_slice %arg6[%dma_wait3A_616, %dma_wait3A_617] : memref<8x128xi32, #tpu.memory_space<vmem>> -> memref<1x128xi32, #tpu.memory_space<vmem>>
      %dma_wait3A_619 = tpu.memref_squeeze %dma_wait3A_618 : memref<1x128xi32, #tpu.memory_space<vmem>> -> memref<128xi32, #tpu.memory_space<vmem>>
      %dma_wait3A_620 = arith.constant 0 : i32
      %dma_wait3A_621 = arith.constant 0 : i32
      %dma_wait3A_622 = tpu.memref_slice %arg10[%dma_wait3A_620, %dma_wait3A_621] : memref<10240x64xf32, #tpu.memory_space<vmem_shared>> -> memref<10240x64xf32, #tpu.memory_space<vmem_shared>>
      tpu.wait_indirect_dma semaphore(%arg19 : memref<!tpu.dma_semaphore, #tpu.memory_space<semaphore_mem>>) src(%arg8 : memref<128x64xf32, #tpu.memory_space<vmem>>) dst(%dma_wait3A_622 : memref<10240x64xf32, #tpu.memory_space<vmem_shared>>)
      %dma_start3A_623 = arith.constant 6 : i32
      %dma_start3A_624 = arith.constant 0 : i32
      %dma_start3A_625 = tpu.memref_slice %arg6[%dma_start3A_623, %dma_start3A_624] : memref<8x128xi32, #tpu.memory_space<vmem>> -> memref<1x128xi32, #tpu.memory_space<vmem>>
      %dma_start3A_626 = tpu.memref_squeeze %dma_start3A_625 : memref<1x128xi32, #tpu.memory_space<vmem>> -> memref<128xi32, #tpu.memory_space<vmem>>
      %dma_start3A_627 = arith.constant 0 : i32
      %dma_start3A_628 = arith.constant 0 : i32
      %dma_start3A_629 = tpu.memref_slice %arg2[%dma_start3A_627, %dma_start3A_628] : memref<10240x64xf32, #tpu.memory_space<hbm>> -> memref<10240x64xf32, #tpu.memory_space<hbm>>
      tpu.enqueue_indirect_dma source(%dma_start3A_629 : memref<10240x64xf32, #tpu.memory_space<hbm>>) target(%arg8 : memref<128x64xf32, #tpu.memory_space<vmem>>) offsets(%dma_start3A_626 : memref<128xi32, #tpu.memory_space<vmem>>) semaphore(%arg13 : memref<!tpu.dma_semaphore, #tpu.memory_space<semaphore_mem>>)
      %add3A_630 = arith.constant 3 : i32
      %add3A_631 = arith.addi %add3A_599, %add3A_630 : i32
      %dma_start3A_632 = arith.constant 2 : i32
      %dma_start3A_633 = arith.constant 0 : i32
      %dma_start3A_634 = tpu.memref_slice %arg6[%dma_start3A_632, %dma_start3A_633] : memref<8x128xi32, #tpu.memory_space<vmem>> -> memref<2x128xi32, #tpu.memory_space<vmem>>
      %dma_start3A_635 = arith.constant 0 : i32
      %dma_start3A_636 = arith.constant 0 : i32
      %dma_start3A_637 = tpu.memref_slice %arg3[%add3A, %add3A_631, %dma_start3A_635, %dma_start3A_636] : memref<32x80x2x128xi32, #tpu.memory_space<hbm>> -> memref<1x1x2x128xi32, #tpu.memory_space<hbm>>
      %dma_start3A_638 = tpu.memref_squeeze %dma_start3A_637 : memref<1x1x2x128xi32, #tpu.memory_space<hbm>> -> memref<2x128xi32, #tpu.memory_space<hbm>>
      %dma_start3A_639 = arith.constant 2 : i32
      %dma_start3A_640 = arith.constant 0 : i32
      %dma_start3A_641 = tpu.memref_slice %arg6[%dma_start3A_639, %dma_start3A_640] : memref<8x128xi32, #tpu.memory_space<vmem>> -> memref<2x128xi32, #tpu.memory_space<vmem>>
      %dma_start3A_642 = arith.constant 0 : i32
      %dma_start3A_643 = arith.constant 0 : i32
      %dma_start3A_644 = tpu.memref_slice %arg3[%add3A, %add3A_631, %dma_start3A_642, %dma_start3A_643] : memref<32x80x2x128xi32, #tpu.memory_space<hbm>> -> memref<1x1x2x128xi32, #tpu.memory_space<hbm>>
      %dma_start3A_645 = tpu.memref_squeeze %dma_start3A_644 : memref<1x1x2x128xi32, #tpu.memory_space<hbm>> -> memref<2x128xi32, #tpu.memory_space<hbm>>
      tpu.enqueue_dma source(%dma_start3A_645 : memref<2x128xi32, #tpu.memory_space<hbm>>) target(%dma_start3A_641 : memref<2x128xi32, #tpu.memory_space<vmem>>) target_semaphore(%arg15 : memref<!tpu.dma_semaphore, #tpu.memory_space<semaphore_mem>>)
      %dma_wait3A_646 = arith.constant 4 : i32
      %dma_wait3A_647 = arith.constant 0 : i32
      %dma_wait3A_648 = tpu.memref_slice %arg6[%dma_wait3A_646, %dma_wait3A_647] : memref<8x128xi32, #tpu.memory_space<vmem>> -> memref<1x128xi32, #tpu.memory_space<vmem>>
      %dma_wait3A_649 = tpu.memref_squeeze %dma_wait3A_648 : memref<1x128xi32, #tpu.memory_space<vmem>> -> memref<128xi32, #tpu.memory_space<vmem>>
      %dma_wait3A_650 = arith.constant 0 : i32
      %dma_wait3A_651 = arith.constant 0 : i32
      %dma_wait3A_652 = tpu.memref_slice %arg2[%dma_wait3A_650, %dma_wait3A_651] : memref<10240x64xf32, #tpu.memory_space<hbm>> -> memref<10240x64xf32, #tpu.memory_space<hbm>>
      tpu.wait_indirect_dma semaphore(%arg12 : memref<!tpu.dma_semaphore, #tpu.memory_space<semaphore_mem>>) src(%dma_wait3A_652 : memref<10240x64xf32, #tpu.memory_space<hbm>>) dst(%arg7 : memref<128x64xf32, #tpu.memory_space<vmem>>)
      %dma_start3A_653 = arith.constant 5 : i32
      %dma_start3A_654 = arith.constant 0 : i32
      %dma_start3A_655 = tpu.memref_slice %arg6[%dma_start3A_653, %dma_start3A_654] : memref<8x128xi32, #tpu.memory_space<vmem>> -> memref<1x128xi32, #tpu.memory_space<vmem>>
      %dma_start3A_656 = tpu.memref_squeeze %dma_start3A_655 : memref<1x128xi32, #tpu.memory_space<vmem>> -> memref<128xi32, #tpu.memory_space<vmem>>
      %dma_start3A_657 = arith.constant 0 : i32
      %dma_start3A_658 = arith.constant 0 : i32
      %dma_start3A_659 = tpu.memref_slice %arg10[%dma_start3A_657, %dma_start3A_658] : memref<10240x64xf32, #tpu.memory_space<vmem_shared>> -> memref<10240x64xf32, #tpu.memory_space<vmem_shared>>
      tpu.enqueue_indirect_dma source(%arg7 : memref<128x64xf32, #tpu.memory_space<vmem>>) target(%dma_start3A_659 : memref<10240x64xf32, #tpu.memory_space<vmem_shared>>) offsets(%dma_start3A_656 : memref<128xi32, #tpu.memory_space<vmem>>) semaphore(%arg18 : memref<!tpu.dma_semaphore, #tpu.memory_space<semaphore_mem>>) {add = true}
      %add3A_660 = arith.constant 3 : i32
      %add3A_661 = arith.addi %mul3A_473, %add3A_660 : i32
      %add3A_662 = arith.constant 1 : i32
      %add3A_663 = arith.addi %add3A_661, %add3A_662 : i32
      %dma_wait3A_664 = arith.constant 0 : i32
      %dma_wait3A_665 = arith.constant 0 : i32
      %dma_wait3A_666 = tpu.memref_slice %arg6[%dma_wait3A_664, %dma_wait3A_665] : memref<8x128xi32, #tpu.memory_space<vmem>> -> memref<2x128xi32, #tpu.memory_space<vmem>>
      %dma_wait3A_667 = arith.constant 0 : i32
      %dma_wait3A_668 = arith.constant 0 : i32
      %dma_wait3A_669 = tpu.memref_slice %arg3[%add3A, %add3A_663, %dma_wait3A_667, %dma_wait3A_668] : memref<32x80x2x128xi32, #tpu.memory_space<hbm>> -> memref<1x1x2x128xi32, #tpu.memory_space<hbm>>
      %dma_wait3A_670 = tpu.memref_squeeze %dma_wait3A_669 : memref<1x1x2x128xi32, #tpu.memory_space<hbm>> -> memref<2x128xi32, #tpu.memory_space<hbm>>
      %dma_wait3A_671 = arith.constant 0 : i32
      %dma_wait3A_672 = arith.constant 0 : i32
      %dma_wait3A_673 = tpu.memref_slice %arg6[%dma_wait3A_671, %dma_wait3A_672] : memref<8x128xi32, #tpu.memory_space<vmem>> -> memref<2x128xi32, #tpu.memory_space<vmem>>
      %dma_wait3A_674 = arith.constant 0 : i32
      %dma_wait3A_675 = arith.constant 0 : i32
      %dma_wait3A_676 = tpu.memref_slice %arg3[%add3A, %add3A_663, %dma_wait3A_674, %dma_wait3A_675] : memref<32x80x2x128xi32, #tpu.memory_space<hbm>> -> memref<1x1x2x128xi32, #tpu.memory_space<hbm>>
      %dma_wait3A_677 = tpu.memref_squeeze %dma_wait3A_676 : memref<1x1x2x128xi32, #tpu.memory_space<hbm>> -> memref<2x128xi32, #tpu.memory_space<hbm>>
      tpu.wait_dma2 semaphore(%arg14 : memref<!tpu.dma_semaphore, #tpu.memory_space<semaphore_mem>>) src(%dma_wait3A_677 : memref<2x128xi32, #tpu.memory_space<hbm>>) dst(%dma_wait3A_673 : memref<2x128xi32, #tpu.memory_space<vmem>>)
      %dma_wait3A_678 = arith.constant 5 : i32
      %dma_wait3A_679 = arith.constant 0 : i32
      %dma_wait3A_680 = tpu.memref_slice %arg6[%dma_wait3A_678, %dma_wait3A_679] : memref<8x128xi32, #tpu.memory_space<vmem>> -> memref<1x128xi32, #tpu.memory_space<vmem>>
      %dma_wait3A_681 = tpu.memref_squeeze %dma_wait3A_680 : memref<1x128xi32, #tpu.memory_space<vmem>> -> memref<128xi32, #tpu.memory_space<vmem>>
      %dma_wait3A_682 = arith.constant 0 : i32
      %dma_wait3A_683 = arith.constant 0 : i32
      %dma_wait3A_684 = tpu.memref_slice %arg10[%dma_wait3A_682, %dma_wait3A_683] : memref<10240x64xf32, #tpu.memory_space<vmem_shared>> -> memref<10240x64xf32, #tpu.memory_space<vmem_shared>>
      tpu.wait_indirect_dma semaphore(%arg18 : memref<!tpu.dma_semaphore, #tpu.memory_space<semaphore_mem>>) src(%arg7 : memref<128x64xf32, #tpu.memory_space<vmem>>) dst(%dma_wait3A_684 : memref<10240x64xf32, #tpu.memory_space<vmem_shared>>)
      %dma_start3A_685 = arith.constant 0 : i32
      %dma_start3A_686 = arith.constant 0 : i32
      %dma_start3A_687 = tpu.memref_slice %arg6[%dma_start3A_685, %dma_start3A_686] : memref<8x128xi32, #tpu.memory_space<vmem>> -> memref<1x128xi32, #tpu.memory_space<vmem>>
      %dma_start3A_688 = tpu.memref_squeeze %dma_start3A_687 : memref<1x128xi32, #tpu.memory_space<vmem>> -> memref<128xi32, #tpu.memory_space<vmem>>
      %dma_start3A_689 = arith.constant 0 : i32
      %dma_start3A_690 = arith.constant 0 : i32
      %dma_start3A_691 = tpu.memref_slice %arg2[%dma_start3A_689, %dma_start3A_690] : memref<10240x64xf32, #tpu.memory_space<hbm>> -> memref<10240x64xf32, #tpu.memory_space<hbm>>
      tpu.enqueue_indirect_dma source(%dma_start3A_691 : memref<10240x64xf32, #tpu.memory_space<hbm>>) target(%arg7 : memref<128x64xf32, #tpu.memory_space<vmem>>) offsets(%dma_start3A_688 : memref<128xi32, #tpu.memory_space<vmem>>) semaphore(%arg12 : memref<!tpu.dma_semaphore, #tpu.memory_space<semaphore_mem>>)
      %add3A_692 = arith.constant 3 : i32
      %add3A_693 = arith.addi %add3A_661, %add3A_692 : i32
      %dma_start3A_694 = arith.constant 4 : i32
      %dma_start3A_695 = arith.constant 0 : i32
      %dma_start3A_696 = tpu.memref_slice %arg6[%dma_start3A_694, %dma_start3A_695] : memref<8x128xi32, #tpu.memory_space<vmem>> -> memref<2x128xi32, #tpu.memory_space<vmem>>
      %dma_start3A_697 = arith.constant 0 : i32
      %dma_start3A_698 = arith.constant 0 : i32
      %dma_start3A_699 = tpu.memref_slice %arg3[%add3A, %add3A_693, %dma_start3A_697, %dma_start3A_698] : memref<32x80x2x128xi32, #tpu.memory_space<hbm>> -> memref<1x1x2x128xi32, #tpu.memory_space<hbm>>
      %dma_start3A_700 = tpu.memref_squeeze %dma_start3A_699 : memref<1x1x2x128xi32, #tpu.memory_space<hbm>> -> memref<2x128xi32, #tpu.memory_space<hbm>>
      %dma_start3A_701 = arith.constant 4 : i32
      %dma_start3A_702 = arith.constant 0 : i32
      %dma_start3A_703 = tpu.memref_slice %arg6[%dma_start3A_701, %dma_start3A_702] : memref<8x128xi32, #tpu.memory_space<vmem>> -> memref<2x128xi32, #tpu.memory_space<vmem>>
      %dma_start3A_704 = arith.constant 0 : i32
      %dma_start3A_705 = arith.constant 0 : i32
      %dma_start3A_706 = tpu.memref_slice %arg3[%add3A, %add3A_693, %dma_start3A_704, %dma_start3A_705] : memref<32x80x2x128xi32, #tpu.memory_space<hbm>> -> memref<1x1x2x128xi32, #tpu.memory_space<hbm>>
      %dma_start3A_707 = tpu.memref_squeeze %dma_start3A_706 : memref<1x1x2x128xi32, #tpu.memory_space<hbm>> -> memref<2x128xi32, #tpu.memory_space<hbm>>
      tpu.enqueue_dma source(%dma_start3A_707 : memref<2x128xi32, #tpu.memory_space<hbm>>) target(%dma_start3A_703 : memref<2x128xi32, #tpu.memory_space<vmem>>) target_semaphore(%arg16 : memref<!tpu.dma_semaphore, #tpu.memory_space<semaphore_mem>>)
      %dma_wait3A_708 = arith.constant 6 : i32
      %dma_wait3A_709 = arith.constant 0 : i32
      %dma_wait3A_710 = tpu.memref_slice %arg6[%dma_wait3A_708, %dma_wait3A_709] : memref<8x128xi32, #tpu.memory_space<vmem>> -> memref<1x128xi32, #tpu.memory_space<vmem>>
      %dma_wait3A_711 = tpu.memref_squeeze %dma_wait3A_710 : memref<1x128xi32, #tpu.memory_space<vmem>> -> memref<128xi32, #tpu.memory_space<vmem>>
      %dma_wait3A_712 = arith.constant 0 : i32
      %dma_wait3A_713 = arith.constant 0 : i32
      %dma_wait3A_714 = tpu.memref_slice %arg2[%dma_wait3A_712, %dma_wait3A_713] : memref<10240x64xf32, #tpu.memory_space<hbm>> -> memref<10240x64xf32, #tpu.memory_space<hbm>>
      tpu.wait_indirect_dma semaphore(%arg13 : memref<!tpu.dma_semaphore, #tpu.memory_space<semaphore_mem>>) src(%dma_wait3A_714 : memref<10240x64xf32, #tpu.memory_space<hbm>>) dst(%arg8 : memref<128x64xf32, #tpu.memory_space<vmem>>)
      %dma_start3A_715 = arith.constant 7 : i32
      %dma_start3A_716 = arith.constant 0 : i32
      %dma_start3A_717 = tpu.memref_slice %arg6[%dma_start3A_715, %dma_start3A_716] : memref<8x128xi32, #tpu.memory_space<vmem>> -> memref<1x128xi32, #tpu.memory_space<vmem>>
      %dma_start3A_718 = tpu.memref_squeeze %dma_start3A_717 : memref<1x128xi32, #tpu.memory_space<vmem>> -> memref<128xi32, #tpu.memory_space<vmem>>
      %dma_start3A_719 = arith.constant 0 : i32
      %dma_start3A_720 = arith.constant 0 : i32
      %dma_start3A_721 = tpu.memref_slice %arg10[%dma_start3A_719, %dma_start3A_720] : memref<10240x64xf32, #tpu.memory_space<vmem_shared>> -> memref<10240x64xf32, #tpu.memory_space<vmem_shared>>
      tpu.enqueue_indirect_dma source(%arg8 : memref<128x64xf32, #tpu.memory_space<vmem>>) target(%dma_start3A_721 : memref<10240x64xf32, #tpu.memory_space<vmem_shared>>) offsets(%dma_start3A_718 : memref<128xi32, #tpu.memory_space<vmem>>) semaphore(%arg19 : memref<!tpu.dma_semaphore, #tpu.memory_space<semaphore_mem>>) {add = true}
    }
    %scan3A_297 = arith.constant 18 : i32
    %dma_wait3A_298 = arith.constant 77 : i32
    %dma_wait3A_299 = arith.constant 2 : i32
    %dma_wait3A_300 = arith.constant 0 : i32
    %dma_wait3A_301 = tpu.memref_slice %arg6[%dma_wait3A_299, %dma_wait3A_300] : memref<8x128xi32, #tpu.memory_space<vmem>> -> memref<2x128xi32, #tpu.memory_space<vmem>>
    %dma_wait3A_302 = arith.constant 0 : i32
    %dma_wait3A_303 = arith.constant 0 : i32
    %dma_wait3A_304 = tpu.memref_slice %arg3[%add3A, %dma_wait3A_298, %dma_wait3A_302, %dma_wait3A_303] : memref<32x80x2x128xi32, #tpu.memory_space<hbm>> -> memref<1x1x2x128xi32, #tpu.memory_space<hbm>>
    %dma_wait3A_305 = tpu.memref_squeeze %dma_wait3A_304 : memref<1x1x2x128xi32, #tpu.memory_space<hbm>> -> memref<2x128xi32, #tpu.memory_space<hbm>>
    %dma_wait3A_306 = arith.constant 2 : i32
    %dma_wait3A_307 = arith.constant 0 : i32
    %dma_wait3A_308 = tpu.memref_slice %arg6[%dma_wait3A_306, %dma_wait3A_307] : memref<8x128xi32, #tpu.memory_space<vmem>> -> memref<2x128xi32, #tpu.memory_space<vmem>>
    %dma_wait3A_309 = arith.constant 0 : i32
    %dma_wait3A_310 = arith.constant 0 : i32
    %dma_wait3A_311 = tpu.memref_slice %arg3[%add3A, %dma_wait3A_298, %dma_wait3A_309, %dma_wait3A_310] : memref<32x80x2x128xi32, #tpu.memory_space<hbm>> -> memref<1x1x2x128xi32, #tpu.memory_space<hbm>>
    %dma_wait3A_312 = tpu.memref_squeeze %dma_wait3A_311 : memref<1x1x2x128xi32, #tpu.memory_space<hbm>> -> memref<2x128xi32, #tpu.memory_space<hbm>>
    tpu.wait_dma2 semaphore(%arg15 : memref<!tpu.dma_semaphore, #tpu.memory_space<semaphore_mem>>) src(%dma_wait3A_312 : memref<2x128xi32, #tpu.memory_space<hbm>>) dst(%dma_wait3A_308 : memref<2x128xi32, #tpu.memory_space<vmem>>)
    %dma_wait3A_313 = arith.constant 7 : i32
    %dma_wait3A_314 = arith.constant 0 : i32
    %dma_wait3A_315 = tpu.memref_slice %arg6[%dma_wait3A_313, %dma_wait3A_314] : memref<8x128xi32, #tpu.memory_space<vmem>> -> memref<1x128xi32, #tpu.memory_space<vmem>>
    %dma_wait3A_316 = tpu.memref_squeeze %dma_wait3A_315 : memref<1x128xi32, #tpu.memory_space<vmem>> -> memref<128xi32, #tpu.memory_space<vmem>>
    %dma_wait3A_317 = arith.constant 0 : i32
    %dma_wait3A_318 = arith.constant 0 : i32
    %dma_wait3A_319 = tpu.memref_slice %arg10[%dma_wait3A_317, %dma_wait3A_318] : memref<10240x64xf32, #tpu.memory_space<vmem_shared>> -> memref<10240x64xf32, #tpu.memory_space<vmem_shared>>
    tpu.wait_indirect_dma semaphore(%arg19 : memref<!tpu.dma_semaphore, #tpu.memory_space<semaphore_mem>>) src(%arg8 : memref<128x64xf32, #tpu.memory_space<vmem>>) dst(%dma_wait3A_319 : memref<10240x64xf32, #tpu.memory_space<vmem_shared>>)
    %dma_start3A_320 = arith.constant 2 : i32
    %dma_start3A_321 = arith.constant 0 : i32
    %dma_start3A_322 = tpu.memref_slice %arg6[%dma_start3A_320, %dma_start3A_321] : memref<8x128xi32, #tpu.memory_space<vmem>> -> memref<1x128xi32, #tpu.memory_space<vmem>>
    %dma_start3A_323 = tpu.memref_squeeze %dma_start3A_322 : memref<1x128xi32, #tpu.memory_space<vmem>> -> memref<128xi32, #tpu.memory_space<vmem>>
    %dma_start3A_324 = arith.constant 0 : i32
    %dma_start3A_325 = arith.constant 0 : i32
    %dma_start3A_326 = tpu.memref_slice %arg2[%dma_start3A_324, %dma_start3A_325] : memref<10240x64xf32, #tpu.memory_space<hbm>> -> memref<10240x64xf32, #tpu.memory_space<hbm>>
    tpu.enqueue_indirect_dma source(%dma_start3A_326 : memref<10240x64xf32, #tpu.memory_space<hbm>>) target(%arg8 : memref<128x64xf32, #tpu.memory_space<vmem>>) offsets(%dma_start3A_323 : memref<128xi32, #tpu.memory_space<vmem>>) semaphore(%arg13 : memref<!tpu.dma_semaphore, #tpu.memory_space<semaphore_mem>>)
    %dma_start3A_327 = arith.constant 79 : i32
    %dma_start3A_328 = arith.constant 6 : i32
    %dma_start3A_329 = arith.constant 0 : i32
    %dma_start3A_330 = tpu.memref_slice %arg6[%dma_start3A_328, %dma_start3A_329] : memref<8x128xi32, #tpu.memory_space<vmem>> -> memref<2x128xi32, #tpu.memory_space<vmem>>
    %dma_start3A_331 = arith.constant 0 : i32
    %dma_start3A_332 = arith.constant 0 : i32
    %dma_start3A_333 = tpu.memref_slice %arg3[%add3A, %dma_start3A_327, %dma_start3A_331, %dma_start3A_332] : memref<32x80x2x128xi32, #tpu.memory_space<hbm>> -> memref<1x1x2x128xi32, #tpu.memory_space<hbm>>
    %dma_start3A_334 = tpu.memref_squeeze %dma_start3A_333 : memref<1x1x2x128xi32, #tpu.memory_space<hbm>> -> memref<2x128xi32, #tpu.memory_space<hbm>>
    %dma_start3A_335 = arith.constant 6 : i32
    %dma_start3A_336 = arith.constant 0 : i32
    %dma_start3A_337 = tpu.memref_slice %arg6[%dma_start3A_335, %dma_start3A_336] : memref<8x128xi32, #tpu.memory_space<vmem>> -> memref<2x128xi32, #tpu.memory_space<vmem>>
    %dma_start3A_338 = arith.constant 0 : i32
    %dma_start3A_339 = arith.constant 0 : i32
    %dma_start3A_340 = tpu.memref_slice %arg3[%add3A, %dma_start3A_327, %dma_start3A_338, %dma_start3A_339] : memref<32x80x2x128xi32, #tpu.memory_space<hbm>> -> memref<1x1x2x128xi32, #tpu.memory_space<hbm>>
    %dma_start3A_341 = tpu.memref_squeeze %dma_start3A_340 : memref<1x1x2x128xi32, #tpu.memory_space<hbm>> -> memref<2x128xi32, #tpu.memory_space<hbm>>
    tpu.enqueue_dma source(%dma_start3A_341 : memref<2x128xi32, #tpu.memory_space<hbm>>) target(%dma_start3A_337 : memref<2x128xi32, #tpu.memory_space<vmem>>) target_semaphore(%arg17 : memref<!tpu.dma_semaphore, #tpu.memory_space<semaphore_mem>>)
    %dma_wait3A_342 = arith.constant 0 : i32
    %dma_wait3A_343 = arith.constant 0 : i32
    %dma_wait3A_344 = tpu.memref_slice %arg6[%dma_wait3A_342, %dma_wait3A_343] : memref<8x128xi32, #tpu.memory_space<vmem>> -> memref<1x128xi32, #tpu.memory_space<vmem>>
    %dma_wait3A_345 = tpu.memref_squeeze %dma_wait3A_344 : memref<1x128xi32, #tpu.memory_space<vmem>> -> memref<128xi32, #tpu.memory_space<vmem>>
    %dma_wait3A_346 = arith.constant 0 : i32
    %dma_wait3A_347 = arith.constant 0 : i32
    %dma_wait3A_348 = tpu.memref_slice %arg2[%dma_wait3A_346, %dma_wait3A_347] : memref<10240x64xf32, #tpu.memory_space<hbm>> -> memref<10240x64xf32, #tpu.memory_space<hbm>>
    tpu.wait_indirect_dma semaphore(%arg12 : memref<!tpu.dma_semaphore, #tpu.memory_space<semaphore_mem>>) src(%dma_wait3A_348 : memref<10240x64xf32, #tpu.memory_space<hbm>>) dst(%arg7 : memref<128x64xf32, #tpu.memory_space<vmem>>)
    %dma_start3A_349 = arith.constant 1 : i32
    %dma_start3A_350 = arith.constant 0 : i32
    %dma_start3A_351 = tpu.memref_slice %arg6[%dma_start3A_349, %dma_start3A_350] : memref<8x128xi32, #tpu.memory_space<vmem>> -> memref<1x128xi32, #tpu.memory_space<vmem>>
    %dma_start3A_352 = tpu.memref_squeeze %dma_start3A_351 : memref<1x128xi32, #tpu.memory_space<vmem>> -> memref<128xi32, #tpu.memory_space<vmem>>
    %dma_start3A_353 = arith.constant 0 : i32
    %dma_start3A_354 = arith.constant 0 : i32
    %dma_start3A_355 = tpu.memref_slice %arg10[%dma_start3A_353, %dma_start3A_354] : memref<10240x64xf32, #tpu.memory_space<vmem_shared>> -> memref<10240x64xf32, #tpu.memory_space<vmem_shared>>
    tpu.enqueue_indirect_dma source(%arg7 : memref<128x64xf32, #tpu.memory_space<vmem>>) target(%dma_start3A_355 : memref<10240x64xf32, #tpu.memory_space<vmem_shared>>) offsets(%dma_start3A_352 : memref<128xi32, #tpu.memory_space<vmem>>) semaphore(%arg18 : memref<!tpu.dma_semaphore, #tpu.memory_space<semaphore_mem>>) {add = true}
    %dma_wait3A_356 = arith.constant 78 : i32
    %dma_wait3A_357 = arith.constant 4 : i32
    %dma_wait3A_358 = arith.constant 0 : i32
    %dma_wait3A_359 = tpu.memref_slice %arg6[%dma_wait3A_357, %dma_wait3A_358] : memref<8x128xi32, #tpu.memory_space<vmem>> -> memref<2x128xi32, #tpu.memory_space<vmem>>
    %dma_wait3A_360 = arith.constant 0 : i32
    %dma_wait3A_361 = arith.constant 0 : i32
    %dma_wait3A_362 = tpu.memref_slice %arg3[%add3A, %dma_wait3A_356, %dma_wait3A_360, %dma_wait3A_361] : memref<32x80x2x128xi32, #tpu.memory_space<hbm>> -> memref<1x1x2x128xi32, #tpu.memory_space<hbm>>
    %dma_wait3A_363 = tpu.memref_squeeze %dma_wait3A_362 : memref<1x1x2x128xi32, #tpu.memory_space<hbm>> -> memref<2x128xi32, #tpu.memory_space<hbm>>
    %dma_wait3A_364 = arith.constant 4 : i32
    %dma_wait3A_365 = arith.constant 0 : i32
    %dma_wait3A_366 = tpu.memref_slice %arg6[%dma_wait3A_364, %dma_wait3A_365] : memref<8x128xi32, #tpu.memory_space<vmem>> -> memref<2x128xi32, #tpu.memory_space<vmem>>
    %dma_wait3A_367 = arith.constant 0 : i32
    %dma_wait3A_368 = arith.constant 0 : i32
    %dma_wait3A_369 = tpu.memref_slice %arg3[%add3A, %dma_wait3A_356, %dma_wait3A_367, %dma_wait3A_368] : memref<32x80x2x128xi32, #tpu.memory_space<hbm>> -> memref<1x1x2x128xi32, #tpu.memory_space<hbm>>
    %dma_wait3A_370 = tpu.memref_squeeze %dma_wait3A_369 : memref<1x1x2x128xi32, #tpu.memory_space<hbm>> -> memref<2x128xi32, #tpu.memory_space<hbm>>
    tpu.wait_dma2 semaphore(%arg16 : memref<!tpu.dma_semaphore, #tpu.memory_space<semaphore_mem>>) src(%dma_wait3A_370 : memref<2x128xi32, #tpu.memory_space<hbm>>) dst(%dma_wait3A_366 : memref<2x128xi32, #tpu.memory_space<vmem>>)
    %dma_wait3A_371 = arith.constant 1 : i32
    %dma_wait3A_372 = arith.constant 0 : i32
    %dma_wait3A_373 = tpu.memref_slice %arg6[%dma_wait3A_371, %dma_wait3A_372] : memref<8x128xi32, #tpu.memory_space<vmem>> -> memref<1x128xi32, #tpu.memory_space<vmem>>
    %dma_wait3A_374 = tpu.memref_squeeze %dma_wait3A_373 : memref<1x128xi32, #tpu.memory_space<vmem>> -> memref<128xi32, #tpu.memory_space<vmem>>
    %dma_wait3A_375 = arith.constant 0 : i32
    %dma_wait3A_376 = arith.constant 0 : i32
    %dma_wait3A_377 = tpu.memref_slice %arg10[%dma_wait3A_375, %dma_wait3A_376] : memref<10240x64xf32, #tpu.memory_space<vmem_shared>> -> memref<10240x64xf32, #tpu.memory_space<vmem_shared>>
    tpu.wait_indirect_dma semaphore(%arg18 : memref<!tpu.dma_semaphore, #tpu.memory_space<semaphore_mem>>) src(%arg7 : memref<128x64xf32, #tpu.memory_space<vmem>>) dst(%dma_wait3A_377 : memref<10240x64xf32, #tpu.memory_space<vmem_shared>>)
    %dma_start3A_378 = arith.constant 4 : i32
    %dma_start3A_379 = arith.constant 0 : i32
    %dma_start3A_380 = tpu.memref_slice %arg6[%dma_start3A_378, %dma_start3A_379] : memref<8x128xi32, #tpu.memory_space<vmem>> -> memref<1x128xi32, #tpu.memory_space<vmem>>
    %dma_start3A_381 = tpu.memref_squeeze %dma_start3A_380 : memref<1x128xi32, #tpu.memory_space<vmem>> -> memref<128xi32, #tpu.memory_space<vmem>>
    %dma_start3A_382 = arith.constant 0 : i32
    %dma_start3A_383 = arith.constant 0 : i32
    %dma_start3A_384 = tpu.memref_slice %arg2[%dma_start3A_382, %dma_start3A_383] : memref<10240x64xf32, #tpu.memory_space<hbm>> -> memref<10240x64xf32, #tpu.memory_space<hbm>>
    tpu.enqueue_indirect_dma source(%dma_start3A_384 : memref<10240x64xf32, #tpu.memory_space<hbm>>) target(%arg7 : memref<128x64xf32, #tpu.memory_space<vmem>>) offsets(%dma_start3A_381 : memref<128xi32, #tpu.memory_space<vmem>>) semaphore(%arg12 : memref<!tpu.dma_semaphore, #tpu.memory_space<semaphore_mem>>)
    %dma_wait3A_385 = arith.constant 2 : i32
    %dma_wait3A_386 = arith.constant 0 : i32
    %dma_wait3A_387 = tpu.memref_slice %arg6[%dma_wait3A_385, %dma_wait3A_386] : memref<8x128xi32, #tpu.memory_space<vmem>> -> memref<1x128xi32, #tpu.memory_space<vmem>>
    %dma_wait3A_388 = tpu.memref_squeeze %dma_wait3A_387 : memref<1x128xi32, #tpu.memory_space<vmem>> -> memref<128xi32, #tpu.memory_space<vmem>>
    %dma_wait3A_389 = arith.constant 0 : i32
    %dma_wait3A_390 = arith.constant 0 : i32
    %dma_wait3A_391 = tpu.memref_slice %arg2[%dma_wait3A_389, %dma_wait3A_390] : memref<10240x64xf32, #tpu.memory_space<hbm>> -> memref<10240x64xf32, #tpu.memory_space<hbm>>
    tpu.wait_indirect_dma semaphore(%arg13 : memref<!tpu.dma_semaphore, #tpu.memory_space<semaphore_mem>>) src(%dma_wait3A_391 : memref<10240x64xf32, #tpu.memory_space<hbm>>) dst(%arg8 : memref<128x64xf32, #tpu.memory_space<vmem>>)
    %dma_start3A_392 = arith.constant 3 : i32
    %dma_start3A_393 = arith.constant 0 : i32
    %dma_start3A_394 = tpu.memref_slice %arg6[%dma_start3A_392, %dma_start3A_393] : memref<8x128xi32, #tpu.memory_space<vmem>> -> memref<1x128xi32, #tpu.memory_space<vmem>>
    %dma_start3A_395 = tpu.memref_squeeze %dma_start3A_394 : memref<1x128xi32, #tpu.memory_space<vmem>> -> memref<128xi32, #tpu.memory_space<vmem>>
    %dma_start3A_396 = arith.constant 0 : i32
    %dma_start3A_397 = arith.constant 0 : i32
    %dma_start3A_398 = tpu.memref_slice %arg10[%dma_start3A_396, %dma_start3A_397] : memref<10240x64xf32, #tpu.memory_space<vmem_shared>> -> memref<10240x64xf32, #tpu.memory_space<vmem_shared>>
    tpu.enqueue_indirect_dma source(%arg8 : memref<128x64xf32, #tpu.memory_space<vmem>>) target(%dma_start3A_398 : memref<10240x64xf32, #tpu.memory_space<vmem_shared>>) offsets(%dma_start3A_395 : memref<128xi32, #tpu.memory_space<vmem>>) semaphore(%arg19 : memref<!tpu.dma_semaphore, #tpu.memory_space<semaphore_mem>>) {add = true}
    %dma_wait3A_399 = arith.constant 79 : i32
    %dma_wait3A_400 = arith.constant 6 : i32
    %dma_wait3A_401 = arith.constant 0 : i32
    %dma_wait3A_402 = tpu.memref_slice %arg6[%dma_wait3A_400, %dma_wait3A_401] : memref<8x128xi32, #tpu.memory_space<vmem>> -> memref<2x128xi32, #tpu.memory_space<vmem>>
    %dma_wait3A_403 = arith.constant 0 : i32
    %dma_wait3A_404 = arith.constant 0 : i32
    %dma_wait3A_405 = tpu.memref_slice %arg3[%add3A, %dma_wait3A_399, %dma_wait3A_403, %dma_wait3A_404] : memref<32x80x2x128xi32, #tpu.memory_space<hbm>> -> memref<1x1x2x128xi32, #tpu.memory_space<hbm>>
    %dma_wait3A_406 = tpu.memref_squeeze %dma_wait3A_405 : memref<1x1x2x128xi32, #tpu.memory_space<hbm>> -> memref<2x128xi32, #tpu.memory_space<hbm>>
    %dma_wait3A_407 = arith.constant 6 : i32
    %dma_wait3A_408 = arith.constant 0 : i32
    %dma_wait3A_409 = tpu.memref_slice %arg6[%dma_wait3A_407, %dma_wait3A_408] : memref<8x128xi32, #tpu.memory_space<vmem>> -> memref<2x128xi32, #tpu.memory_space<vmem>>
    %dma_wait3A_410 = arith.constant 0 : i32
    %dma_wait3A_411 = arith.constant 0 : i32
    %dma_wait3A_412 = tpu.memref_slice %arg3[%add3A, %dma_wait3A_399, %dma_wait3A_410, %dma_wait3A_411] : memref<32x80x2x128xi32, #tpu.memory_space<hbm>> -> memref<1x1x2x128xi32, #tpu.memory_space<hbm>>
    %dma_wait3A_413 = tpu.memref_squeeze %dma_wait3A_412 : memref<1x1x2x128xi32, #tpu.memory_space<hbm>> -> memref<2x128xi32, #tpu.memory_space<hbm>>
    tpu.wait_dma2 semaphore(%arg17 : memref<!tpu.dma_semaphore, #tpu.memory_space<semaphore_mem>>) src(%dma_wait3A_413 : memref<2x128xi32, #tpu.memory_space<hbm>>) dst(%dma_wait3A_409 : memref<2x128xi32, #tpu.memory_space<vmem>>)
    %dma_wait3A_414 = arith.constant 3 : i32
    %dma_wait3A_415 = arith.constant 0 : i32
    %dma_wait3A_416 = tpu.memref_slice %arg6[%dma_wait3A_414, %dma_wait3A_415] : memref<8x128xi32, #tpu.memory_space<vmem>> -> memref<1x128xi32, #tpu.memory_space<vmem>>
    %dma_wait3A_417 = tpu.memref_squeeze %dma_wait3A_416 : memref<1x128xi32, #tpu.memory_space<vmem>> -> memref<128xi32, #tpu.memory_space<vmem>>
    %dma_wait3A_418 = arith.constant 0 : i32
    %dma_wait3A_419 = arith.constant 0 : i32
    %dma_wait3A_420 = tpu.memref_slice %arg10[%dma_wait3A_418, %dma_wait3A_419] : memref<10240x64xf32, #tpu.memory_space<vmem_shared>> -> memref<10240x64xf32, #tpu.memory_space<vmem_shared>>
    tpu.wait_indirect_dma semaphore(%arg19 : memref<!tpu.dma_semaphore, #tpu.memory_space<semaphore_mem>>) src(%arg8 : memref<128x64xf32, #tpu.memory_space<vmem>>) dst(%dma_wait3A_420 : memref<10240x64xf32, #tpu.memory_space<vmem_shared>>)
    %dma_start3A_421 = arith.constant 6 : i32
    %dma_start3A_422 = arith.constant 0 : i32
    %dma_start3A_423 = tpu.memref_slice %arg6[%dma_start3A_421, %dma_start3A_422] : memref<8x128xi32, #tpu.memory_space<vmem>> -> memref<1x128xi32, #tpu.memory_space<vmem>>
    %dma_start3A_424 = tpu.memref_squeeze %dma_start3A_423 : memref<1x128xi32, #tpu.memory_space<vmem>> -> memref<128xi32, #tpu.memory_space<vmem>>
    %dma_start3A_425 = arith.constant 0 : i32
    %dma_start3A_426 = arith.constant 0 : i32
    %dma_start3A_427 = tpu.memref_slice %arg2[%dma_start3A_425, %dma_start3A_426] : memref<10240x64xf32, #tpu.memory_space<hbm>> -> memref<10240x64xf32, #tpu.memory_space<hbm>>
    tpu.enqueue_indirect_dma source(%dma_start3A_427 : memref<10240x64xf32, #tpu.memory_space<hbm>>) target(%arg8 : memref<128x64xf32, #tpu.memory_space<vmem>>) offsets(%dma_start3A_424 : memref<128xi32, #tpu.memory_space<vmem>>) semaphore(%arg13 : memref<!tpu.dma_semaphore, #tpu.memory_space<semaphore_mem>>)
    %dma_wait3A_428 = arith.constant 4 : i32
    %dma_wait3A_429 = arith.constant 0 : i32
    %dma_wait3A_430 = tpu.memref_slice %arg6[%dma_wait3A_428, %dma_wait3A_429] : memref<8x128xi32, #tpu.memory_space<vmem>> -> memref<1x128xi32, #tpu.memory_space<vmem>>
    %dma_wait3A_431 = tpu.memref_squeeze %dma_wait3A_430 : memref<1x128xi32, #tpu.memory_space<vmem>> -> memref<128xi32, #tpu.memory_space<vmem>>
    %dma_wait3A_432 = arith.constant 0 : i32
    %dma_wait3A_433 = arith.constant 0 : i32
    %dma_wait3A_434 = tpu.memref_slice %arg2[%dma_wait3A_432, %dma_wait3A_433] : memref<10240x64xf32, #tpu.memory_space<hbm>> -> memref<10240x64xf32, #tpu.memory_space<hbm>>
    tpu.wait_indirect_dma semaphore(%arg12 : memref<!tpu.dma_semaphore, #tpu.memory_space<semaphore_mem>>) src(%dma_wait3A_434 : memref<10240x64xf32, #tpu.memory_space<hbm>>) dst(%arg7 : memref<128x64xf32, #tpu.memory_space<vmem>>)
    %dma_start3A_435 = arith.constant 5 : i32
    %dma_start3A_436 = arith.constant 0 : i32
    %dma_start3A_437 = tpu.memref_slice %arg6[%dma_start3A_435, %dma_start3A_436] : memref<8x128xi32, #tpu.memory_space<vmem>> -> memref<1x128xi32, #tpu.memory_space<vmem>>
    %dma_start3A_438 = tpu.memref_squeeze %dma_start3A_437 : memref<1x128xi32, #tpu.memory_space<vmem>> -> memref<128xi32, #tpu.memory_space<vmem>>
    %dma_start3A_439 = arith.constant 0 : i32
    %dma_start3A_440 = arith.constant 0 : i32
    %dma_start3A_441 = tpu.memref_slice %arg10[%dma_start3A_439, %dma_start3A_440] : memref<10240x64xf32, #tpu.memory_space<vmem_shared>> -> memref<10240x64xf32, #tpu.memory_space<vmem_shared>>
    tpu.enqueue_indirect_dma source(%arg7 : memref<128x64xf32, #tpu.memory_space<vmem>>) target(%dma_start3A_441 : memref<10240x64xf32, #tpu.memory_space<vmem_shared>>) offsets(%dma_start3A_438 : memref<128xi32, #tpu.memory_space<vmem>>) semaphore(%arg18 : memref<!tpu.dma_semaphore, #tpu.memory_space<semaphore_mem>>) {add = true}
    %dma_wait3A_442 = arith.constant 5 : i32
    %dma_wait3A_443 = arith.constant 0 : i32
    %dma_wait3A_444 = tpu.memref_slice %arg6[%dma_wait3A_442, %dma_wait3A_443] : memref<8x128xi32, #tpu.memory_space<vmem>> -> memref<1x128xi32, #tpu.memory_space<vmem>>
    %dma_wait3A_445 = tpu.memref_squeeze %dma_wait3A_444 : memref<1x128xi32, #tpu.memory_space<vmem>> -> memref<128xi32, #tpu.memory_space<vmem>>
    %dma_wait3A_446 = arith.constant 0 : i32
    %dma_wait3A_447 = arith.constant 0 : i32
    %dma_wait3A_448 = tpu.memref_slice %arg10[%dma_wait3A_446, %dma_wait3A_447] : memref<10240x64xf32, #tpu.memory_space<vmem_shared>> -> memref<10240x64xf32, #tpu.memory_space<vmem_shared>>
    tpu.wait_indirect_dma semaphore(%arg18 : memref<!tpu.dma_semaphore, #tpu.memory_space<semaphore_mem>>) src(%arg7 : memref<128x64xf32, #tpu.memory_space<vmem>>) dst(%dma_wait3A_448 : memref<10240x64xf32, #tpu.memory_space<vmem_shared>>)
    %dma_wait3A_449 = arith.constant 6 : i32
    %dma_wait3A_450 = arith.constant 0 : i32
    %dma_wait3A_451 = tpu.memref_slice %arg6[%dma_wait3A_449, %dma_wait3A_450] : memref<8x128xi32, #tpu.memory_space<vmem>> -> memref<1x128xi32, #tpu.memory_space<vmem>>
    %dma_wait3A_452 = tpu.memref_squeeze %dma_wait3A_451 : memref<1x128xi32, #tpu.memory_space<vmem>> -> memref<128xi32, #tpu.memory_space<vmem>>
    %dma_wait3A_453 = arith.constant 0 : i32
    %dma_wait3A_454 = arith.constant 0 : i32
    %dma_wait3A_455 = tpu.memref_slice %arg2[%dma_wait3A_453, %dma_wait3A_454] : memref<10240x64xf32, #tpu.memory_space<hbm>> -> memref<10240x64xf32, #tpu.memory_space<hbm>>
    tpu.wait_indirect_dma semaphore(%arg13 : memref<!tpu.dma_semaphore, #tpu.memory_space<semaphore_mem>>) src(%dma_wait3A_455 : memref<10240x64xf32, #tpu.memory_space<hbm>>) dst(%arg8 : memref<128x64xf32, #tpu.memory_space<vmem>>)
    %dma_start3A_456 = arith.constant 7 : i32
    %dma_start3A_457 = arith.constant 0 : i32
    %dma_start3A_458 = tpu.memref_slice %arg6[%dma_start3A_456, %dma_start3A_457] : memref<8x128xi32, #tpu.memory_space<vmem>> -> memref<1x128xi32, #tpu.memory_space<vmem>>
    %dma_start3A_459 = tpu.memref_squeeze %dma_start3A_458 : memref<1x128xi32, #tpu.memory_space<vmem>> -> memref<128xi32, #tpu.memory_space<vmem>>
    %dma_start3A_460 = arith.constant 0 : i32
    %dma_start3A_461 = arith.constant 0 : i32
    %dma_start3A_462 = tpu.memref_slice %arg10[%dma_start3A_460, %dma_start3A_461] : memref<10240x64xf32, #tpu.memory_space<vmem_shared>> -> memref<10240x64xf32, #tpu.memory_space<vmem_shared>>
    tpu.enqueue_indirect_dma source(%arg8 : memref<128x64xf32, #tpu.memory_space<vmem>>) target(%dma_start3A_462 : memref<10240x64xf32, #tpu.memory_space<vmem_shared>>) offsets(%dma_start3A_459 : memref<128xi32, #tpu.memory_space<vmem>>) semaphore(%arg19 : memref<!tpu.dma_semaphore, #tpu.memory_space<semaphore_mem>>) {add = true}
    %dma_wait3A_463 = arith.constant 7 : i32
    %dma_wait3A_464 = arith.constant 0 : i32
    %dma_wait3A_465 = tpu.memref_slice %arg6[%dma_wait3A_463, %dma_wait3A_464] : memref<8x128xi32, #tpu.memory_space<vmem>> -> memref<1x128xi32, #tpu.memory_space<vmem>>
    %dma_wait3A_466 = tpu.memref_squeeze %dma_wait3A_465 : memref<1x128xi32, #tpu.memory_space<vmem>> -> memref<128xi32, #tpu.memory_space<vmem>>
    %dma_wait3A_467 = arith.constant 0 : i32
    %dma_wait3A_468 = arith.constant 0 : i32
    %dma_wait3A_469 = tpu.memref_slice %arg10[%dma_wait3A_467, %dma_wait3A_468] : memref<10240x64xf32, #tpu.memory_space<vmem_shared>> -> memref<10240x64xf32, #tpu.memory_space<vmem_shared>>
    tpu.wait_indirect_dma semaphore(%arg19 : memref<!tpu.dma_semaphore, #tpu.memory_space<semaphore_mem>>) src(%arg8 : memref<128x64xf32, #tpu.memory_space<vmem>>) dst(%dma_wait3A_469 : memref<10240x64xf32, #tpu.memory_space<vmem_shared>>)
    %barrier3A_470 = arith.constant 0 : index
    tpu.barrier barrier_id(%barrier3A_470)
    "tpu.region"() ({
      %run_scoped3A = tpu.sem_alloc : memref<!tpu.dma_semaphore, #tpu.memory_space<semaphore_mem>>
      %dma_start3A_471 = arith.constant 0 : i32
      %dma_start3A_472 = tpu.memref_slice %arg5[%arg0, %mul3A_2, %dma_start3A_471] : memref<2x10240x64xf32, #tpu.memory_space<hbm>> -> memref<1x640x64xf32, #tpu.memory_space<hbm>>
      %dma_start3A_473 = tpu.memref_squeeze %dma_start3A_472 : memref<1x640x64xf32, #tpu.memory_space<hbm>> -> memref<640x64xf32, #tpu.memory_space<hbm>>
      %dma_start3A_474 = arith.constant 0 : i32
      %dma_start3A_475 = tpu.memref_slice %arg10[%mul3A_2, %dma_start3A_474] : memref<10240x64xf32, #tpu.memory_space<vmem_shared>> -> memref<640x64xf32, #tpu.memory_space<vmem_shared>>
      tpu.enqueue_dma source(%dma_start3A_475 : memref<640x64xf32, #tpu.memory_space<vmem_shared>>) target(%dma_start3A_473 : memref<640x64xf32, #tpu.memory_space<hbm>>) target_semaphore(%run_scoped3A : memref<!tpu.dma_semaphore, #tpu.memory_space<semaphore_mem>>)
      %dma_wait3A_476 = arith.constant 0 : i32
      %dma_wait3A_477 = tpu.memref_slice %arg5[%arg0, %mul3A_2, %dma_wait3A_476] : memref<2x10240x64xf32, #tpu.memory_space<hbm>> -> memref<1x640x64xf32, #tpu.memory_space<hbm>>
      %dma_wait3A_478 = tpu.memref_squeeze %dma_wait3A_477 : memref<1x640x64xf32, #tpu.memory_space<hbm>> -> memref<640x64xf32, #tpu.memory_space<hbm>>
      %dma_wait3A_479 = arith.constant 0 : i32
      %dma_wait3A_480 = tpu.memref_slice %arg10[%mul3A_2, %dma_wait3A_479] : memref<10240x64xf32, #tpu.memory_space<vmem_shared>> -> memref<640x64xf32, #tpu.memory_space<vmem_shared>>
      tpu.wait_dma2 semaphore(%run_scoped3A : memref<!tpu.dma_semaphore, #tpu.memory_space<semaphore_mem>>) src(%dma_wait3A_480 : memref<640x64xf32, #tpu.memory_space<vmem_shared>>) dst(%dma_wait3A_478 : memref<640x64xf32, #tpu.memory_space<hbm>>)
      tpu.yield
    }) : () -> ()
    return
  }
}

#map = affine_map<(d0, d1) -> (0, 0)>
#map1 = affine_map<(d0, d1) -> (0, 0, 0, 0)>
#map2 = affine_map<(d0, d1) -> (0)>
#map3 = affine_map<(d0, d1) -> (0, 0, 0)>
module attributes {stable_mosaic.version = 14 : i64} {
  func.func @body(%arg0: i32, %arg1: i32, %arg2: memref<10000x128xf32, #tpu.memory_space<hbm>>, %arg3: memref<32x80x2x128xi32, #tpu.memory_space<hbm>>, %arg4: memref<10240x128xf32, #tpu.memory_space<hbm>>, %arg5: memref<10240xf32, #tpu.memory_space<hbm>>, %arg6: memref<2x10240x128xf32, #tpu.memory_space<hbm>>, %arg7: memref<2x10240xf32, #tpu.memory_space<hbm>>, %arg8: memref<8x128xi32, #tpu.memory_space<vmem>>, %arg9: memref<128x128xf32, #tpu.memory_space<vmem>>, %arg10: memref<128x128xf32, #tpu.memory_space<vmem>>, %arg11: memref<128xf32, #tpu.memory_space<vmem>>, %arg12: memref<10240x128xf32, #tpu.memory_space<vmem_shared>>, %arg13: memref<10240xf32, #tpu.memory_space<vmem_shared>>, %arg14: memref<!tpu.dma_semaphore, #tpu.memory_space<semaphore_mem>>, %arg15: memref<!tpu.dma_semaphore, #tpu.memory_space<semaphore_mem>>, %arg16: memref<!tpu.dma_semaphore, #tpu.memory_space<semaphore_mem>>, %arg17: memref<!tpu.dma_semaphore, #tpu.memory_space<semaphore_mem>>, %arg18: memref<!tpu.dma_semaphore, #tpu.memory_space<semaphore_mem>>, %arg19: memref<!tpu.dma_semaphore, #tpu.memory_space<semaphore_mem>>, %arg20: memref<!tpu.dma_semaphore, #tpu.memory_space<semaphore_mem>>, %arg21: memref<!tpu.dma_semaphore, #tpu.memory_space<semaphore_mem>>, %arg22: memref<!tpu.dma_semaphore, #tpu.memory_space<semaphore_mem>>, %arg23: memref<!tpu.dma_semaphore, #tpu.memory_space<semaphore_mem>>) attributes {dimension_semantics = [#tpu.dimension_semantics<core_parallel>, #tpu.dimension_semantics<subcore_parallel>], iteration_bounds = array<i64: 2, 16>, scalar_prefetch = 0 : i64, scratch_operands = 16 : i64, tpu.core_type = #tpu.core_type<sc_vector_subcore>, window_params = [{transform_indices = #map}, {transform_indices = #map1}, {transform_indices = #map}, {transform_indices = #map2}, {transform_indices = #map3}, {transform_indices = #map}]} {
    %mul3A = arith.constant 16 : i32
    %mul3A_0 = arith.muli %arg0, %mul3A : i32
    %add3A = arith.addi %mul3A_0, %arg1 : i32
    %mul3A_1 = arith.constant 640 : i32
    %mul3A_2 = arith.muli %arg1, %mul3A_1 : i32
    "tpu.region"() ({
      %run_scoped3A = tpu.sem_alloc : memref<!tpu.dma_semaphore, #tpu.memory_space<semaphore_mem>>
      %dma_start3A_573 = arith.constant 0 : i32
      %dma_start3A_574 = tpu.memref_slice %arg12[%mul3A_2, %dma_start3A_573] : memref<10240x128xf32, #tpu.memory_space<vmem_shared>> -> memref<640x128xf32, #tpu.memory_space<vmem_shared>>
      %dma_start3A_575 = arith.constant 0 : i32
      %dma_start3A_576 = tpu.memref_slice %arg4[%mul3A_2, %dma_start3A_575] : memref<10240x128xf32, #tpu.memory_space<hbm>> -> memref<640x128xf32, #tpu.memory_space<hbm>>
      tpu.enqueue_dma source(%dma_start3A_576 : memref<640x128xf32, #tpu.memory_space<hbm>>) target(%dma_start3A_574 : memref<640x128xf32, #tpu.memory_space<vmem_shared>>) target_semaphore(%run_scoped3A : memref<!tpu.dma_semaphore, #tpu.memory_space<semaphore_mem>>)
      %dma_wait3A_577 = arith.constant 0 : i32
      %dma_wait3A_578 = tpu.memref_slice %arg12[%mul3A_2, %dma_wait3A_577] : memref<10240x128xf32, #tpu.memory_space<vmem_shared>> -> memref<640x128xf32, #tpu.memory_space<vmem_shared>>
      %dma_wait3A_579 = arith.constant 0 : i32
      %dma_wait3A_580 = tpu.memref_slice %arg4[%mul3A_2, %dma_wait3A_579] : memref<10240x128xf32, #tpu.memory_space<hbm>> -> memref<640x128xf32, #tpu.memory_space<hbm>>
      tpu.wait_dma2 semaphore(%run_scoped3A : memref<!tpu.dma_semaphore, #tpu.memory_space<semaphore_mem>>) src(%dma_wait3A_580 : memref<640x128xf32, #tpu.memory_space<hbm>>) dst(%dma_wait3A_578 : memref<640x128xf32, #tpu.memory_space<vmem_shared>>)
      tpu.yield
    }) : () -> ()
    "tpu.region"() ({
      %run_scoped3A = tpu.sem_alloc : memref<!tpu.dma_semaphore, #tpu.memory_space<semaphore_mem>>
      %dma_start3A_573 = tpu.memref_slice %arg13[%mul3A_2] : memref<10240xf32, #tpu.memory_space<vmem_shared>> -> memref<640xf32, #tpu.memory_space<vmem_shared>>
      %dma_start3A_574 = tpu.memref_slice %arg5[%mul3A_2] : memref<10240xf32, #tpu.memory_space<hbm>> -> memref<640xf32, #tpu.memory_space<hbm>>
      tpu.enqueue_dma source(%dma_start3A_574 : memref<640xf32, #tpu.memory_space<hbm>>) target(%dma_start3A_573 : memref<640xf32, #tpu.memory_space<vmem_shared>>) target_semaphore(%run_scoped3A : memref<!tpu.dma_semaphore, #tpu.memory_space<semaphore_mem>>)
      %dma_wait3A_575 = tpu.memref_slice %arg13[%mul3A_2] : memref<10240xf32, #tpu.memory_space<vmem_shared>> -> memref<640xf32, #tpu.memory_space<vmem_shared>>
      %dma_wait3A_576 = tpu.memref_slice %arg5[%mul3A_2] : memref<10240xf32, #tpu.memory_space<hbm>> -> memref<640xf32, #tpu.memory_space<hbm>>
      tpu.wait_dma2 semaphore(%run_scoped3A : memref<!tpu.dma_semaphore, #tpu.memory_space<semaphore_mem>>) src(%dma_wait3A_576 : memref<640xf32, #tpu.memory_space<hbm>>) dst(%dma_wait3A_575 : memref<640xf32, #tpu.memory_space<vmem_shared>>)
      tpu.yield
    }) : () -> ()
    %scan3A = arith.constant 0 : i32
    %scan3A_3 = arith.constant 0 : i32
    %scan3A_4 = arith.constant 8 : i32
    %scan3A_5 = arith.addi %scan3A_3, %scan3A_4 : i32
    %scan3A_6 = arith.constant 1 : i32
    scf.for %scan3A_573 = %scan3A_3 to %scan3A_5 step %scan3A_6  : i32 {
      %broadcast_in_dim3A = arith.constant 1.000000e+00 : f32
      %broadcast_in_dim3A_574 = vector.broadcast %broadcast_in_dim3A : f32 to vector<16xf32>
      %mul3A_575 = arith.constant 16 : i32
      %mul3A_576 = arith.muli %scan3A_573, %mul3A_575 : i32
      %swap3A = arith.index_cast %mul3A_576 : i32 to index
      %swap3A_577 = tpu.vector_load %arg11[%swap3A] {strides = array<i32>} : memref<128xf32, #tpu.memory_space<vmem>>, vector<16xf32>,
      %swap3A_578 = vector.shape_cast %swap3A_577 : vector<16xf32> to vector<16xf32>
      %swap3A_579 = vector.shape_cast %broadcast_in_dim3A_574 : vector<16xf32> to vector<16xf32>
      tpu.vector_store %arg11[%swap3A], %swap3A_579 {strides = array<i32>} : memref<128xf32, #tpu.memory_space<vmem>>, vector<16xf32>,
    }
    %scan3A_7 = arith.constant 8 : i32
    %barrier3A = arith.constant 0 : index
    tpu.barrier barrier_id(%barrier3A)
    %dma_start3A = arith.constant 0 : i32
    %dma_start3A_8 = arith.constant 0 : i32
    %dma_start3A_9 = arith.constant 0 : i32
    %dma_start3A_10 = tpu.memref_slice %arg8[%dma_start3A_8, %dma_start3A_9] : memref<8x128xi32, #tpu.memory_space<vmem>> -> memref<2x128xi32, #tpu.memory_space<vmem>>
    %dma_start3A_11 = arith.constant 0 : i32
    %dma_start3A_12 = arith.constant 0 : i32
    %dma_start3A_13 = tpu.memref_slice %arg3[%add3A, %dma_start3A, %dma_start3A_11, %dma_start3A_12] : memref<32x80x2x128xi32, #tpu.memory_space<hbm>> -> memref<1x1x2x128xi32, #tpu.memory_space<hbm>>
    %dma_start3A_14 = tpu.memref_squeeze %dma_start3A_13 : memref<1x1x2x128xi32, #tpu.memory_space<hbm>> -> memref<2x128xi32, #tpu.memory_space<hbm>>
    %dma_start3A_15 = arith.constant 0 : i32
    %dma_start3A_16 = arith.constant 0 : i32
    %dma_start3A_17 = tpu.memref_slice %arg8[%dma_start3A_15, %dma_start3A_16] : memref<8x128xi32, #tpu.memory_space<vmem>> -> memref<2x128xi32, #tpu.memory_space<vmem>>
    %dma_start3A_18 = arith.constant 0 : i32
    %dma_start3A_19 = arith.constant 0 : i32
    %dma_start3A_20 = tpu.memref_slice %arg3[%add3A, %dma_start3A, %dma_start3A_18, %dma_start3A_19] : memref<32x80x2x128xi32, #tpu.memory_space<hbm>> -> memref<1x1x2x128xi32, #tpu.memory_space<hbm>>
    %dma_start3A_21 = tpu.memref_squeeze %dma_start3A_20 : memref<1x1x2x128xi32, #tpu.memory_space<hbm>> -> memref<2x128xi32, #tpu.memory_space<hbm>>
    tpu.enqueue_dma source(%dma_start3A_21 : memref<2x128xi32, #tpu.memory_space<hbm>>) target(%dma_start3A_17 : memref<2x128xi32, #tpu.memory_space<vmem>>) target_semaphore(%arg16 : memref<!tpu.dma_semaphore, #tpu.memory_space<semaphore_mem>>)
    %dma_start3A_22 = arith.constant 1 : i32
    %dma_start3A_23 = arith.constant 2 : i32
    %dma_start3A_24 = arith.constant 0 : i32
    %dma_start3A_25 = tpu.memref_slice %arg8[%dma_start3A_23, %dma_start3A_24] : memref<8x128xi32, #tpu.memory_space<vmem>> -> memref<2x128xi32, #tpu.memory_space<vmem>>
    %dma_start3A_26 = arith.constant 0 : i32
    %dma_start3A_27 = arith.constant 0 : i32
    %dma_start3A_28 = tpu.memref_slice %arg3[%add3A, %dma_start3A_22, %dma_start3A_26, %dma_start3A_27] : memref<32x80x2x128xi32, #tpu.memory_space<hbm>> -> memref<1x1x2x128xi32, #tpu.memory_space<hbm>>
    %dma_start3A_29 = tpu.memref_squeeze %dma_start3A_28 : memref<1x1x2x128xi32, #tpu.memory_space<hbm>> -> memref<2x128xi32, #tpu.memory_space<hbm>>
    %dma_start3A_30 = arith.constant 2 : i32
    %dma_start3A_31 = arith.constant 0 : i32
    %dma_start3A_32 = tpu.memref_slice %arg8[%dma_start3A_30, %dma_start3A_31] : memref<8x128xi32, #tpu.memory_space<vmem>> -> memref<2x128xi32, #tpu.memory_space<vmem>>
    %dma_start3A_33 = arith.constant 0 : i32
    %dma_start3A_34 = arith.constant 0 : i32
    %dma_start3A_35 = tpu.memref_slice %arg3[%add3A, %dma_start3A_22, %dma_start3A_33, %dma_start3A_34] : memref<32x80x2x128xi32, #tpu.memory_space<hbm>> -> memref<1x1x2x128xi32, #tpu.memory_space<hbm>>
    %dma_start3A_36 = tpu.memref_squeeze %dma_start3A_35 : memref<1x1x2x128xi32, #tpu.memory_space<hbm>> -> memref<2x128xi32, #tpu.memory_space<hbm>>
    tpu.enqueue_dma source(%dma_start3A_36 : memref<2x128xi32, #tpu.memory_space<hbm>>) target(%dma_start3A_32 : memref<2x128xi32, #tpu.memory_space<vmem>>) target_semaphore(%arg17 : memref<!tpu.dma_semaphore, #tpu.memory_space<semaphore_mem>>)
    %dma_start3A_37 = arith.constant 2 : i32
    %dma_start3A_38 = arith.constant 4 : i32
    %dma_start3A_39 = arith.constant 0 : i32
    %dma_start3A_40 = tpu.memref_slice %arg8[%dma_start3A_38, %dma_start3A_39] : memref<8x128xi32, #tpu.memory_space<vmem>> -> memref<2x128xi32, #tpu.memory_space<vmem>>
    %dma_start3A_41 = arith.constant 0 : i32
    %dma_start3A_42 = arith.constant 0 : i32
    %dma_start3A_43 = tpu.memref_slice %arg3[%add3A, %dma_start3A_37, %dma_start3A_41, %dma_start3A_42] : memref<32x80x2x128xi32, #tpu.memory_space<hbm>> -> memref<1x1x2x128xi32, #tpu.memory_space<hbm>>
    %dma_start3A_44 = tpu.memref_squeeze %dma_start3A_43 : memref<1x1x2x128xi32, #tpu.memory_space<hbm>> -> memref<2x128xi32, #tpu.memory_space<hbm>>
    %dma_start3A_45 = arith.constant 4 : i32
    %dma_start3A_46 = arith.constant 0 : i32
    %dma_start3A_47 = tpu.memref_slice %arg8[%dma_start3A_45, %dma_start3A_46] : memref<8x128xi32, #tpu.memory_space<vmem>> -> memref<2x128xi32, #tpu.memory_space<vmem>>
    %dma_start3A_48 = arith.constant 0 : i32
    %dma_start3A_49 = arith.constant 0 : i32
    %dma_start3A_50 = tpu.memref_slice %arg3[%add3A, %dma_start3A_37, %dma_start3A_48, %dma_start3A_49] : memref<32x80x2x128xi32, #tpu.memory_space<hbm>> -> memref<1x1x2x128xi32, #tpu.memory_space<hbm>>
    %dma_start3A_51 = tpu.memref_squeeze %dma_start3A_50 : memref<1x1x2x128xi32, #tpu.memory_space<hbm>> -> memref<2x128xi32, #tpu.memory_space<hbm>>
    tpu.enqueue_dma source(%dma_start3A_51 : memref<2x128xi32, #tpu.memory_space<hbm>>) target(%dma_start3A_47 : memref<2x128xi32, #tpu.memory_space<vmem>>) target_semaphore(%arg18 : memref<!tpu.dma_semaphore, #tpu.memory_space<semaphore_mem>>)
    %dma_start3A_52 = arith.constant 3 : i32
    %dma_start3A_53 = arith.constant 6 : i32
    %dma_start3A_54 = arith.constant 0 : i32
    %dma_start3A_55 = tpu.memref_slice %arg8[%dma_start3A_53, %dma_start3A_54] : memref<8x128xi32, #tpu.memory_space<vmem>> -> memref<2x128xi32, #tpu.memory_space<vmem>>
    %dma_start3A_56 = arith.constant 0 : i32
    %dma_start3A_57 = arith.constant 0 : i32
    %dma_start3A_58 = tpu.memref_slice %arg3[%add3A, %dma_start3A_52, %dma_start3A_56, %dma_start3A_57] : memref<32x80x2x128xi32, #tpu.memory_space<hbm>> -> memref<1x1x2x128xi32, #tpu.memory_space<hbm>>
    %dma_start3A_59 = tpu.memref_squeeze %dma_start3A_58 : memref<1x1x2x128xi32, #tpu.memory_space<hbm>> -> memref<2x128xi32, #tpu.memory_space<hbm>>
    %dma_start3A_60 = arith.constant 6 : i32
    %dma_start3A_61 = arith.constant 0 : i32
    %dma_start3A_62 = tpu.memref_slice %arg8[%dma_start3A_60, %dma_start3A_61] : memref<8x128xi32, #tpu.memory_space<vmem>> -> memref<2x128xi32, #tpu.memory_space<vmem>>
    %dma_start3A_63 = arith.constant 0 : i32
    %dma_start3A_64 = arith.constant 0 : i32
    %dma_start3A_65 = tpu.memref_slice %arg3[%add3A, %dma_start3A_52, %dma_start3A_63, %dma_start3A_64] : memref<32x80x2x128xi32, #tpu.memory_space<hbm>> -> memref<1x1x2x128xi32, #tpu.memory_space<hbm>>
    %dma_start3A_66 = tpu.memref_squeeze %dma_start3A_65 : memref<1x1x2x128xi32, #tpu.memory_space<hbm>> -> memref<2x128xi32, #tpu.memory_space<hbm>>
    tpu.enqueue_dma source(%dma_start3A_66 : memref<2x128xi32, #tpu.memory_space<hbm>>) target(%dma_start3A_62 : memref<2x128xi32, #tpu.memory_space<vmem>>) target_semaphore(%arg19 : memref<!tpu.dma_semaphore, #tpu.memory_space<semaphore_mem>>)
    %dma_wait3A = arith.constant 0 : i32
    %dma_wait3A_67 = arith.constant 0 : i32
    %dma_wait3A_68 = arith.constant 0 : i32
    %dma_wait3A_69 = tpu.memref_slice %arg8[%dma_wait3A_67, %dma_wait3A_68] : memref<8x128xi32, #tpu.memory_space<vmem>> -> memref<2x128xi32, #tpu.memory_space<vmem>>
    %dma_wait3A_70 = arith.constant 0 : i32
    %dma_wait3A_71 = arith.constant 0 : i32
    %dma_wait3A_72 = tpu.memref_slice %arg3[%add3A, %dma_wait3A, %dma_wait3A_70, %dma_wait3A_71] : memref<32x80x2x128xi32, #tpu.memory_space<hbm>> -> memref<1x1x2x128xi32, #tpu.memory_space<hbm>>
    %dma_wait3A_73 = tpu.memref_squeeze %dma_wait3A_72 : memref<1x1x2x128xi32, #tpu.memory_space<hbm>> -> memref<2x128xi32, #tpu.memory_space<hbm>>
    %dma_wait3A_74 = arith.constant 0 : i32
    %dma_wait3A_75 = arith.constant 0 : i32
    %dma_wait3A_76 = tpu.memref_slice %arg8[%dma_wait3A_74, %dma_wait3A_75] : memref<8x128xi32, #tpu.memory_space<vmem>> -> memref<2x128xi32, #tpu.memory_space<vmem>>
    %dma_wait3A_77 = arith.constant 0 : i32
    %dma_wait3A_78 = arith.constant 0 : i32
    %dma_wait3A_79 = tpu.memref_slice %arg3[%add3A, %dma_wait3A, %dma_wait3A_77, %dma_wait3A_78] : memref<32x80x2x128xi32, #tpu.memory_space<hbm>> -> memref<1x1x2x128xi32, #tpu.memory_space<hbm>>
    %dma_wait3A_80 = tpu.memref_squeeze %dma_wait3A_79 : memref<1x1x2x128xi32, #tpu.memory_space<hbm>> -> memref<2x128xi32, #tpu.memory_space<hbm>>
    tpu.wait_dma2 semaphore(%arg16 : memref<!tpu.dma_semaphore, #tpu.memory_space<semaphore_mem>>) src(%dma_wait3A_80 : memref<2x128xi32, #tpu.memory_space<hbm>>) dst(%dma_wait3A_76 : memref<2x128xi32, #tpu.memory_space<vmem>>)
    %dma_start3A_81 = arith.constant 0 : i32
    %dma_start3A_82 = arith.constant 0 : i32
    %dma_start3A_83 = tpu.memref_slice %arg8[%dma_start3A_81, %dma_start3A_82] : memref<8x128xi32, #tpu.memory_space<vmem>> -> memref<1x128xi32, #tpu.memory_space<vmem>>
    %dma_start3A_84 = tpu.memref_squeeze %dma_start3A_83 : memref<1x128xi32, #tpu.memory_space<vmem>> -> memref<128xi32, #tpu.memory_space<vmem>>
    %dma_start3A_85 = arith.constant 0 : i32
    %dma_start3A_86 = arith.constant 0 : i32
    %dma_start3A_87 = tpu.memref_slice %arg2[%dma_start3A_85, %dma_start3A_86] : memref<10000x128xf32, #tpu.memory_space<hbm>> -> memref<10000x128xf32, #tpu.memory_space<hbm>>
    tpu.enqueue_indirect_dma source(%dma_start3A_87 : memref<10000x128xf32, #tpu.memory_space<hbm>>) target(%arg9 : memref<128x128xf32, #tpu.memory_space<vmem>>) offsets(%dma_start3A_84 : memref<128xi32, #tpu.memory_space<vmem>>) semaphore(%arg14 : memref<!tpu.dma_semaphore, #tpu.memory_space<semaphore_mem>>)
    %dma_wait3A_88 = arith.constant 1 : i32
    %dma_wait3A_89 = arith.constant 2 : i32
    %dma_wait3A_90 = arith.constant 0 : i32
    %dma_wait3A_91 = tpu.memref_slice %arg8[%dma_wait3A_89, %dma_wait3A_90] : memref<8x128xi32, #tpu.memory_space<vmem>> -> memref<2x128xi32, #tpu.memory_space<vmem>>
    %dma_wait3A_92 = arith.constant 0 : i32
    %dma_wait3A_93 = arith.constant 0 : i32
    %dma_wait3A_94 = tpu.memref_slice %arg3[%add3A, %dma_wait3A_88, %dma_wait3A_92, %dma_wait3A_93] : memref<32x80x2x128xi32, #tpu.memory_space<hbm>> -> memref<1x1x2x128xi32, #tpu.memory_space<hbm>>
    %dma_wait3A_95 = tpu.memref_squeeze %dma_wait3A_94 : memref<1x1x2x128xi32, #tpu.memory_space<hbm>> -> memref<2x128xi32, #tpu.memory_space<hbm>>
    %dma_wait3A_96 = arith.constant 2 : i32
    %dma_wait3A_97 = arith.constant 0 : i32
    %dma_wait3A_98 = tpu.memref_slice %arg8[%dma_wait3A_96, %dma_wait3A_97] : memref<8x128xi32, #tpu.memory_space<vmem>> -> memref<2x128xi32, #tpu.memory_space<vmem>>
    %dma_wait3A_99 = arith.constant 0 : i32
    %dma_wait3A_100 = arith.constant 0 : i32
    %dma_wait3A_101 = tpu.memref_slice %arg3[%add3A, %dma_wait3A_88, %dma_wait3A_99, %dma_wait3A_100] : memref<32x80x2x128xi32, #tpu.memory_space<hbm>> -> memref<1x1x2x128xi32, #tpu.memory_space<hbm>>
    %dma_wait3A_102 = tpu.memref_squeeze %dma_wait3A_101 : memref<1x1x2x128xi32, #tpu.memory_space<hbm>> -> memref<2x128xi32, #tpu.memory_space<hbm>>
    tpu.wait_dma2 semaphore(%arg17 : memref<!tpu.dma_semaphore, #tpu.memory_space<semaphore_mem>>) src(%dma_wait3A_102 : memref<2x128xi32, #tpu.memory_space<hbm>>) dst(%dma_wait3A_98 : memref<2x128xi32, #tpu.memory_space<vmem>>)
    %dma_start3A_103 = arith.constant 2 : i32
    %dma_start3A_104 = arith.constant 0 : i32
    %dma_start3A_105 = tpu.memref_slice %arg8[%dma_start3A_103, %dma_start3A_104] : memref<8x128xi32, #tpu.memory_space<vmem>> -> memref<1x128xi32, #tpu.memory_space<vmem>>
    %dma_start3A_106 = tpu.memref_squeeze %dma_start3A_105 : memref<1x128xi32, #tpu.memory_space<vmem>> -> memref<128xi32, #tpu.memory_space<vmem>>
    %dma_start3A_107 = arith.constant 0 : i32
    %dma_start3A_108 = arith.constant 0 : i32
    %dma_start3A_109 = tpu.memref_slice %arg2[%dma_start3A_107, %dma_start3A_108] : memref<10000x128xf32, #tpu.memory_space<hbm>> -> memref<10000x128xf32, #tpu.memory_space<hbm>>
    tpu.enqueue_indirect_dma source(%dma_start3A_109 : memref<10000x128xf32, #tpu.memory_space<hbm>>) target(%arg10 : memref<128x128xf32, #tpu.memory_space<vmem>>) offsets(%dma_start3A_106 : memref<128xi32, #tpu.memory_space<vmem>>) semaphore(%arg15 : memref<!tpu.dma_semaphore, #tpu.memory_space<semaphore_mem>>)
    %dma_wait3A_110 = arith.constant 0 : i32
    %dma_wait3A_111 = arith.constant 0 : i32
    %dma_wait3A_112 = tpu.memref_slice %arg8[%dma_wait3A_110, %dma_wait3A_111] : memref<8x128xi32, #tpu.memory_space<vmem>> -> memref<1x128xi32, #tpu.memory_space<vmem>>
    %dma_wait3A_113 = tpu.memref_squeeze %dma_wait3A_112 : memref<1x128xi32, #tpu.memory_space<vmem>> -> memref<128xi32, #tpu.memory_space<vmem>>
    %dma_wait3A_114 = arith.constant 0 : i32
    %dma_wait3A_115 = arith.constant 0 : i32
    %dma_wait3A_116 = tpu.memref_slice %arg2[%dma_wait3A_114, %dma_wait3A_115] : memref<10000x128xf32, #tpu.memory_space<hbm>> -> memref<10000x128xf32, #tpu.memory_space<hbm>>
    tpu.wait_indirect_dma semaphore(%arg14 : memref<!tpu.dma_semaphore, #tpu.memory_space<semaphore_mem>>) src(%dma_wait3A_116 : memref<10000x128xf32, #tpu.memory_space<hbm>>) dst(%arg9 : memref<128x128xf32, #tpu.memory_space<vmem>>)
    %dma_start3A_117 = arith.constant 1 : i32
    %dma_start3A_118 = arith.constant 0 : i32
    %dma_start3A_119 = tpu.memref_slice %arg8[%dma_start3A_117, %dma_start3A_118] : memref<8x128xi32, #tpu.memory_space<vmem>> -> memref<1x128xi32, #tpu.memory_space<vmem>>
    %dma_start3A_120 = tpu.memref_squeeze %dma_start3A_119 : memref<1x128xi32, #tpu.memory_space<vmem>> -> memref<128xi32, #tpu.memory_space<vmem>>
    %dma_start3A_121 = arith.constant 0 : i32
    %dma_start3A_122 = arith.constant 0 : i32
    %dma_start3A_123 = tpu.memref_slice %arg12[%dma_start3A_121, %dma_start3A_122] : memref<10240x128xf32, #tpu.memory_space<vmem_shared>> -> memref<10240x128xf32, #tpu.memory_space<vmem_shared>>
    tpu.enqueue_indirect_dma source(%arg9 : memref<128x128xf32, #tpu.memory_space<vmem>>) target(%dma_start3A_123 : memref<10240x128xf32, #tpu.memory_space<vmem_shared>>) offsets(%dma_start3A_120 : memref<128xi32, #tpu.memory_space<vmem>>) semaphore(%arg20 : memref<!tpu.dma_semaphore, #tpu.memory_space<semaphore_mem>>) {add = true}
    %dma_start3A_124 = arith.constant 1 : i32
    %dma_start3A_125 = arith.constant 0 : i32
    %dma_start3A_126 = tpu.memref_slice %arg8[%dma_start3A_124, %dma_start3A_125] : memref<8x128xi32, #tpu.memory_space<vmem>> -> memref<1x128xi32, #tpu.memory_space<vmem>>
    %dma_start3A_127 = tpu.memref_squeeze %dma_start3A_126 : memref<1x128xi32, #tpu.memory_space<vmem>> -> memref<128xi32, #tpu.memory_space<vmem>>
    %dma_start3A_128 = arith.constant 0 : i32
    %dma_start3A_129 = tpu.memref_slice %arg13[%dma_start3A_128] : memref<10240xf32, #tpu.memory_space<vmem_shared>> -> memref<10240xf32, #tpu.memory_space<vmem_shared>>
    tpu.enqueue_indirect_dma source(%arg11 : memref<128xf32, #tpu.memory_space<vmem>>) target(%dma_start3A_129 : memref<10240xf32, #tpu.memory_space<vmem_shared>>) offsets(%dma_start3A_127 : memref<128xi32, #tpu.memory_space<vmem>>) semaphore(%arg22 : memref<!tpu.dma_semaphore, #tpu.memory_space<semaphore_mem>>) {add = true}
    %dma_wait3A_130 = arith.constant 2 : i32
    %dma_wait3A_131 = arith.constant 4 : i32
    %dma_wait3A_132 = arith.constant 0 : i32
    %dma_wait3A_133 = tpu.memref_slice %arg8[%dma_wait3A_131, %dma_wait3A_132] : memref<8x128xi32, #tpu.memory_space<vmem>> -> memref<2x128xi32, #tpu.memory_space<vmem>>
    %dma_wait3A_134 = arith.constant 0 : i32
    %dma_wait3A_135 = arith.constant 0 : i32
    %dma_wait3A_136 = tpu.memref_slice %arg3[%add3A, %dma_wait3A_130, %dma_wait3A_134, %dma_wait3A_135] : memref<32x80x2x128xi32, #tpu.memory_space<hbm>> -> memref<1x1x2x128xi32, #tpu.memory_space<hbm>>
    %dma_wait3A_137 = tpu.memref_squeeze %dma_wait3A_136 : memref<1x1x2x128xi32, #tpu.memory_space<hbm>> -> memref<2x128xi32, #tpu.memory_space<hbm>>
    %dma_wait3A_138 = arith.constant 4 : i32
    %dma_wait3A_139 = arith.constant 0 : i32
    %dma_wait3A_140 = tpu.memref_slice %arg8[%dma_wait3A_138, %dma_wait3A_139] : memref<8x128xi32, #tpu.memory_space<vmem>> -> memref<2x128xi32, #tpu.memory_space<vmem>>
    %dma_wait3A_141 = arith.constant 0 : i32
    %dma_wait3A_142 = arith.constant 0 : i32
    %dma_wait3A_143 = tpu.memref_slice %arg3[%add3A, %dma_wait3A_130, %dma_wait3A_141, %dma_wait3A_142] : memref<32x80x2x128xi32, #tpu.memory_space<hbm>> -> memref<1x1x2x128xi32, #tpu.memory_space<hbm>>
    %dma_wait3A_144 = tpu.memref_squeeze %dma_wait3A_143 : memref<1x1x2x128xi32, #tpu.memory_space<hbm>> -> memref<2x128xi32, #tpu.memory_space<hbm>>
    tpu.wait_dma2 semaphore(%arg18 : memref<!tpu.dma_semaphore, #tpu.memory_space<semaphore_mem>>) src(%dma_wait3A_144 : memref<2x128xi32, #tpu.memory_space<hbm>>) dst(%dma_wait3A_140 : memref<2x128xi32, #tpu.memory_space<vmem>>)
    %dma_wait3A_145 = arith.constant 1 : i32
    %dma_wait3A_146 = arith.constant 0 : i32
    %dma_wait3A_147 = tpu.memref_slice %arg8[%dma_wait3A_145, %dma_wait3A_146] : memref<8x128xi32, #tpu.memory_space<vmem>> -> memref<1x128xi32, #tpu.memory_space<vmem>>
    %dma_wait3A_148 = tpu.memref_squeeze %dma_wait3A_147 : memref<1x128xi32, #tpu.memory_space<vmem>> -> memref<128xi32, #tpu.memory_space<vmem>>
    %dma_wait3A_149 = arith.constant 0 : i32
    %dma_wait3A_150 = arith.constant 0 : i32
    %dma_wait3A_151 = tpu.memref_slice %arg12[%dma_wait3A_149, %dma_wait3A_150] : memref<10240x128xf32, #tpu.memory_space<vmem_shared>> -> memref<10240x128xf32, #tpu.memory_space<vmem_shared>>
    tpu.wait_indirect_dma semaphore(%arg20 : memref<!tpu.dma_semaphore, #tpu.memory_space<semaphore_mem>>) src(%arg9 : memref<128x128xf32, #tpu.memory_space<vmem>>) dst(%dma_wait3A_151 : memref<10240x128xf32, #tpu.memory_space<vmem_shared>>)
    %dma_wait3A_152 = arith.constant 1 : i32
    %dma_wait3A_153 = arith.constant 0 : i32
    %dma_wait3A_154 = tpu.memref_slice %arg8[%dma_wait3A_152, %dma_wait3A_153] : memref<8x128xi32, #tpu.memory_space<vmem>> -> memref<1x128xi32, #tpu.memory_space<vmem>>
    %dma_wait3A_155 = tpu.memref_squeeze %dma_wait3A_154 : memref<1x128xi32, #tpu.memory_space<vmem>> -> memref<128xi32, #tpu.memory_space<vmem>>
    %dma_wait3A_156 = arith.constant 0 : i32
    %dma_wait3A_157 = tpu.memref_slice %arg13[%dma_wait3A_156] : memref<10240xf32, #tpu.memory_space<vmem_shared>> -> memref<10240xf32, #tpu.memory_space<vmem_shared>>
    tpu.wait_indirect_dma semaphore(%arg22 : memref<!tpu.dma_semaphore, #tpu.memory_space<semaphore_mem>>) src(%arg11 : memref<128xf32, #tpu.memory_space<vmem>>) dst(%dma_wait3A_157 : memref<10240xf32, #tpu.memory_space<vmem_shared>>)
    %dma_start3A_158 = arith.constant 4 : i32
    %dma_start3A_159 = arith.constant 0 : i32
    %dma_start3A_160 = tpu.memref_slice %arg8[%dma_start3A_158, %dma_start3A_159] : memref<8x128xi32, #tpu.memory_space<vmem>> -> memref<1x128xi32, #tpu.memory_space<vmem>>
    %dma_start3A_161 = tpu.memref_squeeze %dma_start3A_160 : memref<1x128xi32, #tpu.memory_space<vmem>> -> memref<128xi32, #tpu.memory_space<vmem>>
    %dma_start3A_162 = arith.constant 0 : i32
    %dma_start3A_163 = arith.constant 0 : i32
    %dma_start3A_164 = tpu.memref_slice %arg2[%dma_start3A_162, %dma_start3A_163] : memref<10000x128xf32, #tpu.memory_space<hbm>> -> memref<10000x128xf32, #tpu.memory_space<hbm>>
    tpu.enqueue_indirect_dma source(%dma_start3A_164 : memref<10000x128xf32, #tpu.memory_space<hbm>>) target(%arg9 : memref<128x128xf32, #tpu.memory_space<vmem>>) offsets(%dma_start3A_161 : memref<128xi32, #tpu.memory_space<vmem>>) semaphore(%arg14 : memref<!tpu.dma_semaphore, #tpu.memory_space<semaphore_mem>>)
    %dma_start3A_165 = arith.constant 4 : i32
    %dma_start3A_166 = arith.constant 0 : i32
    %dma_start3A_167 = arith.constant 0 : i32
    %dma_start3A_168 = tpu.memref_slice %arg8[%dma_start3A_166, %dma_start3A_167] : memref<8x128xi32, #tpu.memory_space<vmem>> -> memref<2x128xi32, #tpu.memory_space<vmem>>
    %dma_start3A_169 = arith.constant 0 : i32
    %dma_start3A_170 = arith.constant 0 : i32
    %dma_start3A_171 = tpu.memref_slice %arg3[%add3A, %dma_start3A_165, %dma_start3A_169, %dma_start3A_170] : memref<32x80x2x128xi32, #tpu.memory_space<hbm>> -> memref<1x1x2x128xi32, #tpu.memory_space<hbm>>
    %dma_start3A_172 = tpu.memref_squeeze %dma_start3A_171 : memref<1x1x2x128xi32, #tpu.memory_space<hbm>> -> memref<2x128xi32, #tpu.memory_space<hbm>>
    %dma_start3A_173 = arith.constant 0 : i32
    %dma_start3A_174 = arith.constant 0 : i32
    %dma_start3A_175 = tpu.memref_slice %arg8[%dma_start3A_173, %dma_start3A_174] : memref<8x128xi32, #tpu.memory_space<vmem>> -> memref<2x128xi32, #tpu.memory_space<vmem>>
    %dma_start3A_176 = arith.constant 0 : i32
    %dma_start3A_177 = arith.constant 0 : i32
    %dma_start3A_178 = tpu.memref_slice %arg3[%add3A, %dma_start3A_165, %dma_start3A_176, %dma_start3A_177] : memref<32x80x2x128xi32, #tpu.memory_space<hbm>> -> memref<1x1x2x128xi32, #tpu.memory_space<hbm>>
    %dma_start3A_179 = tpu.memref_squeeze %dma_start3A_178 : memref<1x1x2x128xi32, #tpu.memory_space<hbm>> -> memref<2x128xi32, #tpu.memory_space<hbm>>
    tpu.enqueue_dma source(%dma_start3A_179 : memref<2x128xi32, #tpu.memory_space<hbm>>) target(%dma_start3A_175 : memref<2x128xi32, #tpu.memory_space<vmem>>) target_semaphore(%arg16 : memref<!tpu.dma_semaphore, #tpu.memory_space<semaphore_mem>>)
    %dma_wait3A_180 = arith.constant 2 : i32
    %dma_wait3A_181 = arith.constant 0 : i32
    %dma_wait3A_182 = tpu.memref_slice %arg8[%dma_wait3A_180, %dma_wait3A_181] : memref<8x128xi32, #tpu.memory_space<vmem>> -> memref<1x128xi32, #tpu.memory_space<vmem>>
    %dma_wait3A_183 = tpu.memref_squeeze %dma_wait3A_182 : memref<1x128xi32, #tpu.memory_space<vmem>> -> memref<128xi32, #tpu.memory_space<vmem>>
    %dma_wait3A_184 = arith.constant 0 : i32
    %dma_wait3A_185 = arith.constant 0 : i32
    %dma_wait3A_186 = tpu.memref_slice %arg2[%dma_wait3A_184, %dma_wait3A_185] : memref<10000x128xf32, #tpu.memory_space<hbm>> -> memref<10000x128xf32, #tpu.memory_space<hbm>>
    tpu.wait_indirect_dma semaphore(%arg15 : memref<!tpu.dma_semaphore, #tpu.memory_space<semaphore_mem>>) src(%dma_wait3A_186 : memref<10000x128xf32, #tpu.memory_space<hbm>>) dst(%arg10 : memref<128x128xf32, #tpu.memory_space<vmem>>)
    %dma_start3A_187 = arith.constant 3 : i32
    %dma_start3A_188 = arith.constant 0 : i32
    %dma_start3A_189 = tpu.memref_slice %arg8[%dma_start3A_187, %dma_start3A_188] : memref<8x128xi32, #tpu.memory_space<vmem>> -> memref<1x128xi32, #tpu.memory_space<vmem>>
    %dma_start3A_190 = tpu.memref_squeeze %dma_start3A_189 : memref<1x128xi32, #tpu.memory_space<vmem>> -> memref<128xi32, #tpu.memory_space<vmem>>
    %dma_start3A_191 = arith.constant 0 : i32
    %dma_start3A_192 = arith.constant 0 : i32
    %dma_start3A_193 = tpu.memref_slice %arg12[%dma_start3A_191, %dma_start3A_192] : memref<10240x128xf32, #tpu.memory_space<vmem_shared>> -> memref<10240x128xf32, #tpu.memory_space<vmem_shared>>
    tpu.enqueue_indirect_dma source(%arg10 : memref<128x128xf32, #tpu.memory_space<vmem>>) target(%dma_start3A_193 : memref<10240x128xf32, #tpu.memory_space<vmem_shared>>) offsets(%dma_start3A_190 : memref<128xi32, #tpu.memory_space<vmem>>) semaphore(%arg21 : memref<!tpu.dma_semaphore, #tpu.memory_space<semaphore_mem>>) {add = true}
    %dma_start3A_194 = arith.constant 3 : i32
    %dma_start3A_195 = arith.constant 0 : i32
    %dma_start3A_196 = tpu.memref_slice %arg8[%dma_start3A_194, %dma_start3A_195] : memref<8x128xi32, #tpu.memory_space<vmem>> -> memref<1x128xi32, #tpu.memory_space<vmem>>
    %dma_start3A_197 = tpu.memref_squeeze %dma_start3A_196 : memref<1x128xi32, #tpu.memory_space<vmem>> -> memref<128xi32, #tpu.memory_space<vmem>>
    %dma_start3A_198 = arith.constant 0 : i32
    %dma_start3A_199 = tpu.memref_slice %arg13[%dma_start3A_198] : memref<10240xf32, #tpu.memory_space<vmem_shared>> -> memref<10240xf32, #tpu.memory_space<vmem_shared>>
    tpu.enqueue_indirect_dma source(%arg11 : memref<128xf32, #tpu.memory_space<vmem>>) target(%dma_start3A_199 : memref<10240xf32, #tpu.memory_space<vmem_shared>>) offsets(%dma_start3A_197 : memref<128xi32, #tpu.memory_space<vmem>>) semaphore(%arg23 : memref<!tpu.dma_semaphore, #tpu.memory_space<semaphore_mem>>) {add = true}
    %dma_wait3A_200 = arith.constant 3 : i32
    %dma_wait3A_201 = arith.constant 6 : i32
    %dma_wait3A_202 = arith.constant 0 : i32
    %dma_wait3A_203 = tpu.memref_slice %arg8[%dma_wait3A_201, %dma_wait3A_202] : memref<8x128xi32, #tpu.memory_space<vmem>> -> memref<2x128xi32, #tpu.memory_space<vmem>>
    %dma_wait3A_204 = arith.constant 0 : i32
    %dma_wait3A_205 = arith.constant 0 : i32
    %dma_wait3A_206 = tpu.memref_slice %arg3[%add3A, %dma_wait3A_200, %dma_wait3A_204, %dma_wait3A_205] : memref<32x80x2x128xi32, #tpu.memory_space<hbm>> -> memref<1x1x2x128xi32, #tpu.memory_space<hbm>>
    %dma_wait3A_207 = tpu.memref_squeeze %dma_wait3A_206 : memref<1x1x2x128xi32, #tpu.memory_space<hbm>> -> memref<2x128xi32, #tpu.memory_space<hbm>>
    %dma_wait3A_208 = arith.constant 6 : i32
    %dma_wait3A_209 = arith.constant 0 : i32
    %dma_wait3A_210 = tpu.memref_slice %arg8[%dma_wait3A_208, %dma_wait3A_209] : memref<8x128xi32, #tpu.memory_space<vmem>> -> memref<2x128xi32, #tpu.memory_space<vmem>>
    %dma_wait3A_211 = arith.constant 0 : i32
    %dma_wait3A_212 = arith.constant 0 : i32
    %dma_wait3A_213 = tpu.memref_slice %arg3[%add3A, %dma_wait3A_200, %dma_wait3A_211, %dma_wait3A_212] : memref<32x80x2x128xi32, #tpu.memory_space<hbm>> -> memref<1x1x2x128xi32, #tpu.memory_space<hbm>>
    %dma_wait3A_214 = tpu.memref_squeeze %dma_wait3A_213 : memref<1x1x2x128xi32, #tpu.memory_space<hbm>> -> memref<2x128xi32, #tpu.memory_space<hbm>>
    tpu.wait_dma2 semaphore(%arg19 : memref<!tpu.dma_semaphore, #tpu.memory_space<semaphore_mem>>) src(%dma_wait3A_214 : memref<2x128xi32, #tpu.memory_space<hbm>>) dst(%dma_wait3A_210 : memref<2x128xi32, #tpu.memory_space<vmem>>)
    %dma_wait3A_215 = arith.constant 3 : i32
    %dma_wait3A_216 = arith.constant 0 : i32
    %dma_wait3A_217 = tpu.memref_slice %arg8[%dma_wait3A_215, %dma_wait3A_216] : memref<8x128xi32, #tpu.memory_space<vmem>> -> memref<1x128xi32, #tpu.memory_space<vmem>>
    %dma_wait3A_218 = tpu.memref_squeeze %dma_wait3A_217 : memref<1x128xi32, #tpu.memory_space<vmem>> -> memref<128xi32, #tpu.memory_space<vmem>>
    %dma_wait3A_219 = arith.constant 0 : i32
    %dma_wait3A_220 = arith.constant 0 : i32
    %dma_wait3A_221 = tpu.memref_slice %arg12[%dma_wait3A_219, %dma_wait3A_220] : memref<10240x128xf32, #tpu.memory_space<vmem_shared>> -> memref<10240x128xf32, #tpu.memory_space<vmem_shared>>
    tpu.wait_indirect_dma semaphore(%arg21 : memref<!tpu.dma_semaphore, #tpu.memory_space<semaphore_mem>>) src(%arg10 : memref<128x128xf32, #tpu.memory_space<vmem>>) dst(%dma_wait3A_221 : memref<10240x128xf32, #tpu.memory_space<vmem_shared>>)
    %dma_wait3A_222 = arith.constant 3 : i32
    %dma_wait3A_223 = arith.constant 0 : i32
    %dma_wait3A_224 = tpu.memref_slice %arg8[%dma_wait3A_222, %dma_wait3A_223] : memref<8x128xi32, #tpu.memory_space<vmem>> -> memref<1x128xi32, #tpu.memory_space<vmem>>
    %dma_wait3A_225 = tpu.memref_squeeze %dma_wait3A_224 : memref<1x128xi32, #tpu.memory_space<vmem>> -> memref<128xi32, #tpu.memory_space<vmem>>
    %dma_wait3A_226 = arith.constant 0 : i32
    %dma_wait3A_227 = tpu.memref_slice %arg13[%dma_wait3A_226] : memref<10240xf32, #tpu.memory_space<vmem_shared>> -> memref<10240xf32, #tpu.memory_space<vmem_shared>>
    tpu.wait_indirect_dma semaphore(%arg23 : memref<!tpu.dma_semaphore, #tpu.memory_space<semaphore_mem>>) src(%arg11 : memref<128xf32, #tpu.memory_space<vmem>>) dst(%dma_wait3A_227 : memref<10240xf32, #tpu.memory_space<vmem_shared>>)
    %dma_start3A_228 = arith.constant 6 : i32
    %dma_start3A_229 = arith.constant 0 : i32
    %dma_start3A_230 = tpu.memref_slice %arg8[%dma_start3A_228, %dma_start3A_229] : memref<8x128xi32, #tpu.memory_space<vmem>> -> memref<1x128xi32, #tpu.memory_space<vmem>>
    %dma_start3A_231 = tpu.memref_squeeze %dma_start3A_230 : memref<1x128xi32, #tpu.memory_space<vmem>> -> memref<128xi32, #tpu.memory_space<vmem>>
    %dma_start3A_232 = arith.constant 0 : i32
    %dma_start3A_233 = arith.constant 0 : i32
    %dma_start3A_234 = tpu.memref_slice %arg2[%dma_start3A_232, %dma_start3A_233] : memref<10000x128xf32, #tpu.memory_space<hbm>> -> memref<10000x128xf32, #tpu.memory_space<hbm>>
    tpu.enqueue_indirect_dma source(%dma_start3A_234 : memref<10000x128xf32, #tpu.memory_space<hbm>>) target(%arg10 : memref<128x128xf32, #tpu.memory_space<vmem>>) offsets(%dma_start3A_231 : memref<128xi32, #tpu.memory_space<vmem>>) semaphore(%arg15 : memref<!tpu.dma_semaphore, #tpu.memory_space<semaphore_mem>>)
    %dma_start3A_235 = arith.constant 5 : i32
    %dma_start3A_236 = arith.constant 2 : i32
    %dma_start3A_237 = arith.constant 0 : i32
    %dma_start3A_238 = tpu.memref_slice %arg8[%dma_start3A_236, %dma_start3A_237] : memref<8x128xi32, #tpu.memory_space<vmem>> -> memref<2x128xi32, #tpu.memory_space<vmem>>
    %dma_start3A_239 = arith.constant 0 : i32
    %dma_start3A_240 = arith.constant 0 : i32
    %dma_start3A_241 = tpu.memref_slice %arg3[%add3A, %dma_start3A_235, %dma_start3A_239, %dma_start3A_240] : memref<32x80x2x128xi32, #tpu.memory_space<hbm>> -> memref<1x1x2x128xi32, #tpu.memory_space<hbm>>
    %dma_start3A_242 = tpu.memref_squeeze %dma_start3A_241 : memref<1x1x2x128xi32, #tpu.memory_space<hbm>> -> memref<2x128xi32, #tpu.memory_space<hbm>>
    %dma_start3A_243 = arith.constant 2 : i32
    %dma_start3A_244 = arith.constant 0 : i32
    %dma_start3A_245 = tpu.memref_slice %arg8[%dma_start3A_243, %dma_start3A_244] : memref<8x128xi32, #tpu.memory_space<vmem>> -> memref<2x128xi32, #tpu.memory_space<vmem>>
    %dma_start3A_246 = arith.constant 0 : i32
    %dma_start3A_247 = arith.constant 0 : i32
    %dma_start3A_248 = tpu.memref_slice %arg3[%add3A, %dma_start3A_235, %dma_start3A_246, %dma_start3A_247] : memref<32x80x2x128xi32, #tpu.memory_space<hbm>> -> memref<1x1x2x128xi32, #tpu.memory_space<hbm>>
    %dma_start3A_249 = tpu.memref_squeeze %dma_start3A_248 : memref<1x1x2x128xi32, #tpu.memory_space<hbm>> -> memref<2x128xi32, #tpu.memory_space<hbm>>
    tpu.enqueue_dma source(%dma_start3A_249 : memref<2x128xi32, #tpu.memory_space<hbm>>) target(%dma_start3A_245 : memref<2x128xi32, #tpu.memory_space<vmem>>) target_semaphore(%arg17 : memref<!tpu.dma_semaphore, #tpu.memory_space<semaphore_mem>>)
    %dma_wait3A_250 = arith.constant 4 : i32
    %dma_wait3A_251 = arith.constant 0 : i32
    %dma_wait3A_252 = tpu.memref_slice %arg8[%dma_wait3A_250, %dma_wait3A_251] : memref<8x128xi32, #tpu.memory_space<vmem>> -> memref<1x128xi32, #tpu.memory_space<vmem>>
    %dma_wait3A_253 = tpu.memref_squeeze %dma_wait3A_252 : memref<1x128xi32, #tpu.memory_space<vmem>> -> memref<128xi32, #tpu.memory_space<vmem>>
    %dma_wait3A_254 = arith.constant 0 : i32
    %dma_wait3A_255 = arith.constant 0 : i32
    %dma_wait3A_256 = tpu.memref_slice %arg2[%dma_wait3A_254, %dma_wait3A_255] : memref<10000x128xf32, #tpu.memory_space<hbm>> -> memref<10000x128xf32, #tpu.memory_space<hbm>>
    tpu.wait_indirect_dma semaphore(%arg14 : memref<!tpu.dma_semaphore, #tpu.memory_space<semaphore_mem>>) src(%dma_wait3A_256 : memref<10000x128xf32, #tpu.memory_space<hbm>>) dst(%arg9 : memref<128x128xf32, #tpu.memory_space<vmem>>)
    %dma_start3A_257 = arith.constant 5 : i32
    %dma_start3A_258 = arith.constant 0 : i32
    %dma_start3A_259 = tpu.memref_slice %arg8[%dma_start3A_257, %dma_start3A_258] : memref<8x128xi32, #tpu.memory_space<vmem>> -> memref<1x128xi32, #tpu.memory_space<vmem>>
    %dma_start3A_260 = tpu.memref_squeeze %dma_start3A_259 : memref<1x128xi32, #tpu.memory_space<vmem>> -> memref<128xi32, #tpu.memory_space<vmem>>
    %dma_start3A_261 = arith.constant 0 : i32
    %dma_start3A_262 = arith.constant 0 : i32
    %dma_start3A_263 = tpu.memref_slice %arg12[%dma_start3A_261, %dma_start3A_262] : memref<10240x128xf32, #tpu.memory_space<vmem_shared>> -> memref<10240x128xf32, #tpu.memory_space<vmem_shared>>
    tpu.enqueue_indirect_dma source(%arg9 : memref<128x128xf32, #tpu.memory_space<vmem>>) target(%dma_start3A_263 : memref<10240x128xf32, #tpu.memory_space<vmem_shared>>) offsets(%dma_start3A_260 : memref<128xi32, #tpu.memory_space<vmem>>) semaphore(%arg20 : memref<!tpu.dma_semaphore, #tpu.memory_space<semaphore_mem>>) {add = true}
    %dma_start3A_264 = arith.constant 5 : i32
    %dma_start3A_265 = arith.constant 0 : i32
    %dma_start3A_266 = tpu.memref_slice %arg8[%dma_start3A_264, %dma_start3A_265] : memref<8x128xi32, #tpu.memory_space<vmem>> -> memref<1x128xi32, #tpu.memory_space<vmem>>
    %dma_start3A_267 = tpu.memref_squeeze %dma_start3A_266 : memref<1x128xi32, #tpu.memory_space<vmem>> -> memref<128xi32, #tpu.memory_space<vmem>>
    %dma_start3A_268 = arith.constant 0 : i32
    %dma_start3A_269 = tpu.memref_slice %arg13[%dma_start3A_268] : memref<10240xf32, #tpu.memory_space<vmem_shared>> -> memref<10240xf32, #tpu.memory_space<vmem_shared>>
    tpu.enqueue_indirect_dma source(%arg11 : memref<128xf32, #tpu.memory_space<vmem>>) target(%dma_start3A_269 : memref<10240xf32, #tpu.memory_space<vmem_shared>>) offsets(%dma_start3A_267 : memref<128xi32, #tpu.memory_space<vmem>>) semaphore(%arg22 : memref<!tpu.dma_semaphore, #tpu.memory_space<semaphore_mem>>) {add = true}
    %dma_wait3A_270 = arith.constant 4 : i32
    %dma_wait3A_271 = arith.constant 0 : i32
    %dma_wait3A_272 = arith.constant 0 : i32
    %dma_wait3A_273 = tpu.memref_slice %arg8[%dma_wait3A_271, %dma_wait3A_272] : memref<8x128xi32, #tpu.memory_space<vmem>> -> memref<2x128xi32, #tpu.memory_space<vmem>>
    %dma_wait3A_274 = arith.constant 0 : i32
    %dma_wait3A_275 = arith.constant 0 : i32
    %dma_wait3A_276 = tpu.memref_slice %arg3[%add3A, %dma_wait3A_270, %dma_wait3A_274, %dma_wait3A_275] : memref<32x80x2x128xi32, #tpu.memory_space<hbm>> -> memref<1x1x2x128xi32, #tpu.memory_space<hbm>>
    %dma_wait3A_277 = tpu.memref_squeeze %dma_wait3A_276 : memref<1x1x2x128xi32, #tpu.memory_space<hbm>> -> memref<2x128xi32, #tpu.memory_space<hbm>>
    %dma_wait3A_278 = arith.constant 0 : i32
    %dma_wait3A_279 = arith.constant 0 : i32
    %dma_wait3A_280 = tpu.memref_slice %arg8[%dma_wait3A_278, %dma_wait3A_279] : memref<8x128xi32, #tpu.memory_space<vmem>> -> memref<2x128xi32, #tpu.memory_space<vmem>>
    %dma_wait3A_281 = arith.constant 0 : i32
    %dma_wait3A_282 = arith.constant 0 : i32
    %dma_wait3A_283 = tpu.memref_slice %arg3[%add3A, %dma_wait3A_270, %dma_wait3A_281, %dma_wait3A_282] : memref<32x80x2x128xi32, #tpu.memory_space<hbm>> -> memref<1x1x2x128xi32, #tpu.memory_space<hbm>>
    %dma_wait3A_284 = tpu.memref_squeeze %dma_wait3A_283 : memref<1x1x2x128xi32, #tpu.memory_space<hbm>> -> memref<2x128xi32, #tpu.memory_space<hbm>>
    tpu.wait_dma2 semaphore(%arg16 : memref<!tpu.dma_semaphore, #tpu.memory_space<semaphore_mem>>) src(%dma_wait3A_284 : memref<2x128xi32, #tpu.memory_space<hbm>>) dst(%dma_wait3A_280 : memref<2x128xi32, #tpu.memory_space<vmem>>)
    %dma_wait3A_285 = arith.constant 5 : i32
    %dma_wait3A_286 = arith.constant 0 : i32
    %dma_wait3A_287 = tpu.memref_slice %arg8[%dma_wait3A_285, %dma_wait3A_286] : memref<8x128xi32, #tpu.memory_space<vmem>> -> memref<1x128xi32, #tpu.memory_space<vmem>>
    %dma_wait3A_288 = tpu.memref_squeeze %dma_wait3A_287 : memref<1x128xi32, #tpu.memory_space<vmem>> -> memref<128xi32, #tpu.memory_space<vmem>>
    %dma_wait3A_289 = arith.constant 0 : i32
    %dma_wait3A_290 = arith.constant 0 : i32
    %dma_wait3A_291 = tpu.memref_slice %arg12[%dma_wait3A_289, %dma_wait3A_290] : memref<10240x128xf32, #tpu.memory_space<vmem_shared>> -> memref<10240x128xf32, #tpu.memory_space<vmem_shared>>
    tpu.wait_indirect_dma semaphore(%arg20 : memref<!tpu.dma_semaphore, #tpu.memory_space<semaphore_mem>>) src(%arg9 : memref<128x128xf32, #tpu.memory_space<vmem>>) dst(%dma_wait3A_291 : memref<10240x128xf32, #tpu.memory_space<vmem_shared>>)
    %dma_wait3A_292 = arith.constant 5 : i32
    %dma_wait3A_293 = arith.constant 0 : i32
    %dma_wait3A_294 = tpu.memref_slice %arg8[%dma_wait3A_292, %dma_wait3A_293] : memref<8x128xi32, #tpu.memory_space<vmem>> -> memref<1x128xi32, #tpu.memory_space<vmem>>
    %dma_wait3A_295 = tpu.memref_squeeze %dma_wait3A_294 : memref<1x128xi32, #tpu.memory_space<vmem>> -> memref<128xi32, #tpu.memory_space<vmem>>
    %dma_wait3A_296 = arith.constant 0 : i32
    %dma_wait3A_297 = tpu.memref_slice %arg13[%dma_wait3A_296] : memref<10240xf32, #tpu.memory_space<vmem_shared>> -> memref<10240xf32, #tpu.memory_space<vmem_shared>>
    tpu.wait_indirect_dma semaphore(%arg22 : memref<!tpu.dma_semaphore, #tpu.memory_space<semaphore_mem>>) src(%arg11 : memref<128xf32, #tpu.memory_space<vmem>>) dst(%dma_wait3A_297 : memref<10240xf32, #tpu.memory_space<vmem_shared>>)
    %dma_start3A_298 = arith.constant 0 : i32
    %dma_start3A_299 = arith.constant 0 : i32
    %dma_start3A_300 = tpu.memref_slice %arg8[%dma_start3A_298, %dma_start3A_299] : memref<8x128xi32, #tpu.memory_space<vmem>> -> memref<1x128xi32, #tpu.memory_space<vmem>>
    %dma_start3A_301 = tpu.memref_squeeze %dma_start3A_300 : memref<1x128xi32, #tpu.memory_space<vmem>> -> memref<128xi32, #tpu.memory_space<vmem>>
    %dma_start3A_302 = arith.constant 0 : i32
    %dma_start3A_303 = arith.constant 0 : i32
    %dma_start3A_304 = tpu.memref_slice %arg2[%dma_start3A_302, %dma_start3A_303] : memref<10000x128xf32, #tpu.memory_space<hbm>> -> memref<10000x128xf32, #tpu.memory_space<hbm>>
    tpu.enqueue_indirect_dma source(%dma_start3A_304 : memref<10000x128xf32, #tpu.memory_space<hbm>>) target(%arg9 : memref<128x128xf32, #tpu.memory_space<vmem>>) offsets(%dma_start3A_301 : memref<128xi32, #tpu.memory_space<vmem>>) semaphore(%arg14 : memref<!tpu.dma_semaphore, #tpu.memory_space<semaphore_mem>>)
    %dma_start3A_305 = arith.constant 6 : i32
    %dma_start3A_306 = arith.constant 4 : i32
    %dma_start3A_307 = arith.constant 0 : i32
    %dma_start3A_308 = tpu.memref_slice %arg8[%dma_start3A_306, %dma_start3A_307] : memref<8x128xi32, #tpu.memory_space<vmem>> -> memref<2x128xi32, #tpu.memory_space<vmem>>
    %dma_start3A_309 = arith.constant 0 : i32
    %dma_start3A_310 = arith.constant 0 : i32
    %dma_start3A_311 = tpu.memref_slice %arg3[%add3A, %dma_start3A_305, %dma_start3A_309, %dma_start3A_310] : memref<32x80x2x128xi32, #tpu.memory_space<hbm>> -> memref<1x1x2x128xi32, #tpu.memory_space<hbm>>
    %dma_start3A_312 = tpu.memref_squeeze %dma_start3A_311 : memref<1x1x2x128xi32, #tpu.memory_space<hbm>> -> memref<2x128xi32, #tpu.memory_space<hbm>>
    %dma_start3A_313 = arith.constant 4 : i32
    %dma_start3A_314 = arith.constant 0 : i32
    %dma_start3A_315 = tpu.memref_slice %arg8[%dma_start3A_313, %dma_start3A_314] : memref<8x128xi32, #tpu.memory_space<vmem>> -> memref<2x128xi32, #tpu.memory_space<vmem>>
    %dma_start3A_316 = arith.constant 0 : i32
    %dma_start3A_317 = arith.constant 0 : i32
    %dma_start3A_318 = tpu.memref_slice %arg3[%add3A, %dma_start3A_305, %dma_start3A_316, %dma_start3A_317] : memref<32x80x2x128xi32, #tpu.memory_space<hbm>> -> memref<1x1x2x128xi32, #tpu.memory_space<hbm>>
    %dma_start3A_319 = tpu.memref_squeeze %dma_start3A_318 : memref<1x1x2x128xi32, #tpu.memory_space<hbm>> -> memref<2x128xi32, #tpu.memory_space<hbm>>
    tpu.enqueue_dma source(%dma_start3A_319 : memref<2x128xi32, #tpu.memory_space<hbm>>) target(%dma_start3A_315 : memref<2x128xi32, #tpu.memory_space<vmem>>) target_semaphore(%arg18 : memref<!tpu.dma_semaphore, #tpu.memory_space<semaphore_mem>>)
    %dma_wait3A_320 = arith.constant 6 : i32
    %dma_wait3A_321 = arith.constant 0 : i32
    %dma_wait3A_322 = tpu.memref_slice %arg8[%dma_wait3A_320, %dma_wait3A_321] : memref<8x128xi32, #tpu.memory_space<vmem>> -> memref<1x128xi32, #tpu.memory_space<vmem>>
    %dma_wait3A_323 = tpu.memref_squeeze %dma_wait3A_322 : memref<1x128xi32, #tpu.memory_space<vmem>> -> memref<128xi32, #tpu.memory_space<vmem>>
    %dma_wait3A_324 = arith.constant 0 : i32
    %dma_wait3A_325 = arith.constant 0 : i32
    %dma_wait3A_326 = tpu.memref_slice %arg2[%dma_wait3A_324, %dma_wait3A_325] : memref<10000x128xf32, #tpu.memory_space<hbm>> -> memref<10000x128xf32, #tpu.memory_space<hbm>>
    tpu.wait_indirect_dma semaphore(%arg15 : memref<!tpu.dma_semaphore, #tpu.memory_space<semaphore_mem>>) src(%dma_wait3A_326 : memref<10000x128xf32, #tpu.memory_space<hbm>>) dst(%arg10 : memref<128x128xf32, #tpu.memory_space<vmem>>)
    %dma_start3A_327 = arith.constant 7 : i32
    %dma_start3A_328 = arith.constant 0 : i32
    %dma_start3A_329 = tpu.memref_slice %arg8[%dma_start3A_327, %dma_start3A_328] : memref<8x128xi32, #tpu.memory_space<vmem>> -> memref<1x128xi32, #tpu.memory_space<vmem>>
    %dma_start3A_330 = tpu.memref_squeeze %dma_start3A_329 : memref<1x128xi32, #tpu.memory_space<vmem>> -> memref<128xi32, #tpu.memory_space<vmem>>
    %dma_start3A_331 = arith.constant 0 : i32
    %dma_start3A_332 = arith.constant 0 : i32
    %dma_start3A_333 = tpu.memref_slice %arg12[%dma_start3A_331, %dma_start3A_332] : memref<10240x128xf32, #tpu.memory_space<vmem_shared>> -> memref<10240x128xf32, #tpu.memory_space<vmem_shared>>
    tpu.enqueue_indirect_dma source(%arg10 : memref<128x128xf32, #tpu.memory_space<vmem>>) target(%dma_start3A_333 : memref<10240x128xf32, #tpu.memory_space<vmem_shared>>) offsets(%dma_start3A_330 : memref<128xi32, #tpu.memory_space<vmem>>) semaphore(%arg21 : memref<!tpu.dma_semaphore, #tpu.memory_space<semaphore_mem>>) {add = true}
    %dma_start3A_334 = arith.constant 7 : i32
    %dma_start3A_335 = arith.constant 0 : i32
    %dma_start3A_336 = tpu.memref_slice %arg8[%dma_start3A_334, %dma_start3A_335] : memref<8x128xi32, #tpu.memory_space<vmem>> -> memref<1x128xi32, #tpu.memory_space<vmem>>
    %dma_start3A_337 = tpu.memref_squeeze %dma_start3A_336 : memref<1x128xi32, #tpu.memory_space<vmem>> -> memref<128xi32, #tpu.memory_space<vmem>>
    %dma_start3A_338 = arith.constant 0 : i32
    %dma_start3A_339 = tpu.memref_slice %arg13[%dma_start3A_338] : memref<10240xf32, #tpu.memory_space<vmem_shared>> -> memref<10240xf32, #tpu.memory_space<vmem_shared>>
    tpu.enqueue_indirect_dma source(%arg11 : memref<128xf32, #tpu.memory_space<vmem>>) target(%dma_start3A_339 : memref<10240xf32, #tpu.memory_space<vmem_shared>>) offsets(%dma_start3A_337 : memref<128xi32, #tpu.memory_space<vmem>>) semaphore(%arg23 : memref<!tpu.dma_semaphore, #tpu.memory_space<semaphore_mem>>) {add = true}
    %scan3A_340 = arith.constant 0 : i32
    %scan3A_341 = arith.constant 1 : i32
    %scan3A_342 = arith.constant 18 : i32
    %scan3A_343 = arith.addi %scan3A_341, %scan3A_342 : i32
    %scan3A_344 = arith.constant 1 : i32
    scf.for %scan3A_573 = %scan3A_341 to %scan3A_343 step %scan3A_344  : i32 {
      %mul3A_574 = arith.constant 4 : i32
      %mul3A_575 = arith.muli %mul3A_574, %scan3A_573 : i32
      %add3A_576 = arith.constant 0 : i32
      %add3A_577 = arith.addi %mul3A_575, %add3A_576 : i32
      %add3A_578 = arith.constant 1 : i32
      %add3A_579 = arith.addi %add3A_577, %add3A_578 : i32
      %dma_wait3A_580 = arith.constant 2 : i32
      %dma_wait3A_581 = arith.constant 0 : i32
      %dma_wait3A_582 = tpu.memref_slice %arg8[%dma_wait3A_580, %dma_wait3A_581] : memref<8x128xi32, #tpu.memory_space<vmem>> -> memref<2x128xi32, #tpu.memory_space<vmem>>
      %dma_wait3A_583 = arith.constant 0 : i32
      %dma_wait3A_584 = arith.constant 0 : i32
      %dma_wait3A_585 = tpu.memref_slice %arg3[%add3A, %add3A_579, %dma_wait3A_583, %dma_wait3A_584] : memref<32x80x2x128xi32, #tpu.memory_space<hbm>> -> memref<1x1x2x128xi32, #tpu.memory_space<hbm>>
      %dma_wait3A_586 = tpu.memref_squeeze %dma_wait3A_585 : memref<1x1x2x128xi32, #tpu.memory_space<hbm>> -> memref<2x128xi32, #tpu.memory_space<hbm>>
      %dma_wait3A_587 = arith.constant 2 : i32
      %dma_wait3A_588 = arith.constant 0 : i32
      %dma_wait3A_589 = tpu.memref_slice %arg8[%dma_wait3A_587, %dma_wait3A_588] : memref<8x128xi32, #tpu.memory_space<vmem>> -> memref<2x128xi32, #tpu.memory_space<vmem>>
      %dma_wait3A_590 = arith.constant 0 : i32
      %dma_wait3A_591 = arith.constant 0 : i32
      %dma_wait3A_592 = tpu.memref_slice %arg3[%add3A, %add3A_579, %dma_wait3A_590, %dma_wait3A_591] : memref<32x80x2x128xi32, #tpu.memory_space<hbm>> -> memref<1x1x2x128xi32, #tpu.memory_space<hbm>>
      %dma_wait3A_593 = tpu.memref_squeeze %dma_wait3A_592 : memref<1x1x2x128xi32, #tpu.memory_space<hbm>> -> memref<2x128xi32, #tpu.memory_space<hbm>>
      tpu.wait_dma2 semaphore(%arg17 : memref<!tpu.dma_semaphore, #tpu.memory_space<semaphore_mem>>) src(%dma_wait3A_593 : memref<2x128xi32, #tpu.memory_space<hbm>>) dst(%dma_wait3A_589 : memref<2x128xi32, #tpu.memory_space<vmem>>)
      %dma_wait3A_594 = arith.constant 7 : i32
      %dma_wait3A_595 = arith.constant 0 : i32
      %dma_wait3A_596 = tpu.memref_slice %arg8[%dma_wait3A_594, %dma_wait3A_595] : memref<8x128xi32, #tpu.memory_space<vmem>> -> memref<1x128xi32, #tpu.memory_space<vmem>>
      %dma_wait3A_597 = tpu.memref_squeeze %dma_wait3A_596 : memref<1x128xi32, #tpu.memory_space<vmem>> -> memref<128xi32, #tpu.memory_space<vmem>>
      %dma_wait3A_598 = arith.constant 0 : i32
      %dma_wait3A_599 = arith.constant 0 : i32
      %dma_wait3A_600 = tpu.memref_slice %arg12[%dma_wait3A_598, %dma_wait3A_599] : memref<10240x128xf32, #tpu.memory_space<vmem_shared>> -> memref<10240x128xf32, #tpu.memory_space<vmem_shared>>
      tpu.wait_indirect_dma semaphore(%arg21 : memref<!tpu.dma_semaphore, #tpu.memory_space<semaphore_mem>>) src(%arg10 : memref<128x128xf32, #tpu.memory_space<vmem>>) dst(%dma_wait3A_600 : memref<10240x128xf32, #tpu.memory_space<vmem_shared>>)
      %dma_wait3A_601 = arith.constant 7 : i32
      %dma_wait3A_602 = arith.constant 0 : i32
      %dma_wait3A_603 = tpu.memref_slice %arg8[%dma_wait3A_601, %dma_wait3A_602] : memref<8x128xi32, #tpu.memory_space<vmem>> -> memref<1x128xi32, #tpu.memory_space<vmem>>
      %dma_wait3A_604 = tpu.memref_squeeze %dma_wait3A_603 : memref<1x128xi32, #tpu.memory_space<vmem>> -> memref<128xi32, #tpu.memory_space<vmem>>
      %dma_wait3A_605 = arith.constant 0 : i32
      %dma_wait3A_606 = tpu.memref_slice %arg13[%dma_wait3A_605] : memref<10240xf32, #tpu.memory_space<vmem_shared>> -> memref<10240xf32, #tpu.memory_space<vmem_shared>>
      tpu.wait_indirect_dma semaphore(%arg23 : memref<!tpu.dma_semaphore, #tpu.memory_space<semaphore_mem>>) src(%arg11 : memref<128xf32, #tpu.memory_space<vmem>>) dst(%dma_wait3A_606 : memref<10240xf32, #tpu.memory_space<vmem_shared>>)
      %dma_start3A_607 = arith.constant 2 : i32
      %dma_start3A_608 = arith.constant 0 : i32
      %dma_start3A_609 = tpu.memref_slice %arg8[%dma_start3A_607, %dma_start3A_608] : memref<8x128xi32, #tpu.memory_space<vmem>> -> memref<1x128xi32, #tpu.memory_space<vmem>>
      %dma_start3A_610 = tpu.memref_squeeze %dma_start3A_609 : memref<1x128xi32, #tpu.memory_space<vmem>> -> memref<128xi32, #tpu.memory_space<vmem>>
      %dma_start3A_611 = arith.constant 0 : i32
      %dma_start3A_612 = arith.constant 0 : i32
      %dma_start3A_613 = tpu.memref_slice %arg2[%dma_start3A_611, %dma_start3A_612] : memref<10000x128xf32, #tpu.memory_space<hbm>> -> memref<10000x128xf32, #tpu.memory_space<hbm>>
      tpu.enqueue_indirect_dma source(%dma_start3A_613 : memref<10000x128xf32, #tpu.memory_space<hbm>>) target(%arg10 : memref<128x128xf32, #tpu.memory_space<vmem>>) offsets(%dma_start3A_610 : memref<128xi32, #tpu.memory_space<vmem>>) semaphore(%arg15 : memref<!tpu.dma_semaphore, #tpu.memory_space<semaphore_mem>>)
      %add3A_614 = arith.constant 3 : i32
      %add3A_615 = arith.addi %add3A_577, %add3A_614 : i32
      %dma_start3A_616 = arith.constant 6 : i32
      %dma_start3A_617 = arith.constant 0 : i32
      %dma_start3A_618 = tpu.memref_slice %arg8[%dma_start3A_616, %dma_start3A_617] : memref<8x128xi32, #tpu.memory_space<vmem>> -> memref<2x128xi32, #tpu.memory_space<vmem>>
      %dma_start3A_619 = arith.constant 0 : i32
      %dma_start3A_620 = arith.constant 0 : i32
      %dma_start3A_621 = tpu.memref_slice %arg3[%add3A, %add3A_615, %dma_start3A_619, %dma_start3A_620] : memref<32x80x2x128xi32, #tpu.memory_space<hbm>> -> memref<1x1x2x128xi32, #tpu.memory_space<hbm>>
      %dma_start3A_622 = tpu.memref_squeeze %dma_start3A_621 : memref<1x1x2x128xi32, #tpu.memory_space<hbm>> -> memref<2x128xi32, #tpu.memory_space<hbm>>
      %dma_start3A_623 = arith.constant 6 : i32
      %dma_start3A_624 = arith.constant 0 : i32
      %dma_start3A_625 = tpu.memref_slice %arg8[%dma_start3A_623, %dma_start3A_624] : memref<8x128xi32, #tpu.memory_space<vmem>> -> memref<2x128xi32, #tpu.memory_space<vmem>>
      %dma_start3A_626 = arith.constant 0 : i32
      %dma_start3A_627 = arith.constant 0 : i32
      %dma_start3A_628 = tpu.memref_slice %arg3[%add3A, %add3A_615, %dma_start3A_626, %dma_start3A_627] : memref<32x80x2x128xi32, #tpu.memory_space<hbm>> -> memref<1x1x2x128xi32, #tpu.memory_space<hbm>>
      %dma_start3A_629 = tpu.memref_squeeze %dma_start3A_628 : memref<1x1x2x128xi32, #tpu.memory_space<hbm>> -> memref<2x128xi32, #tpu.memory_space<hbm>>
      tpu.enqueue_dma source(%dma_start3A_629 : memref<2x128xi32, #tpu.memory_space<hbm>>) target(%dma_start3A_625 : memref<2x128xi32, #tpu.memory_space<vmem>>) target_semaphore(%arg19 : memref<!tpu.dma_semaphore, #tpu.memory_space<semaphore_mem>>)
      %dma_wait3A_630 = arith.constant 0 : i32
      %dma_wait3A_631 = arith.constant 0 : i32
      %dma_wait3A_632 = tpu.memref_slice %arg8[%dma_wait3A_630, %dma_wait3A_631] : memref<8x128xi32, #tpu.memory_space<vmem>> -> memref<1x128xi32, #tpu.memory_space<vmem>>
      %dma_wait3A_633 = tpu.memref_squeeze %dma_wait3A_632 : memref<1x128xi32, #tpu.memory_space<vmem>> -> memref<128xi32, #tpu.memory_space<vmem>>
      %dma_wait3A_634 = arith.constant 0 : i32
      %dma_wait3A_635 = arith.constant 0 : i32
      %dma_wait3A_636 = tpu.memref_slice %arg2[%dma_wait3A_634, %dma_wait3A_635] : memref<10000x128xf32, #tpu.memory_space<hbm>> -> memref<10000x128xf32, #tpu.memory_space<hbm>>
      tpu.wait_indirect_dma semaphore(%arg14 : memref<!tpu.dma_semaphore, #tpu.memory_space<semaphore_mem>>) src(%dma_wait3A_636 : memref<10000x128xf32, #tpu.memory_space<hbm>>) dst(%arg9 : memref<128x128xf32, #tpu.memory_space<vmem>>)
      %dma_start3A_637 = arith.constant 1 : i32
      %dma_start3A_638 = arith.constant 0 : i32
      %dma_start3A_639 = tpu.memref_slice %arg8[%dma_start3A_637, %dma_start3A_638] : memref<8x128xi32, #tpu.memory_space<vmem>> -> memref<1x128xi32, #tpu.memory_space<vmem>>
      %dma_start3A_640 = tpu.memref_squeeze %dma_start3A_639 : memref<1x128xi32, #tpu.memory_space<vmem>> -> memref<128xi32, #tpu.memory_space<vmem>>
      %dma_start3A_641 = arith.constant 0 : i32
      %dma_start3A_642 = arith.constant 0 : i32
      %dma_start3A_643 = tpu.memref_slice %arg12[%dma_start3A_641, %dma_start3A_642] : memref<10240x128xf32, #tpu.memory_space<vmem_shared>> -> memref<10240x128xf32, #tpu.memory_space<vmem_shared>>
      tpu.enqueue_indirect_dma source(%arg9 : memref<128x128xf32, #tpu.memory_space<vmem>>) target(%dma_start3A_643 : memref<10240x128xf32, #tpu.memory_space<vmem_shared>>) offsets(%dma_start3A_640 : memref<128xi32, #tpu.memory_space<vmem>>) semaphore(%arg20 : memref<!tpu.dma_semaphore, #tpu.memory_space<semaphore_mem>>) {add = true}
      %dma_start3A_644 = arith.constant 1 : i32
      %dma_start3A_645 = arith.constant 0 : i32
      %dma_start3A_646 = tpu.memref_slice %arg8[%dma_start3A_644, %dma_start3A_645] : memref<8x128xi32, #tpu.memory_space<vmem>> -> memref<1x128xi32, #tpu.memory_space<vmem>>
      %dma_start3A_647 = tpu.memref_squeeze %dma_start3A_646 : memref<1x128xi32, #tpu.memory_space<vmem>> -> memref<128xi32, #tpu.memory_space<vmem>>
      %dma_start3A_648 = arith.constant 0 : i32
      %dma_start3A_649 = tpu.memref_slice %arg13[%dma_start3A_648] : memref<10240xf32, #tpu.memory_space<vmem_shared>> -> memref<10240xf32, #tpu.memory_space<vmem_shared>>
      tpu.enqueue_indirect_dma source(%arg11 : memref<128xf32, #tpu.memory_space<vmem>>) target(%dma_start3A_649 : memref<10240xf32, #tpu.memory_space<vmem_shared>>) offsets(%dma_start3A_647 : memref<128xi32, #tpu.memory_space<vmem>>) semaphore(%arg22 : memref<!tpu.dma_semaphore, #tpu.memory_space<semaphore_mem>>) {add = true}
      %add3A_650 = arith.constant 1 : i32
      %add3A_651 = arith.addi %mul3A_575, %add3A_650 : i32
      %add3A_652 = arith.constant 1 : i32
      %add3A_653 = arith.addi %add3A_651, %add3A_652 : i32
      %dma_wait3A_654 = arith.constant 4 : i32
      %dma_wait3A_655 = arith.constant 0 : i32
      %dma_wait3A_656 = tpu.memref_slice %arg8[%dma_wait3A_654, %dma_wait3A_655] : memref<8x128xi32, #tpu.memory_space<vmem>> -> memref<2x128xi32, #tpu.memory_space<vmem>>
      %dma_wait3A_657 = arith.constant 0 : i32
      %dma_wait3A_658 = arith.constant 0 : i32
      %dma_wait3A_659 = tpu.memref_slice %arg3[%add3A, %add3A_653, %dma_wait3A_657, %dma_wait3A_658] : memref<32x80x2x128xi32, #tpu.memory_space<hbm>> -> memref<1x1x2x128xi32, #tpu.memory_space<hbm>>
      %dma_wait3A_660 = tpu.memref_squeeze %dma_wait3A_659 : memref<1x1x2x128xi32, #tpu.memory_space<hbm>> -> memref<2x128xi32, #tpu.memory_space<hbm>>
      %dma_wait3A_661 = arith.constant 4 : i32
      %dma_wait3A_662 = arith.constant 0 : i32
      %dma_wait3A_663 = tpu.memref_slice %arg8[%dma_wait3A_661, %dma_wait3A_662] : memref<8x128xi32, #tpu.memory_space<vmem>> -> memref<2x128xi32, #tpu.memory_space<vmem>>
      %dma_wait3A_664 = arith.constant 0 : i32
      %dma_wait3A_665 = arith.constant 0 : i32
      %dma_wait3A_666 = tpu.memref_slice %arg3[%add3A, %add3A_653, %dma_wait3A_664, %dma_wait3A_665] : memref<32x80x2x128xi32, #tpu.memory_space<hbm>> -> memref<1x1x2x128xi32, #tpu.memory_space<hbm>>
      %dma_wait3A_667 = tpu.memref_squeeze %dma_wait3A_666 : memref<1x1x2x128xi32, #tpu.memory_space<hbm>> -> memref<2x128xi32, #tpu.memory_space<hbm>>
      tpu.wait_dma2 semaphore(%arg18 : memref<!tpu.dma_semaphore, #tpu.memory_space<semaphore_mem>>) src(%dma_wait3A_667 : memref<2x128xi32, #tpu.memory_space<hbm>>) dst(%dma_wait3A_663 : memref<2x128xi32, #tpu.memory_space<vmem>>)
      %dma_wait3A_668 = arith.constant 1 : i32
      %dma_wait3A_669 = arith.constant 0 : i32
      %dma_wait3A_670 = tpu.memref_slice %arg8[%dma_wait3A_668, %dma_wait3A_669] : memref<8x128xi32, #tpu.memory_space<vmem>> -> memref<1x128xi32, #tpu.memory_space<vmem>>
      %dma_wait3A_671 = tpu.memref_squeeze %dma_wait3A_670 : memref<1x128xi32, #tpu.memory_space<vmem>> -> memref<128xi32, #tpu.memory_space<vmem>>
      %dma_wait3A_672 = arith.constant 0 : i32
      %dma_wait3A_673 = arith.constant 0 : i32
      %dma_wait3A_674 = tpu.memref_slice %arg12[%dma_wait3A_672, %dma_wait3A_673] : memref<10240x128xf32, #tpu.memory_space<vmem_shared>> -> memref<10240x128xf32, #tpu.memory_space<vmem_shared>>
      tpu.wait_indirect_dma semaphore(%arg20 : memref<!tpu.dma_semaphore, #tpu.memory_space<semaphore_mem>>) src(%arg9 : memref<128x128xf32, #tpu.memory_space<vmem>>) dst(%dma_wait3A_674 : memref<10240x128xf32, #tpu.memory_space<vmem_shared>>)
      %dma_wait3A_675 = arith.constant 1 : i32
      %dma_wait3A_676 = arith.constant 0 : i32
      %dma_wait3A_677 = tpu.memref_slice %arg8[%dma_wait3A_675, %dma_wait3A_676] : memref<8x128xi32, #tpu.memory_space<vmem>> -> memref<1x128xi32, #tpu.memory_space<vmem>>
      %dma_wait3A_678 = tpu.memref_squeeze %dma_wait3A_677 : memref<1x128xi32, #tpu.memory_space<vmem>> -> memref<128xi32, #tpu.memory_space<vmem>>
      %dma_wait3A_679 = arith.constant 0 : i32
      %dma_wait3A_680 = tpu.memref_slice %arg13[%dma_wait3A_679] : memref<10240xf32, #tpu.memory_space<vmem_shared>> -> memref<10240xf32, #tpu.memory_space<vmem_shared>>
      tpu.wait_indirect_dma semaphore(%arg22 : memref<!tpu.dma_semaphore, #tpu.memory_space<semaphore_mem>>) src(%arg11 : memref<128xf32, #tpu.memory_space<vmem>>) dst(%dma_wait3A_680 : memref<10240xf32, #tpu.memory_space<vmem_shared>>)
      %dma_start3A_681 = arith.constant 4 : i32
      %dma_start3A_682 = arith.constant 0 : i32
      %dma_start3A_683 = tpu.memref_slice %arg8[%dma_start3A_681, %dma_start3A_682] : memref<8x128xi32, #tpu.memory_space<vmem>> -> memref<1x128xi32, #tpu.memory_space<vmem>>
      %dma_start3A_684 = tpu.memref_squeeze %dma_start3A_683 : memref<1x128xi32, #tpu.memory_space<vmem>> -> memref<128xi32, #tpu.memory_space<vmem>>
      %dma_start3A_685 = arith.constant 0 : i32
      %dma_start3A_686 = arith.constant 0 : i32
      %dma_start3A_687 = tpu.memref_slice %arg2[%dma_start3A_685, %dma_start3A_686] : memref<10000x128xf32, #tpu.memory_space<hbm>> -> memref<10000x128xf32, #tpu.memory_space<hbm>>
      tpu.enqueue_indirect_dma source(%dma_start3A_687 : memref<10000x128xf32, #tpu.memory_space<hbm>>) target(%arg9 : memref<128x128xf32, #tpu.memory_space<vmem>>) offsets(%dma_start3A_684 : memref<128xi32, #tpu.memory_space<vmem>>) semaphore(%arg14 : memref<!tpu.dma_semaphore, #tpu.memory_space<semaphore_mem>>)
      %add3A_688 = arith.constant 3 : i32
      %add3A_689 = arith.addi %add3A_651, %add3A_688 : i32
      %dma_start3A_690 = arith.constant 0 : i32
      %dma_start3A_691 = arith.constant 0 : i32
      %dma_start3A_692 = tpu.memref_slice %arg8[%dma_start3A_690, %dma_start3A_691] : memref<8x128xi32, #tpu.memory_space<vmem>> -> memref<2x128xi32, #tpu.memory_space<vmem>>
      %dma_start3A_693 = arith.constant 0 : i32
      %dma_start3A_694 = arith.constant 0 : i32
      %dma_start3A_695 = tpu.memref_slice %arg3[%add3A, %add3A_689, %dma_start3A_693, %dma_start3A_694] : memref<32x80x2x128xi32, #tpu.memory_space<hbm>> -> memref<1x1x2x128xi32, #tpu.memory_space<hbm>>
      %dma_start3A_696 = tpu.memref_squeeze %dma_start3A_695 : memref<1x1x2x128xi32, #tpu.memory_space<hbm>> -> memref<2x128xi32, #tpu.memory_space<hbm>>
      %dma_start3A_697 = arith.constant 0 : i32
      %dma_start3A_698 = arith.constant 0 : i32
      %dma_start3A_699 = tpu.memref_slice %arg8[%dma_start3A_697, %dma_start3A_698] : memref<8x128xi32, #tpu.memory_space<vmem>> -> memref<2x128xi32, #tpu.memory_space<vmem>>
      %dma_start3A_700 = arith.constant 0 : i32
      %dma_start3A_701 = arith.constant 0 : i32
      %dma_start3A_702 = tpu.memref_slice %arg3[%add3A, %add3A_689, %dma_start3A_700, %dma_start3A_701] : memref<32x80x2x128xi32, #tpu.memory_space<hbm>> -> memref<1x1x2x128xi32, #tpu.memory_space<hbm>>
      %dma_start3A_703 = tpu.memref_squeeze %dma_start3A_702 : memref<1x1x2x128xi32, #tpu.memory_space<hbm>> -> memref<2x128xi32, #tpu.memory_space<hbm>>
      tpu.enqueue_dma source(%dma_start3A_703 : memref<2x128xi32, #tpu.memory_space<hbm>>) target(%dma_start3A_699 : memref<2x128xi32, #tpu.memory_space<vmem>>) target_semaphore(%arg16 : memref<!tpu.dma_semaphore, #tpu.memory_space<semaphore_mem>>)
      %dma_wait3A_704 = arith.constant 2 : i32
      %dma_wait3A_705 = arith.constant 0 : i32
      %dma_wait3A_706 = tpu.memref_slice %arg8[%dma_wait3A_704, %dma_wait3A_705] : memref<8x128xi32, #tpu.memory_space<vmem>> -> memref<1x128xi32, #tpu.memory_space<vmem>>
      %dma_wait3A_707 = tpu.memref_squeeze %dma_wait3A_706 : memref<1x128xi32, #tpu.memory_space<vmem>> -> memref<128xi32, #tpu.memory_space<vmem>>
      %dma_wait3A_708 = arith.constant 0 : i32
      %dma_wait3A_709 = arith.constant 0 : i32
      %dma_wait3A_710 = tpu.memref_slice %arg2[%dma_wait3A_708, %dma_wait3A_709] : memref<10000x128xf32, #tpu.memory_space<hbm>> -> memref<10000x128xf32, #tpu.memory_space<hbm>>
      tpu.wait_indirect_dma semaphore(%arg15 : memref<!tpu.dma_semaphore, #tpu.memory_space<semaphore_mem>>) src(%dma_wait3A_710 : memref<10000x128xf32, #tpu.memory_space<hbm>>) dst(%arg10 : memref<128x128xf32, #tpu.memory_space<vmem>>)
      %dma_start3A_711 = arith.constant 3 : i32
      %dma_start3A_712 = arith.constant 0 : i32
      %dma_start3A_713 = tpu.memref_slice %arg8[%dma_start3A_711, %dma_start3A_712] : memref<8x128xi32, #tpu.memory_space<vmem>> -> memref<1x128xi32, #tpu.memory_space<vmem>>
      %dma_start3A_714 = tpu.memref_squeeze %dma_start3A_713 : memref<1x128xi32, #tpu.memory_space<vmem>> -> memref<128xi32, #tpu.memory_space<vmem>>
      %dma_start3A_715 = arith.constant 0 : i32
      %dma_start3A_716 = arith.constant 0 : i32
      %dma_start3A_717 = tpu.memref_slice %arg12[%dma_start3A_715, %dma_start3A_716] : memref<10240x128xf32, #tpu.memory_space<vmem_shared>> -> memref<10240x128xf32, #tpu.memory_space<vmem_shared>>
      tpu.enqueue_indirect_dma source(%arg10 : memref<128x128xf32, #tpu.memory_space<vmem>>) target(%dma_start3A_717 : memref<10240x128xf32, #tpu.memory_space<vmem_shared>>) offsets(%dma_start3A_714 : memref<128xi32, #tpu.memory_space<vmem>>) semaphore(%arg21 : memref<!tpu.dma_semaphore, #tpu.memory_space<semaphore_mem>>) {add = true}
      %dma_start3A_718 = arith.constant 3 : i32
      %dma_start3A_719 = arith.constant 0 : i32
      %dma_start3A_720 = tpu.memref_slice %arg8[%dma_start3A_718, %dma_start3A_719] : memref<8x128xi32, #tpu.memory_space<vmem>> -> memref<1x128xi32, #tpu.memory_space<vmem>>
      %dma_start3A_721 = tpu.memref_squeeze %dma_start3A_720 : memref<1x128xi32, #tpu.memory_space<vmem>> -> memref<128xi32, #tpu.memory_space<vmem>>
      %dma_start3A_722 = arith.constant 0 : i32
      %dma_start3A_723 = tpu.memref_slice %arg13[%dma_start3A_722] : memref<10240xf32, #tpu.memory_space<vmem_shared>> -> memref<10240xf32, #tpu.memory_space<vmem_shared>>
      tpu.enqueue_indirect_dma source(%arg11 : memref<128xf32, #tpu.memory_space<vmem>>) target(%dma_start3A_723 : memref<10240xf32, #tpu.memory_space<vmem_shared>>) offsets(%dma_start3A_721 : memref<128xi32, #tpu.memory_space<vmem>>) semaphore(%arg23 : memref<!tpu.dma_semaphore, #tpu.memory_space<semaphore_mem>>) {add = true}
      %add3A_724 = arith.constant 2 : i32
      %add3A_725 = arith.addi %mul3A_575, %add3A_724 : i32
      %add3A_726 = arith.constant 1 : i32
      %add3A_727 = arith.addi %add3A_725, %add3A_726 : i32
      %dma_wait3A_728 = arith.constant 6 : i32
      %dma_wait3A_729 = arith.constant 0 : i32
      %dma_wait3A_730 = tpu.memref_slice %arg8[%dma_wait3A_728, %dma_wait3A_729] : memref<8x128xi32, #tpu.memory_space<vmem>> -> memref<2x128xi32, #tpu.memory_space<vmem>>
      %dma_wait3A_731 = arith.constant 0 : i32
      %dma_wait3A_732 = arith.constant 0 : i32
      %dma_wait3A_733 = tpu.memref_slice %arg3[%add3A, %add3A_727, %dma_wait3A_731, %dma_wait3A_732] : memref<32x80x2x128xi32, #tpu.memory_space<hbm>> -> memref<1x1x2x128xi32, #tpu.memory_space<hbm>>
      %dma_wait3A_734 = tpu.memref_squeeze %dma_wait3A_733 : memref<1x1x2x128xi32, #tpu.memory_space<hbm>> -> memref<2x128xi32, #tpu.memory_space<hbm>>
      %dma_wait3A_735 = arith.constant 6 : i32
      %dma_wait3A_736 = arith.constant 0 : i32
      %dma_wait3A_737 = tpu.memref_slice %arg8[%dma_wait3A_735, %dma_wait3A_736] : memref<8x128xi32, #tpu.memory_space<vmem>> -> memref<2x128xi32, #tpu.memory_space<vmem>>
      %dma_wait3A_738 = arith.constant 0 : i32
      %dma_wait3A_739 = arith.constant 0 : i32
      %dma_wait3A_740 = tpu.memref_slice %arg3[%add3A, %add3A_727, %dma_wait3A_738, %dma_wait3A_739] : memref<32x80x2x128xi32, #tpu.memory_space<hbm>> -> memref<1x1x2x128xi32, #tpu.memory_space<hbm>>
      %dma_wait3A_741 = tpu.memref_squeeze %dma_wait3A_740 : memref<1x1x2x128xi32, #tpu.memory_space<hbm>> -> memref<2x128xi32, #tpu.memory_space<hbm>>
      tpu.wait_dma2 semaphore(%arg19 : memref<!tpu.dma_semaphore, #tpu.memory_space<semaphore_mem>>) src(%dma_wait3A_741 : memref<2x128xi32, #tpu.memory_space<hbm>>) dst(%dma_wait3A_737 : memref<2x128xi32, #tpu.memory_space<vmem>>)
      %dma_wait3A_742 = arith.constant 3 : i32
      %dma_wait3A_743 = arith.constant 0 : i32
      %dma_wait3A_744 = tpu.memref_slice %arg8[%dma_wait3A_742, %dma_wait3A_743] : memref<8x128xi32, #tpu.memory_space<vmem>> -> memref<1x128xi32, #tpu.memory_space<vmem>>
      %dma_wait3A_745 = tpu.memref_squeeze %dma_wait3A_744 : memref<1x128xi32, #tpu.memory_space<vmem>> -> memref<128xi32, #tpu.memory_space<vmem>>
      %dma_wait3A_746 = arith.constant 0 : i32
      %dma_wait3A_747 = arith.constant 0 : i32
      %dma_wait3A_748 = tpu.memref_slice %arg12[%dma_wait3A_746, %dma_wait3A_747] : memref<10240x128xf32, #tpu.memory_space<vmem_shared>> -> memref<10240x128xf32, #tpu.memory_space<vmem_shared>>
      tpu.wait_indirect_dma semaphore(%arg21 : memref<!tpu.dma_semaphore, #tpu.memory_space<semaphore_mem>>) src(%arg10 : memref<128x128xf32, #tpu.memory_space<vmem>>) dst(%dma_wait3A_748 : memref<10240x128xf32, #tpu.memory_space<vmem_shared>>)
      %dma_wait3A_749 = arith.constant 3 : i32
      %dma_wait3A_750 = arith.constant 0 : i32
      %dma_wait3A_751 = tpu.memref_slice %arg8[%dma_wait3A_749, %dma_wait3A_750] : memref<8x128xi32, #tpu.memory_space<vmem>> -> memref<1x128xi32, #tpu.memory_space<vmem>>
      %dma_wait3A_752 = tpu.memref_squeeze %dma_wait3A_751 : memref<1x128xi32, #tpu.memory_space<vmem>> -> memref<128xi32, #tpu.memory_space<vmem>>
      %dma_wait3A_753 = arith.constant 0 : i32
      %dma_wait3A_754 = tpu.memref_slice %arg13[%dma_wait3A_753] : memref<10240xf32, #tpu.memory_space<vmem_shared>> -> memref<10240xf32, #tpu.memory_space<vmem_shared>>
      tpu.wait_indirect_dma semaphore(%arg23 : memref<!tpu.dma_semaphore, #tpu.memory_space<semaphore_mem>>) src(%arg11 : memref<128xf32, #tpu.memory_space<vmem>>) dst(%dma_wait3A_754 : memref<10240xf32, #tpu.memory_space<vmem_shared>>)
      %dma_start3A_755 = arith.constant 6 : i32
      %dma_start3A_756 = arith.constant 0 : i32
      %dma_start3A_757 = tpu.memref_slice %arg8[%dma_start3A_755, %dma_start3A_756] : memref<8x128xi32, #tpu.memory_space<vmem>> -> memref<1x128xi32, #tpu.memory_space<vmem>>
      %dma_start3A_758 = tpu.memref_squeeze %dma_start3A_757 : memref<1x128xi32, #tpu.memory_space<vmem>> -> memref<128xi32, #tpu.memory_space<vmem>>
      %dma_start3A_759 = arith.constant 0 : i32
      %dma_start3A_760 = arith.constant 0 : i32
      %dma_start3A_761 = tpu.memref_slice %arg2[%dma_start3A_759, %dma_start3A_760] : memref<10000x128xf32, #tpu.memory_space<hbm>> -> memref<10000x128xf32, #tpu.memory_space<hbm>>
      tpu.enqueue_indirect_dma source(%dma_start3A_761 : memref<10000x128xf32, #tpu.memory_space<hbm>>) target(%arg10 : memref<128x128xf32, #tpu.memory_space<vmem>>) offsets(%dma_start3A_758 : memref<128xi32, #tpu.memory_space<vmem>>) semaphore(%arg15 : memref<!tpu.dma_semaphore, #tpu.memory_space<semaphore_mem>>)
      %add3A_762 = arith.constant 3 : i32
      %add3A_763 = arith.addi %add3A_725, %add3A_762 : i32
      %dma_start3A_764 = arith.constant 2 : i32
      %dma_start3A_765 = arith.constant 0 : i32
      %dma_start3A_766 = tpu.memref_slice %arg8[%dma_start3A_764, %dma_start3A_765] : memref<8x128xi32, #tpu.memory_space<vmem>> -> memref<2x128xi32, #tpu.memory_space<vmem>>
      %dma_start3A_767 = arith.constant 0 : i32
      %dma_start3A_768 = arith.constant 0 : i32
      %dma_start3A_769 = tpu.memref_slice %arg3[%add3A, %add3A_763, %dma_start3A_767, %dma_start3A_768] : memref<32x80x2x128xi32, #tpu.memory_space<hbm>> -> memref<1x1x2x128xi32, #tpu.memory_space<hbm>>
      %dma_start3A_770 = tpu.memref_squeeze %dma_start3A_769 : memref<1x1x2x128xi32, #tpu.memory_space<hbm>> -> memref<2x128xi32, #tpu.memory_space<hbm>>
      %dma_start3A_771 = arith.constant 2 : i32
      %dma_start3A_772 = arith.constant 0 : i32
      %dma_start3A_773 = tpu.memref_slice %arg8[%dma_start3A_771, %dma_start3A_772] : memref<8x128xi32, #tpu.memory_space<vmem>> -> memref<2x128xi32, #tpu.memory_space<vmem>>
      %dma_start3A_774 = arith.constant 0 : i32
      %dma_start3A_775 = arith.constant 0 : i32
      %dma_start3A_776 = tpu.memref_slice %arg3[%add3A, %add3A_763, %dma_start3A_774, %dma_start3A_775] : memref<32x80x2x128xi32, #tpu.memory_space<hbm>> -> memref<1x1x2x128xi32, #tpu.memory_space<hbm>>
      %dma_start3A_777 = tpu.memref_squeeze %dma_start3A_776 : memref<1x1x2x128xi32, #tpu.memory_space<hbm>> -> memref<2x128xi32, #tpu.memory_space<hbm>>
      tpu.enqueue_dma source(%dma_start3A_777 : memref<2x128xi32, #tpu.memory_space<hbm>>) target(%dma_start3A_773 : memref<2x128xi32, #tpu.memory_space<vmem>>) target_semaphore(%arg17 : memref<!tpu.dma_semaphore, #tpu.memory_space<semaphore_mem>>)
      %dma_wait3A_778 = arith.constant 4 : i32
      %dma_wait3A_779 = arith.constant 0 : i32
      %dma_wait3A_780 = tpu.memref_slice %arg8[%dma_wait3A_778, %dma_wait3A_779] : memref<8x128xi32, #tpu.memory_space<vmem>> -> memref<1x128xi32, #tpu.memory_space<vmem>>
      %dma_wait3A_781 = tpu.memref_squeeze %dma_wait3A_780 : memref<1x128xi32, #tpu.memory_space<vmem>> -> memref<128xi32, #tpu.memory_space<vmem>>
      %dma_wait3A_782 = arith.constant 0 : i32
      %dma_wait3A_783 = arith.constant 0 : i32
      %dma_wait3A_784 = tpu.memref_slice %arg2[%dma_wait3A_782, %dma_wait3A_783] : memref<10000x128xf32, #tpu.memory_space<hbm>> -> memref<10000x128xf32, #tpu.memory_space<hbm>>
      tpu.wait_indirect_dma semaphore(%arg14 : memref<!tpu.dma_semaphore, #tpu.memory_space<semaphore_mem>>) src(%dma_wait3A_784 : memref<10000x128xf32, #tpu.memory_space<hbm>>) dst(%arg9 : memref<128x128xf32, #tpu.memory_space<vmem>>)
      %dma_start3A_785 = arith.constant 5 : i32
      %dma_start3A_786 = arith.constant 0 : i32
      %dma_start3A_787 = tpu.memref_slice %arg8[%dma_start3A_785, %dma_start3A_786] : memref<8x128xi32, #tpu.memory_space<vmem>> -> memref<1x128xi32, #tpu.memory_space<vmem>>
      %dma_start3A_788 = tpu.memref_squeeze %dma_start3A_787 : memref<1x128xi32, #tpu.memory_space<vmem>> -> memref<128xi32, #tpu.memory_space<vmem>>
      %dma_start3A_789 = arith.constant 0 : i32
      %dma_start3A_790 = arith.constant 0 : i32
      %dma_start3A_791 = tpu.memref_slice %arg12[%dma_start3A_789, %dma_start3A_790] : memref<10240x128xf32, #tpu.memory_space<vmem_shared>> -> memref<10240x128xf32, #tpu.memory_space<vmem_shared>>
      tpu.enqueue_indirect_dma source(%arg9 : memref<128x128xf32, #tpu.memory_space<vmem>>) target(%dma_start3A_791 : memref<10240x128xf32, #tpu.memory_space<vmem_shared>>) offsets(%dma_start3A_788 : memref<128xi32, #tpu.memory_space<vmem>>) semaphore(%arg20 : memref<!tpu.dma_semaphore, #tpu.memory_space<semaphore_mem>>) {add = true}
      %dma_start3A_792 = arith.constant 5 : i32
      %dma_start3A_793 = arith.constant 0 : i32
      %dma_start3A_794 = tpu.memref_slice %arg8[%dma_start3A_792, %dma_start3A_793] : memref<8x128xi32, #tpu.memory_space<vmem>> -> memref<1x128xi32, #tpu.memory_space<vmem>>
      %dma_start3A_795 = tpu.memref_squeeze %dma_start3A_794 : memref<1x128xi32, #tpu.memory_space<vmem>> -> memref<128xi32, #tpu.memory_space<vmem>>
      %dma_start3A_796 = arith.constant 0 : i32
      %dma_start3A_797 = tpu.memref_slice %arg13[%dma_start3A_796] : memref<10240xf32, #tpu.memory_space<vmem_shared>> -> memref<10240xf32, #tpu.memory_space<vmem_shared>>
      tpu.enqueue_indirect_dma source(%arg11 : memref<128xf32, #tpu.memory_space<vmem>>) target(%dma_start3A_797 : memref<10240xf32, #tpu.memory_space<vmem_shared>>) offsets(%dma_start3A_795 : memref<128xi32, #tpu.memory_space<vmem>>) semaphore(%arg22 : memref<!tpu.dma_semaphore, #tpu.memory_space<semaphore_mem>>) {add = true}
      %add3A_798 = arith.constant 3 : i32
      %add3A_799 = arith.addi %mul3A_575, %add3A_798 : i32
      %add3A_800 = arith.constant 1 : i32
      %add3A_801 = arith.addi %add3A_799, %add3A_800 : i32
      %dma_wait3A_802 = arith.constant 0 : i32
      %dma_wait3A_803 = arith.constant 0 : i32
      %dma_wait3A_804 = tpu.memref_slice %arg8[%dma_wait3A_802, %dma_wait3A_803] : memref<8x128xi32, #tpu.memory_space<vmem>> -> memref<2x128xi32, #tpu.memory_space<vmem>>
      %dma_wait3A_805 = arith.constant 0 : i32
      %dma_wait3A_806 = arith.constant 0 : i32
      %dma_wait3A_807 = tpu.memref_slice %arg3[%add3A, %add3A_801, %dma_wait3A_805, %dma_wait3A_806] : memref<32x80x2x128xi32, #tpu.memory_space<hbm>> -> memref<1x1x2x128xi32, #tpu.memory_space<hbm>>
      %dma_wait3A_808 = tpu.memref_squeeze %dma_wait3A_807 : memref<1x1x2x128xi32, #tpu.memory_space<hbm>> -> memref<2x128xi32, #tpu.memory_space<hbm>>
      %dma_wait3A_809 = arith.constant 0 : i32
      %dma_wait3A_810 = arith.constant 0 : i32
      %dma_wait3A_811 = tpu.memref_slice %arg8[%dma_wait3A_809, %dma_wait3A_810] : memref<8x128xi32, #tpu.memory_space<vmem>> -> memref<2x128xi32, #tpu.memory_space<vmem>>
      %dma_wait3A_812 = arith.constant 0 : i32
      %dma_wait3A_813 = arith.constant 0 : i32
      %dma_wait3A_814 = tpu.memref_slice %arg3[%add3A, %add3A_801, %dma_wait3A_812, %dma_wait3A_813] : memref<32x80x2x128xi32, #tpu.memory_space<hbm>> -> memref<1x1x2x128xi32, #tpu.memory_space<hbm>>
      %dma_wait3A_815 = tpu.memref_squeeze %dma_wait3A_814 : memref<1x1x2x128xi32, #tpu.memory_space<hbm>> -> memref<2x128xi32, #tpu.memory_space<hbm>>
      tpu.wait_dma2 semaphore(%arg16 : memref<!tpu.dma_semaphore, #tpu.memory_space<semaphore_mem>>) src(%dma_wait3A_815 : memref<2x128xi32, #tpu.memory_space<hbm>>) dst(%dma_wait3A_811 : memref<2x128xi32, #tpu.memory_space<vmem>>)
      %dma_wait3A_816 = arith.constant 5 : i32
      %dma_wait3A_817 = arith.constant 0 : i32
      %dma_wait3A_818 = tpu.memref_slice %arg8[%dma_wait3A_816, %dma_wait3A_817] : memref<8x128xi32, #tpu.memory_space<vmem>> -> memref<1x128xi32, #tpu.memory_space<vmem>>
      %dma_wait3A_819 = tpu.memref_squeeze %dma_wait3A_818 : memref<1x128xi32, #tpu.memory_space<vmem>> -> memref<128xi32, #tpu.memory_space<vmem>>
      %dma_wait3A_820 = arith.constant 0 : i32
      %dma_wait3A_821 = arith.constant 0 : i32
      %dma_wait3A_822 = tpu.memref_slice %arg12[%dma_wait3A_820, %dma_wait3A_821] : memref<10240x128xf32, #tpu.memory_space<vmem_shared>> -> memref<10240x128xf32, #tpu.memory_space<vmem_shared>>
      tpu.wait_indirect_dma semaphore(%arg20 : memref<!tpu.dma_semaphore, #tpu.memory_space<semaphore_mem>>) src(%arg9 : memref<128x128xf32, #tpu.memory_space<vmem>>) dst(%dma_wait3A_822 : memref<10240x128xf32, #tpu.memory_space<vmem_shared>>)
      %dma_wait3A_823 = arith.constant 5 : i32
      %dma_wait3A_824 = arith.constant 0 : i32
      %dma_wait3A_825 = tpu.memref_slice %arg8[%dma_wait3A_823, %dma_wait3A_824] : memref<8x128xi32, #tpu.memory_space<vmem>> -> memref<1x128xi32, #tpu.memory_space<vmem>>
      %dma_wait3A_826 = tpu.memref_squeeze %dma_wait3A_825 : memref<1x128xi32, #tpu.memory_space<vmem>> -> memref<128xi32, #tpu.memory_space<vmem>>
      %dma_wait3A_827 = arith.constant 0 : i32
      %dma_wait3A_828 = tpu.memref_slice %arg13[%dma_wait3A_827] : memref<10240xf32, #tpu.memory_space<vmem_shared>> -> memref<10240xf32, #tpu.memory_space<vmem_shared>>
      tpu.wait_indirect_dma semaphore(%arg22 : memref<!tpu.dma_semaphore, #tpu.memory_space<semaphore_mem>>) src(%arg11 : memref<128xf32, #tpu.memory_space<vmem>>) dst(%dma_wait3A_828 : memref<10240xf32, #tpu.memory_space<vmem_shared>>)
      %dma_start3A_829 = arith.constant 0 : i32
      %dma_start3A_830 = arith.constant 0 : i32
      %dma_start3A_831 = tpu.memref_slice %arg8[%dma_start3A_829, %dma_start3A_830] : memref<8x128xi32, #tpu.memory_space<vmem>> -> memref<1x128xi32, #tpu.memory_space<vmem>>
      %dma_start3A_832 = tpu.memref_squeeze %dma_start3A_831 : memref<1x128xi32, #tpu.memory_space<vmem>> -> memref<128xi32, #tpu.memory_space<vmem>>
      %dma_start3A_833 = arith.constant 0 : i32
      %dma_start3A_834 = arith.constant 0 : i32
      %dma_start3A_835 = tpu.memref_slice %arg2[%dma_start3A_833, %dma_start3A_834] : memref<10000x128xf32, #tpu.memory_space<hbm>> -> memref<10000x128xf32, #tpu.memory_space<hbm>>
      tpu.enqueue_indirect_dma source(%dma_start3A_835 : memref<10000x128xf32, #tpu.memory_space<hbm>>) target(%arg9 : memref<128x128xf32, #tpu.memory_space<vmem>>) offsets(%dma_start3A_832 : memref<128xi32, #tpu.memory_space<vmem>>) semaphore(%arg14 : memref<!tpu.dma_semaphore, #tpu.memory_space<semaphore_mem>>)
      %add3A_836 = arith.constant 3 : i32
      %add3A_837 = arith.addi %add3A_799, %add3A_836 : i32
      %dma_start3A_838 = arith.constant 4 : i32
      %dma_start3A_839 = arith.constant 0 : i32
      %dma_start3A_840 = tpu.memref_slice %arg8[%dma_start3A_838, %dma_start3A_839] : memref<8x128xi32, #tpu.memory_space<vmem>> -> memref<2x128xi32, #tpu.memory_space<vmem>>
      %dma_start3A_841 = arith.constant 0 : i32
      %dma_start3A_842 = arith.constant 0 : i32
      %dma_start3A_843 = tpu.memref_slice %arg3[%add3A, %add3A_837, %dma_start3A_841, %dma_start3A_842] : memref<32x80x2x128xi32, #tpu.memory_space<hbm>> -> memref<1x1x2x128xi32, #tpu.memory_space<hbm>>
      %dma_start3A_844 = tpu.memref_squeeze %dma_start3A_843 : memref<1x1x2x128xi32, #tpu.memory_space<hbm>> -> memref<2x128xi32, #tpu.memory_space<hbm>>
      %dma_start3A_845 = arith.constant 4 : i32
      %dma_start3A_846 = arith.constant 0 : i32
      %dma_start3A_847 = tpu.memref_slice %arg8[%dma_start3A_845, %dma_start3A_846] : memref<8x128xi32, #tpu.memory_space<vmem>> -> memref<2x128xi32, #tpu.memory_space<vmem>>
      %dma_start3A_848 = arith.constant 0 : i32
      %dma_start3A_849 = arith.constant 0 : i32
      %dma_start3A_850 = tpu.memref_slice %arg3[%add3A, %add3A_837, %dma_start3A_848, %dma_start3A_849] : memref<32x80x2x128xi32, #tpu.memory_space<hbm>> -> memref<1x1x2x128xi32, #tpu.memory_space<hbm>>
      %dma_start3A_851 = tpu.memref_squeeze %dma_start3A_850 : memref<1x1x2x128xi32, #tpu.memory_space<hbm>> -> memref<2x128xi32, #tpu.memory_space<hbm>>
      tpu.enqueue_dma source(%dma_start3A_851 : memref<2x128xi32, #tpu.memory_space<hbm>>) target(%dma_start3A_847 : memref<2x128xi32, #tpu.memory_space<vmem>>) target_semaphore(%arg18 : memref<!tpu.dma_semaphore, #tpu.memory_space<semaphore_mem>>)
      %dma_wait3A_852 = arith.constant 6 : i32
      %dma_wait3A_853 = arith.constant 0 : i32
      %dma_wait3A_854 = tpu.memref_slice %arg8[%dma_wait3A_852, %dma_wait3A_853] : memref<8x128xi32, #tpu.memory_space<vmem>> -> memref<1x128xi32, #tpu.memory_space<vmem>>
      %dma_wait3A_855 = tpu.memref_squeeze %dma_wait3A_854 : memref<1x128xi32, #tpu.memory_space<vmem>> -> memref<128xi32, #tpu.memory_space<vmem>>
      %dma_wait3A_856 = arith.constant 0 : i32
      %dma_wait3A_857 = arith.constant 0 : i32
      %dma_wait3A_858 = tpu.memref_slice %arg2[%dma_wait3A_856, %dma_wait3A_857] : memref<10000x128xf32, #tpu.memory_space<hbm>> -> memref<10000x128xf32, #tpu.memory_space<hbm>>
      tpu.wait_indirect_dma semaphore(%arg15 : memref<!tpu.dma_semaphore, #tpu.memory_space<semaphore_mem>>) src(%dma_wait3A_858 : memref<10000x128xf32, #tpu.memory_space<hbm>>) dst(%arg10 : memref<128x128xf32, #tpu.memory_space<vmem>>)
      %dma_start3A_859 = arith.constant 7 : i32
      %dma_start3A_860 = arith.constant 0 : i32
      %dma_start3A_861 = tpu.memref_slice %arg8[%dma_start3A_859, %dma_start3A_860] : memref<8x128xi32, #tpu.memory_space<vmem>> -> memref<1x128xi32, #tpu.memory_space<vmem>>
      %dma_start3A_862 = tpu.memref_squeeze %dma_start3A_861 : memref<1x128xi32, #tpu.memory_space<vmem>> -> memref<128xi32, #tpu.memory_space<vmem>>
      %dma_start3A_863 = arith.constant 0 : i32
      %dma_start3A_864 = arith.constant 0 : i32
      %dma_start3A_865 = tpu.memref_slice %arg12[%dma_start3A_863, %dma_start3A_864] : memref<10240x128xf32, #tpu.memory_space<vmem_shared>> -> memref<10240x128xf32, #tpu.memory_space<vmem_shared>>
      tpu.enqueue_indirect_dma source(%arg10 : memref<128x128xf32, #tpu.memory_space<vmem>>) target(%dma_start3A_865 : memref<10240x128xf32, #tpu.memory_space<vmem_shared>>) offsets(%dma_start3A_862 : memref<128xi32, #tpu.memory_space<vmem>>) semaphore(%arg21 : memref<!tpu.dma_semaphore, #tpu.memory_space<semaphore_mem>>) {add = true}
      %dma_start3A_866 = arith.constant 7 : i32
      %dma_start3A_867 = arith.constant 0 : i32
      %dma_start3A_868 = tpu.memref_slice %arg8[%dma_start3A_866, %dma_start3A_867] : memref<8x128xi32, #tpu.memory_space<vmem>> -> memref<1x128xi32, #tpu.memory_space<vmem>>
      %dma_start3A_869 = tpu.memref_squeeze %dma_start3A_868 : memref<1x128xi32, #tpu.memory_space<vmem>> -> memref<128xi32, #tpu.memory_space<vmem>>
      %dma_start3A_870 = arith.constant 0 : i32
      %dma_start3A_871 = tpu.memref_slice %arg13[%dma_start3A_870] : memref<10240xf32, #tpu.memory_space<vmem_shared>> -> memref<10240xf32, #tpu.memory_space<vmem_shared>>
      tpu.enqueue_indirect_dma source(%arg11 : memref<128xf32, #tpu.memory_space<vmem>>) target(%dma_start3A_871 : memref<10240xf32, #tpu.memory_space<vmem_shared>>) offsets(%dma_start3A_869 : memref<128xi32, #tpu.memory_space<vmem>>) semaphore(%arg23 : memref<!tpu.dma_semaphore, #tpu.memory_space<semaphore_mem>>) {add = true}
    }
    %scan3A_345 = arith.constant 18 : i32
    %dma_wait3A_346 = arith.constant 77 : i32
    %dma_wait3A_347 = arith.constant 2 : i32
    %dma_wait3A_348 = arith.constant 0 : i32
    %dma_wait3A_349 = tpu.memref_slice %arg8[%dma_wait3A_347, %dma_wait3A_348] : memref<8x128xi32, #tpu.memory_space<vmem>> -> memref<2x128xi32, #tpu.memory_space<vmem>>
    %dma_wait3A_350 = arith.constant 0 : i32
    %dma_wait3A_351 = arith.constant 0 : i32
    %dma_wait3A_352 = tpu.memref_slice %arg3[%add3A, %dma_wait3A_346, %dma_wait3A_350, %dma_wait3A_351] : memref<32x80x2x128xi32, #tpu.memory_space<hbm>> -> memref<1x1x2x128xi32, #tpu.memory_space<hbm>>
    %dma_wait3A_353 = tpu.memref_squeeze %dma_wait3A_352 : memref<1x1x2x128xi32, #tpu.memory_space<hbm>> -> memref<2x128xi32, #tpu.memory_space<hbm>>
    %dma_wait3A_354 = arith.constant 2 : i32
    %dma_wait3A_355 = arith.constant 0 : i32
    %dma_wait3A_356 = tpu.memref_slice %arg8[%dma_wait3A_354, %dma_wait3A_355] : memref<8x128xi32, #tpu.memory_space<vmem>> -> memref<2x128xi32, #tpu.memory_space<vmem>>
    %dma_wait3A_357 = arith.constant 0 : i32
    %dma_wait3A_358 = arith.constant 0 : i32
    %dma_wait3A_359 = tpu.memref_slice %arg3[%add3A, %dma_wait3A_346, %dma_wait3A_357, %dma_wait3A_358] : memref<32x80x2x128xi32, #tpu.memory_space<hbm>> -> memref<1x1x2x128xi32, #tpu.memory_space<hbm>>
    %dma_wait3A_360 = tpu.memref_squeeze %dma_wait3A_359 : memref<1x1x2x128xi32, #tpu.memory_space<hbm>> -> memref<2x128xi32, #tpu.memory_space<hbm>>
    tpu.wait_dma2 semaphore(%arg17 : memref<!tpu.dma_semaphore, #tpu.memory_space<semaphore_mem>>) src(%dma_wait3A_360 : memref<2x128xi32, #tpu.memory_space<hbm>>) dst(%dma_wait3A_356 : memref<2x128xi32, #tpu.memory_space<vmem>>)
    %dma_wait3A_361 = arith.constant 7 : i32
    %dma_wait3A_362 = arith.constant 0 : i32
    %dma_wait3A_363 = tpu.memref_slice %arg8[%dma_wait3A_361, %dma_wait3A_362] : memref<8x128xi32, #tpu.memory_space<vmem>> -> memref<1x128xi32, #tpu.memory_space<vmem>>
    %dma_wait3A_364 = tpu.memref_squeeze %dma_wait3A_363 : memref<1x128xi32, #tpu.memory_space<vmem>> -> memref<128xi32, #tpu.memory_space<vmem>>
    %dma_wait3A_365 = arith.constant 0 : i32
    %dma_wait3A_366 = arith.constant 0 : i32
    %dma_wait3A_367 = tpu.memref_slice %arg12[%dma_wait3A_365, %dma_wait3A_366] : memref<10240x128xf32, #tpu.memory_space<vmem_shared>> -> memref<10240x128xf32, #tpu.memory_space<vmem_shared>>
    tpu.wait_indirect_dma semaphore(%arg21 : memref<!tpu.dma_semaphore, #tpu.memory_space<semaphore_mem>>) src(%arg10 : memref<128x128xf32, #tpu.memory_space<vmem>>) dst(%dma_wait3A_367 : memref<10240x128xf32, #tpu.memory_space<vmem_shared>>)
    %dma_wait3A_368 = arith.constant 7 : i32
    %dma_wait3A_369 = arith.constant 0 : i32
    %dma_wait3A_370 = tpu.memref_slice %arg8[%dma_wait3A_368, %dma_wait3A_369] : memref<8x128xi32, #tpu.memory_space<vmem>> -> memref<1x128xi32, #tpu.memory_space<vmem>>
    %dma_wait3A_371 = tpu.memref_squeeze %dma_wait3A_370 : memref<1x128xi32, #tpu.memory_space<vmem>> -> memref<128xi32, #tpu.memory_space<vmem>>
    %dma_wait3A_372 = arith.constant 0 : i32
    %dma_wait3A_373 = tpu.memref_slice %arg13[%dma_wait3A_372] : memref<10240xf32, #tpu.memory_space<vmem_shared>> -> memref<10240xf32, #tpu.memory_space<vmem_shared>>
    tpu.wait_indirect_dma semaphore(%arg23 : memref<!tpu.dma_semaphore, #tpu.memory_space<semaphore_mem>>) src(%arg11 : memref<128xf32, #tpu.memory_space<vmem>>) dst(%dma_wait3A_373 : memref<10240xf32, #tpu.memory_space<vmem_shared>>)
    %dma_start3A_374 = arith.constant 2 : i32
    %dma_start3A_375 = arith.constant 0 : i32
    %dma_start3A_376 = tpu.memref_slice %arg8[%dma_start3A_374, %dma_start3A_375] : memref<8x128xi32, #tpu.memory_space<vmem>> -> memref<1x128xi32, #tpu.memory_space<vmem>>
    %dma_start3A_377 = tpu.memref_squeeze %dma_start3A_376 : memref<1x128xi32, #tpu.memory_space<vmem>> -> memref<128xi32, #tpu.memory_space<vmem>>
    %dma_start3A_378 = arith.constant 0 : i32
    %dma_start3A_379 = arith.constant 0 : i32
    %dma_start3A_380 = tpu.memref_slice %arg2[%dma_start3A_378, %dma_start3A_379] : memref<10000x128xf32, #tpu.memory_space<hbm>> -> memref<10000x128xf32, #tpu.memory_space<hbm>>
    tpu.enqueue_indirect_dma source(%dma_start3A_380 : memref<10000x128xf32, #tpu.memory_space<hbm>>) target(%arg10 : memref<128x128xf32, #tpu.memory_space<vmem>>) offsets(%dma_start3A_377 : memref<128xi32, #tpu.memory_space<vmem>>) semaphore(%arg15 : memref<!tpu.dma_semaphore, #tpu.memory_space<semaphore_mem>>)
    %dma_start3A_381 = arith.constant 79 : i32
    %dma_start3A_382 = arith.constant 6 : i32
    %dma_start3A_383 = arith.constant 0 : i32
    %dma_start3A_384 = tpu.memref_slice %arg8[%dma_start3A_382, %dma_start3A_383] : memref<8x128xi32, #tpu.memory_space<vmem>> -> memref<2x128xi32, #tpu.memory_space<vmem>>
    %dma_start3A_385 = arith.constant 0 : i32
    %dma_start3A_386 = arith.constant 0 : i32
    %dma_start3A_387 = tpu.memref_slice %arg3[%add3A, %dma_start3A_381, %dma_start3A_385, %dma_start3A_386] : memref<32x80x2x128xi32, #tpu.memory_space<hbm>> -> memref<1x1x2x128xi32, #tpu.memory_space<hbm>>
    %dma_start3A_388 = tpu.memref_squeeze %dma_start3A_387 : memref<1x1x2x128xi32, #tpu.memory_space<hbm>> -> memref<2x128xi32, #tpu.memory_space<hbm>>
    %dma_start3A_389 = arith.constant 6 : i32
    %dma_start3A_390 = arith.constant 0 : i32
    %dma_start3A_391 = tpu.memref_slice %arg8[%dma_start3A_389, %dma_start3A_390] : memref<8x128xi32, #tpu.memory_space<vmem>> -> memref<2x128xi32, #tpu.memory_space<vmem>>
    %dma_start3A_392 = arith.constant 0 : i32
    %dma_start3A_393 = arith.constant 0 : i32
    %dma_start3A_394 = tpu.memref_slice %arg3[%add3A, %dma_start3A_381, %dma_start3A_392, %dma_start3A_393] : memref<32x80x2x128xi32, #tpu.memory_space<hbm>> -> memref<1x1x2x128xi32, #tpu.memory_space<hbm>>
    %dma_start3A_395 = tpu.memref_squeeze %dma_start3A_394 : memref<1x1x2x128xi32, #tpu.memory_space<hbm>> -> memref<2x128xi32, #tpu.memory_space<hbm>>
    tpu.enqueue_dma source(%dma_start3A_395 : memref<2x128xi32, #tpu.memory_space<hbm>>) target(%dma_start3A_391 : memref<2x128xi32, #tpu.memory_space<vmem>>) target_semaphore(%arg19 : memref<!tpu.dma_semaphore, #tpu.memory_space<semaphore_mem>>)
    %dma_wait3A_396 = arith.constant 0 : i32
    %dma_wait3A_397 = arith.constant 0 : i32
    %dma_wait3A_398 = tpu.memref_slice %arg8[%dma_wait3A_396, %dma_wait3A_397] : memref<8x128xi32, #tpu.memory_space<vmem>> -> memref<1x128xi32, #tpu.memory_space<vmem>>
    %dma_wait3A_399 = tpu.memref_squeeze %dma_wait3A_398 : memref<1x128xi32, #tpu.memory_space<vmem>> -> memref<128xi32, #tpu.memory_space<vmem>>
    %dma_wait3A_400 = arith.constant 0 : i32
    %dma_wait3A_401 = arith.constant 0 : i32
    %dma_wait3A_402 = tpu.memref_slice %arg2[%dma_wait3A_400, %dma_wait3A_401] : memref<10000x128xf32, #tpu.memory_space<hbm>> -> memref<10000x128xf32, #tpu.memory_space<hbm>>
    tpu.wait_indirect_dma semaphore(%arg14 : memref<!tpu.dma_semaphore, #tpu.memory_space<semaphore_mem>>) src(%dma_wait3A_402 : memref<10000x128xf32, #tpu.memory_space<hbm>>) dst(%arg9 : memref<128x128xf32, #tpu.memory_space<vmem>>)
    %dma_start3A_403 = arith.constant 1 : i32
    %dma_start3A_404 = arith.constant 0 : i32
    %dma_start3A_405 = tpu.memref_slice %arg8[%dma_start3A_403, %dma_start3A_404] : memref<8x128xi32, #tpu.memory_space<vmem>> -> memref<1x128xi32, #tpu.memory_space<vmem>>
    %dma_start3A_406 = tpu.memref_squeeze %dma_start3A_405 : memref<1x128xi32, #tpu.memory_space<vmem>> -> memref<128xi32, #tpu.memory_space<vmem>>
    %dma_start3A_407 = arith.constant 0 : i32
    %dma_start3A_408 = arith.constant 0 : i32
    %dma_start3A_409 = tpu.memref_slice %arg12[%dma_start3A_407, %dma_start3A_408] : memref<10240x128xf32, #tpu.memory_space<vmem_shared>> -> memref<10240x128xf32, #tpu.memory_space<vmem_shared>>
    tpu.enqueue_indirect_dma source(%arg9 : memref<128x128xf32, #tpu.memory_space<vmem>>) target(%dma_start3A_409 : memref<10240x128xf32, #tpu.memory_space<vmem_shared>>) offsets(%dma_start3A_406 : memref<128xi32, #tpu.memory_space<vmem>>) semaphore(%arg20 : memref<!tpu.dma_semaphore, #tpu.memory_space<semaphore_mem>>) {add = true}
    %dma_start3A_410 = arith.constant 1 : i32
    %dma_start3A_411 = arith.constant 0 : i32
    %dma_start3A_412 = tpu.memref_slice %arg8[%dma_start3A_410, %dma_start3A_411] : memref<8x128xi32, #tpu.memory_space<vmem>> -> memref<1x128xi32, #tpu.memory_space<vmem>>
    %dma_start3A_413 = tpu.memref_squeeze %dma_start3A_412 : memref<1x128xi32, #tpu.memory_space<vmem>> -> memref<128xi32, #tpu.memory_space<vmem>>
    %dma_start3A_414 = arith.constant 0 : i32
    %dma_start3A_415 = tpu.memref_slice %arg13[%dma_start3A_414] : memref<10240xf32, #tpu.memory_space<vmem_shared>> -> memref<10240xf32, #tpu.memory_space<vmem_shared>>
    tpu.enqueue_indirect_dma source(%arg11 : memref<128xf32, #tpu.memory_space<vmem>>) target(%dma_start3A_415 : memref<10240xf32, #tpu.memory_space<vmem_shared>>) offsets(%dma_start3A_413 : memref<128xi32, #tpu.memory_space<vmem>>) semaphore(%arg22 : memref<!tpu.dma_semaphore, #tpu.memory_space<semaphore_mem>>) {add = true}
    %dma_wait3A_416 = arith.constant 78 : i32
    %dma_wait3A_417 = arith.constant 4 : i32
    %dma_wait3A_418 = arith.constant 0 : i32
    %dma_wait3A_419 = tpu.memref_slice %arg8[%dma_wait3A_417, %dma_wait3A_418] : memref<8x128xi32, #tpu.memory_space<vmem>> -> memref<2x128xi32, #tpu.memory_space<vmem>>
    %dma_wait3A_420 = arith.constant 0 : i32
    %dma_wait3A_421 = arith.constant 0 : i32
    %dma_wait3A_422 = tpu.memref_slice %arg3[%add3A, %dma_wait3A_416, %dma_wait3A_420, %dma_wait3A_421] : memref<32x80x2x128xi32, #tpu.memory_space<hbm>> -> memref<1x1x2x128xi32, #tpu.memory_space<hbm>>
    %dma_wait3A_423 = tpu.memref_squeeze %dma_wait3A_422 : memref<1x1x2x128xi32, #tpu.memory_space<hbm>> -> memref<2x128xi32, #tpu.memory_space<hbm>>
    %dma_wait3A_424 = arith.constant 4 : i32
    %dma_wait3A_425 = arith.constant 0 : i32
    %dma_wait3A_426 = tpu.memref_slice %arg8[%dma_wait3A_424, %dma_wait3A_425] : memref<8x128xi32, #tpu.memory_space<vmem>> -> memref<2x128xi32, #tpu.memory_space<vmem>>
    %dma_wait3A_427 = arith.constant 0 : i32
    %dma_wait3A_428 = arith.constant 0 : i32
    %dma_wait3A_429 = tpu.memref_slice %arg3[%add3A, %dma_wait3A_416, %dma_wait3A_427, %dma_wait3A_428] : memref<32x80x2x128xi32, #tpu.memory_space<hbm>> -> memref<1x1x2x128xi32, #tpu.memory_space<hbm>>
    %dma_wait3A_430 = tpu.memref_squeeze %dma_wait3A_429 : memref<1x1x2x128xi32, #tpu.memory_space<hbm>> -> memref<2x128xi32, #tpu.memory_space<hbm>>
    tpu.wait_dma2 semaphore(%arg18 : memref<!tpu.dma_semaphore, #tpu.memory_space<semaphore_mem>>) src(%dma_wait3A_430 : memref<2x128xi32, #tpu.memory_space<hbm>>) dst(%dma_wait3A_426 : memref<2x128xi32, #tpu.memory_space<vmem>>)
    %dma_wait3A_431 = arith.constant 1 : i32
    %dma_wait3A_432 = arith.constant 0 : i32
    %dma_wait3A_433 = tpu.memref_slice %arg8[%dma_wait3A_431, %dma_wait3A_432] : memref<8x128xi32, #tpu.memory_space<vmem>> -> memref<1x128xi32, #tpu.memory_space<vmem>>
    %dma_wait3A_434 = tpu.memref_squeeze %dma_wait3A_433 : memref<1x128xi32, #tpu.memory_space<vmem>> -> memref<128xi32, #tpu.memory_space<vmem>>
    %dma_wait3A_435 = arith.constant 0 : i32
    %dma_wait3A_436 = arith.constant 0 : i32
    %dma_wait3A_437 = tpu.memref_slice %arg12[%dma_wait3A_435, %dma_wait3A_436] : memref<10240x128xf32, #tpu.memory_space<vmem_shared>> -> memref<10240x128xf32, #tpu.memory_space<vmem_shared>>
    tpu.wait_indirect_dma semaphore(%arg20 : memref<!tpu.dma_semaphore, #tpu.memory_space<semaphore_mem>>) src(%arg9 : memref<128x128xf32, #tpu.memory_space<vmem>>) dst(%dma_wait3A_437 : memref<10240x128xf32, #tpu.memory_space<vmem_shared>>)
    %dma_wait3A_438 = arith.constant 1 : i32
    %dma_wait3A_439 = arith.constant 0 : i32
    %dma_wait3A_440 = tpu.memref_slice %arg8[%dma_wait3A_438, %dma_wait3A_439] : memref<8x128xi32, #tpu.memory_space<vmem>> -> memref<1x128xi32, #tpu.memory_space<vmem>>
    %dma_wait3A_441 = tpu.memref_squeeze %dma_wait3A_440 : memref<1x128xi32, #tpu.memory_space<vmem>> -> memref<128xi32, #tpu.memory_space<vmem>>
    %dma_wait3A_442 = arith.constant 0 : i32
    %dma_wait3A_443 = tpu.memref_slice %arg13[%dma_wait3A_442] : memref<10240xf32, #tpu.memory_space<vmem_shared>> -> memref<10240xf32, #tpu.memory_space<vmem_shared>>
    tpu.wait_indirect_dma semaphore(%arg22 : memref<!tpu.dma_semaphore, #tpu.memory_space<semaphore_mem>>) src(%arg11 : memref<128xf32, #tpu.memory_space<vmem>>) dst(%dma_wait3A_443 : memref<10240xf32, #tpu.memory_space<vmem_shared>>)
    %dma_start3A_444 = arith.constant 4 : i32
    %dma_start3A_445 = arith.constant 0 : i32
    %dma_start3A_446 = tpu.memref_slice %arg8[%dma_start3A_444, %dma_start3A_445] : memref<8x128xi32, #tpu.memory_space<vmem>> -> memref<1x128xi32, #tpu.memory_space<vmem>>
    %dma_start3A_447 = tpu.memref_squeeze %dma_start3A_446 : memref<1x128xi32, #tpu.memory_space<vmem>> -> memref<128xi32, #tpu.memory_space<vmem>>
    %dma_start3A_448 = arith.constant 0 : i32
    %dma_start3A_449 = arith.constant 0 : i32
    %dma_start3A_450 = tpu.memref_slice %arg2[%dma_start3A_448, %dma_start3A_449] : memref<10000x128xf32, #tpu.memory_space<hbm>> -> memref<10000x128xf32, #tpu.memory_space<hbm>>
    tpu.enqueue_indirect_dma source(%dma_start3A_450 : memref<10000x128xf32, #tpu.memory_space<hbm>>) target(%arg9 : memref<128x128xf32, #tpu.memory_space<vmem>>) offsets(%dma_start3A_447 : memref<128xi32, #tpu.memory_space<vmem>>) semaphore(%arg14 : memref<!tpu.dma_semaphore, #tpu.memory_space<semaphore_mem>>)
    %dma_wait3A_451 = arith.constant 2 : i32
    %dma_wait3A_452 = arith.constant 0 : i32
    %dma_wait3A_453 = tpu.memref_slice %arg8[%dma_wait3A_451, %dma_wait3A_452] : memref<8x128xi32, #tpu.memory_space<vmem>> -> memref<1x128xi32, #tpu.memory_space<vmem>>
    %dma_wait3A_454 = tpu.memref_squeeze %dma_wait3A_453 : memref<1x128xi32, #tpu.memory_space<vmem>> -> memref<128xi32, #tpu.memory_space<vmem>>
    %dma_wait3A_455 = arith.constant 0 : i32
    %dma_wait3A_456 = arith.constant 0 : i32
    %dma_wait3A_457 = tpu.memref_slice %arg2[%dma_wait3A_455, %dma_wait3A_456] : memref<10000x128xf32, #tpu.memory_space<hbm>> -> memref<10000x128xf32, #tpu.memory_space<hbm>>
    tpu.wait_indirect_dma semaphore(%arg15 : memref<!tpu.dma_semaphore, #tpu.memory_space<semaphore_mem>>) src(%dma_wait3A_457 : memref<10000x128xf32, #tpu.memory_space<hbm>>) dst(%arg10 : memref<128x128xf32, #tpu.memory_space<vmem>>)
    %dma_start3A_458 = arith.constant 3 : i32
    %dma_start3A_459 = arith.constant 0 : i32
    %dma_start3A_460 = tpu.memref_slice %arg8[%dma_start3A_458, %dma_start3A_459] : memref<8x128xi32, #tpu.memory_space<vmem>> -> memref<1x128xi32, #tpu.memory_space<vmem>>
    %dma_start3A_461 = tpu.memref_squeeze %dma_start3A_460 : memref<1x128xi32, #tpu.memory_space<vmem>> -> memref<128xi32, #tpu.memory_space<vmem>>
    %dma_start3A_462 = arith.constant 0 : i32
    %dma_start3A_463 = arith.constant 0 : i32
    %dma_start3A_464 = tpu.memref_slice %arg12[%dma_start3A_462, %dma_start3A_463] : memref<10240x128xf32, #tpu.memory_space<vmem_shared>> -> memref<10240x128xf32, #tpu.memory_space<vmem_shared>>
    tpu.enqueue_indirect_dma source(%arg10 : memref<128x128xf32, #tpu.memory_space<vmem>>) target(%dma_start3A_464 : memref<10240x128xf32, #tpu.memory_space<vmem_shared>>) offsets(%dma_start3A_461 : memref<128xi32, #tpu.memory_space<vmem>>) semaphore(%arg21 : memref<!tpu.dma_semaphore, #tpu.memory_space<semaphore_mem>>) {add = true}
    %dma_start3A_465 = arith.constant 3 : i32
    %dma_start3A_466 = arith.constant 0 : i32
    %dma_start3A_467 = tpu.memref_slice %arg8[%dma_start3A_465, %dma_start3A_466] : memref<8x128xi32, #tpu.memory_space<vmem>> -> memref<1x128xi32, #tpu.memory_space<vmem>>
    %dma_start3A_468 = tpu.memref_squeeze %dma_start3A_467 : memref<1x128xi32, #tpu.memory_space<vmem>> -> memref<128xi32, #tpu.memory_space<vmem>>
    %dma_start3A_469 = arith.constant 0 : i32
    %dma_start3A_470 = tpu.memref_slice %arg13[%dma_start3A_469] : memref<10240xf32, #tpu.memory_space<vmem_shared>> -> memref<10240xf32, #tpu.memory_space<vmem_shared>>
    tpu.enqueue_indirect_dma source(%arg11 : memref<128xf32, #tpu.memory_space<vmem>>) target(%dma_start3A_470 : memref<10240xf32, #tpu.memory_space<vmem_shared>>) offsets(%dma_start3A_468 : memref<128xi32, #tpu.memory_space<vmem>>) semaphore(%arg23 : memref<!tpu.dma_semaphore, #tpu.memory_space<semaphore_mem>>) {add = true}
    %dma_wait3A_471 = arith.constant 79 : i32
    %dma_wait3A_472 = arith.constant 6 : i32
    %dma_wait3A_473 = arith.constant 0 : i32
    %dma_wait3A_474 = tpu.memref_slice %arg8[%dma_wait3A_472, %dma_wait3A_473] : memref<8x128xi32, #tpu.memory_space<vmem>> -> memref<2x128xi32, #tpu.memory_space<vmem>>
    %dma_wait3A_475 = arith.constant 0 : i32
    %dma_wait3A_476 = arith.constant 0 : i32
    %dma_wait3A_477 = tpu.memref_slice %arg3[%add3A, %dma_wait3A_471, %dma_wait3A_475, %dma_wait3A_476] : memref<32x80x2x128xi32, #tpu.memory_space<hbm>> -> memref<1x1x2x128xi32, #tpu.memory_space<hbm>>
    %dma_wait3A_478 = tpu.memref_squeeze %dma_wait3A_477 : memref<1x1x2x128xi32, #tpu.memory_space<hbm>> -> memref<2x128xi32, #tpu.memory_space<hbm>>
    %dma_wait3A_479 = arith.constant 6 : i32
    %dma_wait3A_480 = arith.constant 0 : i32
    %dma_wait3A_481 = tpu.memref_slice %arg8[%dma_wait3A_479, %dma_wait3A_480] : memref<8x128xi32, #tpu.memory_space<vmem>> -> memref<2x128xi32, #tpu.memory_space<vmem>>
    %dma_wait3A_482 = arith.constant 0 : i32
    %dma_wait3A_483 = arith.constant 0 : i32
    %dma_wait3A_484 = tpu.memref_slice %arg3[%add3A, %dma_wait3A_471, %dma_wait3A_482, %dma_wait3A_483] : memref<32x80x2x128xi32, #tpu.memory_space<hbm>> -> memref<1x1x2x128xi32, #tpu.memory_space<hbm>>
    %dma_wait3A_485 = tpu.memref_squeeze %dma_wait3A_484 : memref<1x1x2x128xi32, #tpu.memory_space<hbm>> -> memref<2x128xi32, #tpu.memory_space<hbm>>
    tpu.wait_dma2 semaphore(%arg19 : memref<!tpu.dma_semaphore, #tpu.memory_space<semaphore_mem>>) src(%dma_wait3A_485 : memref<2x128xi32, #tpu.memory_space<hbm>>) dst(%dma_wait3A_481 : memref<2x128xi32, #tpu.memory_space<vmem>>)
    %dma_wait3A_486 = arith.constant 3 : i32
    %dma_wait3A_487 = arith.constant 0 : i32
    %dma_wait3A_488 = tpu.memref_slice %arg8[%dma_wait3A_486, %dma_wait3A_487] : memref<8x128xi32, #tpu.memory_space<vmem>> -> memref<1x128xi32, #tpu.memory_space<vmem>>
    %dma_wait3A_489 = tpu.memref_squeeze %dma_wait3A_488 : memref<1x128xi32, #tpu.memory_space<vmem>> -> memref<128xi32, #tpu.memory_space<vmem>>
    %dma_wait3A_490 = arith.constant 0 : i32
    %dma_wait3A_491 = arith.constant 0 : i32
    %dma_wait3A_492 = tpu.memref_slice %arg12[%dma_wait3A_490, %dma_wait3A_491] : memref<10240x128xf32, #tpu.memory_space<vmem_shared>> -> memref<10240x128xf32, #tpu.memory_space<vmem_shared>>
    tpu.wait_indirect_dma semaphore(%arg21 : memref<!tpu.dma_semaphore, #tpu.memory_space<semaphore_mem>>) src(%arg10 : memref<128x128xf32, #tpu.memory_space<vmem>>) dst(%dma_wait3A_492 : memref<10240x128xf32, #tpu.memory_space<vmem_shared>>)
    %dma_wait3A_493 = arith.constant 3 : i32
    %dma_wait3A_494 = arith.constant 0 : i32
    %dma_wait3A_495 = tpu.memref_slice %arg8[%dma_wait3A_493, %dma_wait3A_494] : memref<8x128xi32, #tpu.memory_space<vmem>> -> memref<1x128xi32, #tpu.memory_space<vmem>>
    %dma_wait3A_496 = tpu.memref_squeeze %dma_wait3A_495 : memref<1x128xi32, #tpu.memory_space<vmem>> -> memref<128xi32, #tpu.memory_space<vmem>>
    %dma_wait3A_497 = arith.constant 0 : i32
    %dma_wait3A_498 = tpu.memref_slice %arg13[%dma_wait3A_497] : memref<10240xf32, #tpu.memory_space<vmem_shared>> -> memref<10240xf32, #tpu.memory_space<vmem_shared>>
    tpu.wait_indirect_dma semaphore(%arg23 : memref<!tpu.dma_semaphore, #tpu.memory_space<semaphore_mem>>) src(%arg11 : memref<128xf32, #tpu.memory_space<vmem>>) dst(%dma_wait3A_498 : memref<10240xf32, #tpu.memory_space<vmem_shared>>)
    %dma_start3A_499 = arith.constant 6 : i32
    %dma_start3A_500 = arith.constant 0 : i32
    %dma_start3A_501 = tpu.memref_slice %arg8[%dma_start3A_499, %dma_start3A_500] : memref<8x128xi32, #tpu.memory_space<vmem>> -> memref<1x128xi32, #tpu.memory_space<vmem>>
    %dma_start3A_502 = tpu.memref_squeeze %dma_start3A_501 : memref<1x128xi32, #tpu.memory_space<vmem>> -> memref<128xi32, #tpu.memory_space<vmem>>
    %dma_start3A_503 = arith.constant 0 : i32
    %dma_start3A_504 = arith.constant 0 : i32
    %dma_start3A_505 = tpu.memref_slice %arg2[%dma_start3A_503, %dma_start3A_504] : memref<10000x128xf32, #tpu.memory_space<hbm>> -> memref<10000x128xf32, #tpu.memory_space<hbm>>
    tpu.enqueue_indirect_dma source(%dma_start3A_505 : memref<10000x128xf32, #tpu.memory_space<hbm>>) target(%arg10 : memref<128x128xf32, #tpu.memory_space<vmem>>) offsets(%dma_start3A_502 : memref<128xi32, #tpu.memory_space<vmem>>) semaphore(%arg15 : memref<!tpu.dma_semaphore, #tpu.memory_space<semaphore_mem>>)
    %dma_wait3A_506 = arith.constant 4 : i32
    %dma_wait3A_507 = arith.constant 0 : i32
    %dma_wait3A_508 = tpu.memref_slice %arg8[%dma_wait3A_506, %dma_wait3A_507] : memref<8x128xi32, #tpu.memory_space<vmem>> -> memref<1x128xi32, #tpu.memory_space<vmem>>
    %dma_wait3A_509 = tpu.memref_squeeze %dma_wait3A_508 : memref<1x128xi32, #tpu.memory_space<vmem>> -> memref<128xi32, #tpu.memory_space<vmem>>
    %dma_wait3A_510 = arith.constant 0 : i32
    %dma_wait3A_511 = arith.constant 0 : i32
    %dma_wait3A_512 = tpu.memref_slice %arg2[%dma_wait3A_510, %dma_wait3A_511] : memref<10000x128xf32, #tpu.memory_space<hbm>> -> memref<10000x128xf32, #tpu.memory_space<hbm>>
    tpu.wait_indirect_dma semaphore(%arg14 : memref<!tpu.dma_semaphore, #tpu.memory_space<semaphore_mem>>) src(%dma_wait3A_512 : memref<10000x128xf32, #tpu.memory_space<hbm>>) dst(%arg9 : memref<128x128xf32, #tpu.memory_space<vmem>>)
    %dma_start3A_513 = arith.constant 5 : i32
    %dma_start3A_514 = arith.constant 0 : i32
    %dma_start3A_515 = tpu.memref_slice %arg8[%dma_start3A_513, %dma_start3A_514] : memref<8x128xi32, #tpu.memory_space<vmem>> -> memref<1x128xi32, #tpu.memory_space<vmem>>
    %dma_start3A_516 = tpu.memref_squeeze %dma_start3A_515 : memref<1x128xi32, #tpu.memory_space<vmem>> -> memref<128xi32, #tpu.memory_space<vmem>>
    %dma_start3A_517 = arith.constant 0 : i32
    %dma_start3A_518 = arith.constant 0 : i32
    %dma_start3A_519 = tpu.memref_slice %arg12[%dma_start3A_517, %dma_start3A_518] : memref<10240x128xf32, #tpu.memory_space<vmem_shared>> -> memref<10240x128xf32, #tpu.memory_space<vmem_shared>>
    tpu.enqueue_indirect_dma source(%arg9 : memref<128x128xf32, #tpu.memory_space<vmem>>) target(%dma_start3A_519 : memref<10240x128xf32, #tpu.memory_space<vmem_shared>>) offsets(%dma_start3A_516 : memref<128xi32, #tpu.memory_space<vmem>>) semaphore(%arg20 : memref<!tpu.dma_semaphore, #tpu.memory_space<semaphore_mem>>) {add = true}
    %dma_start3A_520 = arith.constant 5 : i32
    %dma_start3A_521 = arith.constant 0 : i32
    %dma_start3A_522 = tpu.memref_slice %arg8[%dma_start3A_520, %dma_start3A_521] : memref<8x128xi32, #tpu.memory_space<vmem>> -> memref<1x128xi32, #tpu.memory_space<vmem>>
    %dma_start3A_523 = tpu.memref_squeeze %dma_start3A_522 : memref<1x128xi32, #tpu.memory_space<vmem>> -> memref<128xi32, #tpu.memory_space<vmem>>
    %dma_start3A_524 = arith.constant 0 : i32
    %dma_start3A_525 = tpu.memref_slice %arg13[%dma_start3A_524] : memref<10240xf32, #tpu.memory_space<vmem_shared>> -> memref<10240xf32, #tpu.memory_space<vmem_shared>>
    tpu.enqueue_indirect_dma source(%arg11 : memref<128xf32, #tpu.memory_space<vmem>>) target(%dma_start3A_525 : memref<10240xf32, #tpu.memory_space<vmem_shared>>) offsets(%dma_start3A_523 : memref<128xi32, #tpu.memory_space<vmem>>) semaphore(%arg22 : memref<!tpu.dma_semaphore, #tpu.memory_space<semaphore_mem>>) {add = true}
    %dma_wait3A_526 = arith.constant 5 : i32
    %dma_wait3A_527 = arith.constant 0 : i32
    %dma_wait3A_528 = tpu.memref_slice %arg8[%dma_wait3A_526, %dma_wait3A_527] : memref<8x128xi32, #tpu.memory_space<vmem>> -> memref<1x128xi32, #tpu.memory_space<vmem>>
    %dma_wait3A_529 = tpu.memref_squeeze %dma_wait3A_528 : memref<1x128xi32, #tpu.memory_space<vmem>> -> memref<128xi32, #tpu.memory_space<vmem>>
    %dma_wait3A_530 = arith.constant 0 : i32
    %dma_wait3A_531 = arith.constant 0 : i32
    %dma_wait3A_532 = tpu.memref_slice %arg12[%dma_wait3A_530, %dma_wait3A_531] : memref<10240x128xf32, #tpu.memory_space<vmem_shared>> -> memref<10240x128xf32, #tpu.memory_space<vmem_shared>>
    tpu.wait_indirect_dma semaphore(%arg20 : memref<!tpu.dma_semaphore, #tpu.memory_space<semaphore_mem>>) src(%arg9 : memref<128x128xf32, #tpu.memory_space<vmem>>) dst(%dma_wait3A_532 : memref<10240x128xf32, #tpu.memory_space<vmem_shared>>)
    %dma_wait3A_533 = arith.constant 5 : i32
    %dma_wait3A_534 = arith.constant 0 : i32
    %dma_wait3A_535 = tpu.memref_slice %arg8[%dma_wait3A_533, %dma_wait3A_534] : memref<8x128xi32, #tpu.memory_space<vmem>> -> memref<1x128xi32, #tpu.memory_space<vmem>>
    %dma_wait3A_536 = tpu.memref_squeeze %dma_wait3A_535 : memref<1x128xi32, #tpu.memory_space<vmem>> -> memref<128xi32, #tpu.memory_space<vmem>>
    %dma_wait3A_537 = arith.constant 0 : i32
    %dma_wait3A_538 = tpu.memref_slice %arg13[%dma_wait3A_537] : memref<10240xf32, #tpu.memory_space<vmem_shared>> -> memref<10240xf32, #tpu.memory_space<vmem_shared>>
    tpu.wait_indirect_dma semaphore(%arg22 : memref<!tpu.dma_semaphore, #tpu.memory_space<semaphore_mem>>) src(%arg11 : memref<128xf32, #tpu.memory_space<vmem>>) dst(%dma_wait3A_538 : memref<10240xf32, #tpu.memory_space<vmem_shared>>)
    %dma_wait3A_539 = arith.constant 6 : i32
    %dma_wait3A_540 = arith.constant 0 : i32
    %dma_wait3A_541 = tpu.memref_slice %arg8[%dma_wait3A_539, %dma_wait3A_540] : memref<8x128xi32, #tpu.memory_space<vmem>> -> memref<1x128xi32, #tpu.memory_space<vmem>>
    %dma_wait3A_542 = tpu.memref_squeeze %dma_wait3A_541 : memref<1x128xi32, #tpu.memory_space<vmem>> -> memref<128xi32, #tpu.memory_space<vmem>>
    %dma_wait3A_543 = arith.constant 0 : i32
    %dma_wait3A_544 = arith.constant 0 : i32
    %dma_wait3A_545 = tpu.memref_slice %arg2[%dma_wait3A_543, %dma_wait3A_544] : memref<10000x128xf32, #tpu.memory_space<hbm>> -> memref<10000x128xf32, #tpu.memory_space<hbm>>
    tpu.wait_indirect_dma semaphore(%arg15 : memref<!tpu.dma_semaphore, #tpu.memory_space<semaphore_mem>>) src(%dma_wait3A_545 : memref<10000x128xf32, #tpu.memory_space<hbm>>) dst(%arg10 : memref<128x128xf32, #tpu.memory_space<vmem>>)
    %dma_start3A_546 = arith.constant 7 : i32
    %dma_start3A_547 = arith.constant 0 : i32
    %dma_start3A_548 = tpu.memref_slice %arg8[%dma_start3A_546, %dma_start3A_547] : memref<8x128xi32, #tpu.memory_space<vmem>> -> memref<1x128xi32, #tpu.memory_space<vmem>>
    %dma_start3A_549 = tpu.memref_squeeze %dma_start3A_548 : memref<1x128xi32, #tpu.memory_space<vmem>> -> memref<128xi32, #tpu.memory_space<vmem>>
    %dma_start3A_550 = arith.constant 0 : i32
    %dma_start3A_551 = arith.constant 0 : i32
    %dma_start3A_552 = tpu.memref_slice %arg12[%dma_start3A_550, %dma_start3A_551] : memref<10240x128xf32, #tpu.memory_space<vmem_shared>> -> memref<10240x128xf32, #tpu.memory_space<vmem_shared>>
    tpu.enqueue_indirect_dma source(%arg10 : memref<128x128xf32, #tpu.memory_space<vmem>>) target(%dma_start3A_552 : memref<10240x128xf32, #tpu.memory_space<vmem_shared>>) offsets(%dma_start3A_549 : memref<128xi32, #tpu.memory_space<vmem>>) semaphore(%arg21 : memref<!tpu.dma_semaphore, #tpu.memory_space<semaphore_mem>>) {add = true}
    %dma_start3A_553 = arith.constant 7 : i32
    %dma_start3A_554 = arith.constant 0 : i32
    %dma_start3A_555 = tpu.memref_slice %arg8[%dma_start3A_553, %dma_start3A_554] : memref<8x128xi32, #tpu.memory_space<vmem>> -> memref<1x128xi32, #tpu.memory_space<vmem>>
    %dma_start3A_556 = tpu.memref_squeeze %dma_start3A_555 : memref<1x128xi32, #tpu.memory_space<vmem>> -> memref<128xi32, #tpu.memory_space<vmem>>
    %dma_start3A_557 = arith.constant 0 : i32
    %dma_start3A_558 = tpu.memref_slice %arg13[%dma_start3A_557] : memref<10240xf32, #tpu.memory_space<vmem_shared>> -> memref<10240xf32, #tpu.memory_space<vmem_shared>>
    tpu.enqueue_indirect_dma source(%arg11 : memref<128xf32, #tpu.memory_space<vmem>>) target(%dma_start3A_558 : memref<10240xf32, #tpu.memory_space<vmem_shared>>) offsets(%dma_start3A_556 : memref<128xi32, #tpu.memory_space<vmem>>) semaphore(%arg23 : memref<!tpu.dma_semaphore, #tpu.memory_space<semaphore_mem>>) {add = true}
    %dma_wait3A_559 = arith.constant 7 : i32
    %dma_wait3A_560 = arith.constant 0 : i32
    %dma_wait3A_561 = tpu.memref_slice %arg8[%dma_wait3A_559, %dma_wait3A_560] : memref<8x128xi32, #tpu.memory_space<vmem>> -> memref<1x128xi32, #tpu.memory_space<vmem>>
    %dma_wait3A_562 = tpu.memref_squeeze %dma_wait3A_561 : memref<1x128xi32, #tpu.memory_space<vmem>> -> memref<128xi32, #tpu.memory_space<vmem>>
    %dma_wait3A_563 = arith.constant 0 : i32
    %dma_wait3A_564 = arith.constant 0 : i32
    %dma_wait3A_565 = tpu.memref_slice %arg12[%dma_wait3A_563, %dma_wait3A_564] : memref<10240x128xf32, #tpu.memory_space<vmem_shared>> -> memref<10240x128xf32, #tpu.memory_space<vmem_shared>>
    tpu.wait_indirect_dma semaphore(%arg21 : memref<!tpu.dma_semaphore, #tpu.memory_space<semaphore_mem>>) src(%arg10 : memref<128x128xf32, #tpu.memory_space<vmem>>) dst(%dma_wait3A_565 : memref<10240x128xf32, #tpu.memory_space<vmem_shared>>)
    %dma_wait3A_566 = arith.constant 7 : i32
    %dma_wait3A_567 = arith.constant 0 : i32
    %dma_wait3A_568 = tpu.memref_slice %arg8[%dma_wait3A_566, %dma_wait3A_567] : memref<8x128xi32, #tpu.memory_space<vmem>> -> memref<1x128xi32, #tpu.memory_space<vmem>>
    %dma_wait3A_569 = tpu.memref_squeeze %dma_wait3A_568 : memref<1x128xi32, #tpu.memory_space<vmem>> -> memref<128xi32, #tpu.memory_space<vmem>>
    %dma_wait3A_570 = arith.constant 0 : i32
    %dma_wait3A_571 = tpu.memref_slice %arg13[%dma_wait3A_570] : memref<10240xf32, #tpu.memory_space<vmem_shared>> -> memref<10240xf32, #tpu.memory_space<vmem_shared>>
    tpu.wait_indirect_dma semaphore(%arg23 : memref<!tpu.dma_semaphore, #tpu.memory_space<semaphore_mem>>) src(%arg11 : memref<128xf32, #tpu.memory_space<vmem>>) dst(%dma_wait3A_571 : memref<10240xf32, #tpu.memory_space<vmem_shared>>)
    %barrier3A_572 = arith.constant 0 : index
    tpu.barrier barrier_id(%barrier3A_572)
    "tpu.region"() ({
      %run_scoped3A = tpu.sem_alloc : memref<!tpu.dma_semaphore, #tpu.memory_space<semaphore_mem>>
      %dma_start3A_573 = arith.constant 0 : i32
      %dma_start3A_574 = tpu.memref_slice %arg6[%arg0, %mul3A_2, %dma_start3A_573] : memref<2x10240x128xf32, #tpu.memory_space<hbm>> -> memref<1x640x128xf32, #tpu.memory_space<hbm>>
      %dma_start3A_575 = tpu.memref_squeeze %dma_start3A_574 : memref<1x640x128xf32, #tpu.memory_space<hbm>> -> memref<640x128xf32, #tpu.memory_space<hbm>>
      %dma_start3A_576 = arith.constant 0 : i32
      %dma_start3A_577 = tpu.memref_slice %arg12[%mul3A_2, %dma_start3A_576] : memref<10240x128xf32, #tpu.memory_space<vmem_shared>> -> memref<640x128xf32, #tpu.memory_space<vmem_shared>>
      tpu.enqueue_dma source(%dma_start3A_577 : memref<640x128xf32, #tpu.memory_space<vmem_shared>>) target(%dma_start3A_575 : memref<640x128xf32, #tpu.memory_space<hbm>>) target_semaphore(%run_scoped3A : memref<!tpu.dma_semaphore, #tpu.memory_space<semaphore_mem>>)
      %dma_wait3A_578 = arith.constant 0 : i32
      %dma_wait3A_579 = tpu.memref_slice %arg6[%arg0, %mul3A_2, %dma_wait3A_578] : memref<2x10240x128xf32, #tpu.memory_space<hbm>> -> memref<1x640x128xf32, #tpu.memory_space<hbm>>
      %dma_wait3A_580 = tpu.memref_squeeze %dma_wait3A_579 : memref<1x640x128xf32, #tpu.memory_space<hbm>> -> memref<640x128xf32, #tpu.memory_space<hbm>>
      %dma_wait3A_581 = arith.constant 0 : i32
      %dma_wait3A_582 = tpu.memref_slice %arg12[%mul3A_2, %dma_wait3A_581] : memref<10240x128xf32, #tpu.memory_space<vmem_shared>> -> memref<640x128xf32, #tpu.memory_space<vmem_shared>>
      tpu.wait_dma2 semaphore(%run_scoped3A : memref<!tpu.dma_semaphore, #tpu.memory_space<semaphore_mem>>) src(%dma_wait3A_582 : memref<640x128xf32, #tpu.memory_space<vmem_shared>>) dst(%dma_wait3A_580 : memref<640x128xf32, #tpu.memory_space<hbm>>)
      tpu.yield
    }) : () -> ()
    "tpu.region"() ({
      %run_scoped3A = tpu.sem_alloc : memref<!tpu.dma_semaphore, #tpu.memory_space<semaphore_mem>>
      %dma_start3A_573 = tpu.memref_slice %arg7[%arg0, %mul3A_2] : memref<2x10240xf32, #tpu.memory_space<hbm>> -> memref<1x640xf32, #tpu.memory_space<hbm>>
      %dma_start3A_574 = tpu.memref_squeeze %dma_start3A_573 : memref<1x640xf32, #tpu.memory_space<hbm>> -> memref<640xf32, #tpu.memory_space<hbm>>
      %dma_start3A_575 = tpu.memref_slice %arg13[%mul3A_2] : memref<10240xf32, #tpu.memory_space<vmem_shared>> -> memref<640xf32, #tpu.memory_space<vmem_shared>>
      tpu.enqueue_dma source(%dma_start3A_575 : memref<640xf32, #tpu.memory_space<vmem_shared>>) target(%dma_start3A_574 : memref<640xf32, #tpu.memory_space<hbm>>) target_semaphore(%run_scoped3A : memref<!tpu.dma_semaphore, #tpu.memory_space<semaphore_mem>>)
      %dma_wait3A_576 = tpu.memref_slice %arg7[%arg0, %mul3A_2] : memref<2x10240xf32, #tpu.memory_space<hbm>> -> memref<1x640xf32, #tpu.memory_space<hbm>>
      %dma_wait3A_577 = tpu.memref_squeeze %dma_wait3A_576 : memref<1x640xf32, #tpu.memory_space<hbm>> -> memref<640xf32, #tpu.memory_space<hbm>>
      %dma_wait3A_578 = tpu.memref_slice %arg13[%mul3A_2] : memref<10240xf32, #tpu.memory_space<vmem_shared>> -> memref<640xf32, #tpu.memory_space<vmem_shared>>
      tpu.wait_dma2 semaphore(%run_scoped3A : memref<!tpu.dma_semaphore, #tpu.memory_space<semaphore_mem>>) src(%dma_wait3A_578 : memref<640xf32, #tpu.memory_space<vmem_shared>>) dst(%dma_wait3A_577 : memref<640xf32, #tpu.memory_space<hbm>>)
      tpu.yield
    }) : () -> ()
    return
  }
}

module attributes {stable_mosaic.version = 14 : i64} {
  func.func @_dense1_body(%arg0: i32, %arg1: memref<2x1280x128xf32, #tpu.memory_space<vmem>>, %arg2: memref<2x1280x1xf32, #tpu.memory_space<vmem>>, %arg3: memref<128x128xf32, #tpu.memory_space<vmem>>, %arg4: memref<1x128xf32, #tpu.memory_space<vmem>>, %arg5: memref<128x64xf32, #tpu.memory_space<vmem>>, %arg6: memref<1280x64xf32, #tpu.memory_space<vmem>>) attributes {dimension_semantics = [#tpu.dimension_semantics<arbitrary>], iteration_bounds = array<i64: 8>, scalar_prefetch = 0 : i64, scratch_operands = 0 : i64, tpu.core_type = #tpu.core_type<tc>, window_params = [{transform_indices = @transform_0, window_bounds = array<i64: 2, 1280, 128>}, {transform_indices = @transform_1, window_bounds = array<i64: 2, 1280, 1>}, {pipeline_mode = #tpu.pipeline_mode<synchronous>, transform_indices = @transform_2, window_bounds = array<i64: 128, 128>}, {pipeline_mode = #tpu.pipeline_mode<synchronous>, transform_indices = @transform_3, window_bounds = array<i64: 1, 128>}, {pipeline_mode = #tpu.pipeline_mode<synchronous>, transform_indices = @transform_4, window_bounds = array<i64: 128, 64>}, {transform_indices = @transform_5, window_bounds = array<i64: 1280, 64>}]} {
    %get3A = arith.constant 0 : index
    %get3A_0 = arith.constant 0 : index
    %get3A_1 = arith.constant 0 : index
    %get3A_2 = vector.load %arg1[%get3A, %get3A_0, %get3A_1] : memref<2x1280x128xf32, #tpu.memory_space<vmem>>, vector<1x1280x128xf32>
    %get3A_3 = vector.shape_cast %get3A_2 : vector<1x1280x128xf32> to vector<1280x128xf32>
    %get3A_4 = arith.constant 1 : index
    %get3A_5 = arith.constant 0 : index
    %get3A_6 = arith.constant 0 : index
    %get3A_7 = vector.load %arg1[%get3A_4, %get3A_5, %get3A_6] : memref<2x1280x128xf32, #tpu.memory_space<vmem>>, vector<1x1280x128xf32>
    %get3A_8 = vector.shape_cast %get3A_7 : vector<1x1280x128xf32> to vector<1280x128xf32>
    %add3A = arith.addf %get3A_3, %get3A_8 : vector<1280x128xf32>
    %get3A_9 = arith.constant 0 : index
    %get3A_10 = arith.constant 0 : index
    %get3A_11 = arith.constant 0 : index
    %get3A_12 = vector.load %arg2[%get3A_9, %get3A_10, %get3A_11] : memref<2x1280x1xf32, #tpu.memory_space<vmem>>, vector<1x1280x1xf32>
    %get3A_13 = vector.shape_cast %get3A_12 : vector<1x1280x1xf32> to vector<1280x1xf32>
    %get3A_14 = arith.constant 1 : index
    %get3A_15 = arith.constant 0 : index
    %get3A_16 = arith.constant 0 : index
    %get3A_17 = vector.load %arg2[%get3A_14, %get3A_15, %get3A_16] : memref<2x1280x1xf32, #tpu.memory_space<vmem>>, vector<1x1280x1xf32>
    %get3A_18 = vector.shape_cast %get3A_17 : vector<1x1280x1xf32> to vector<1280x1xf32>
    %add3A_19 = arith.addf %get3A_13, %get3A_18 : vector<1280x1xf32>
    %max3A = arith.constant 1.000000e+00 : f32
    %max3A_20 = vector.broadcast %max3A : f32 to vector<1280x1xf32>
    %max3A_21 = arith.maximumf %add3A_19, %max3A_20 : vector<1280x1xf32>
    %div3A = arith.constant 1.000000e+00 : f32
    %div3A_22 = vector.broadcast %div3A : f32 to vector<1280x1xf32>
    %div3A_23 = arith.divf %div3A_22, %max3A_21 : vector<1280x1xf32>
    %mul3A = vector.broadcast %div3A_23 : vector<1280x1xf32> to vector<1280x128xf32>
    %mul3A_24 = arith.mulf %add3A, %mul3A : vector<1280x128xf32>
    %get3A_25 = arith.constant 0 : index
    %get3A_26 = arith.constant 0 : index
    %get3A_27 = vector.load %arg3[%get3A_25, %get3A_26] : memref<128x128xf32, #tpu.memory_space<vmem>>, vector<128x128xf32>
    %dot_general3A = arith.constant dense<0.000000e+00> : vector<1280x128xf32>
    %dot_general3A_28 = tpu.matmul %mul3A_24, %get3A_27, %dot_general3A {dimension_numbers = #tpu.dot_dimension_numbers<[1], [0], [0], [1], [0, 0, 1, 1], [], []>, transpose_lhs_hint = false} : vector<1280x128xf32>, vector<128x128xf32>, vector<1280x128xf32> -> vector<1280x128xf32>
    %get3A_29 = arith.constant 0 : index
    %get3A_30 = arith.constant 0 : index
    %get3A_31 = vector.load %arg4[%get3A_29, %get3A_30] : memref<1x128xf32, #tpu.memory_space<vmem>>, vector<1x128xf32>
    %add3A_32 = vector.broadcast %get3A_31 : vector<1x128xf32> to vector<1280x128xf32>
    %add3A_33 = arith.addf %dot_general3A_28, %add3A_32 : vector<1280x128xf32>
    %max3A_34 = arith.constant 0.000000e+00 : f32
    %max3A_35 = vector.broadcast %max3A_34 : f32 to vector<1280x128xf32>
    %max3A_36 = arith.maximumf %add3A_33, %max3A_35 : vector<1280x128xf32>
    %get3A_37 = arith.constant 0 : index
    %get3A_38 = arith.constant 0 : index
    %get3A_39 = vector.load %arg5[%get3A_37, %get3A_38] : memref<128x64xf32, #tpu.memory_space<vmem>>, vector<128x64xf32>
    %dot_general3A_40 = arith.constant dense<0.000000e+00> : vector<1280x64xf32>
    %dot_general3A_41 = tpu.matmul %max3A_36, %get3A_39, %dot_general3A_40 {dimension_numbers = #tpu.dot_dimension_numbers<[1], [0], [0], [1], [0, 0, 1, 1], [], []>, transpose_lhs_hint = false} : vector<1280x128xf32>, vector<128x64xf32>, vector<1280x64xf32> -> vector<1280x64xf32>
    %swap3A = arith.constant 0 : index
    %swap3A_42 = arith.constant 0 : index
    %swap3A_43 = vector.load %arg6[%swap3A, %swap3A_42] : memref<1280x64xf32, #tpu.memory_space<vmem>>, vector<1280x64xf32>
    tpu.vector_store %arg6[%swap3A, %swap3A_42], %dot_general3A_41 {strides = array<i32>} : memref<1280x64xf32, #tpu.memory_space<vmem>>, vector<1280x64xf32>,
    return
  }
  func.func @transform_0(%arg0: i32) -> (i32, i32, i32) {
    %c0_i32 = arith.constant 0 : i32
    %c0_i32_0 = arith.constant 0 : i32
    %c0_i32_1 = arith.constant 0 : i32
    return %c0_i32, %arg0, %c0_i32_0 : i32, i32, i32
  }
  func.func @transform_1(%arg0: i32) -> (i32, i32, i32) {
    %c0_i32 = arith.constant 0 : i32
    %c0_i32_0 = arith.constant 0 : i32
    %c0_i32_1 = arith.constant 0 : i32
    return %c0_i32, %arg0, %c0_i32_0 : i32, i32, i32
  }
  func.func @transform_2(%arg0: i32) -> (i32, i32) {
    %c0_i32 = arith.constant 0 : i32
    %c0_i32_0 = arith.constant 0 : i32
    %c0_i32_1 = arith.constant 0 : i32
    return %c0_i32, %c0_i32_0 : i32, i32
  }
  func.func @transform_3(%arg0: i32) -> (i32, i32) {
    %c0_i32 = arith.constant 0 : i32
    %c0_i32_0 = arith.constant 0 : i32
    %c0_i32_1 = arith.constant 0 : i32
    return %c0_i32, %c0_i32_0 : i32, i32
  }
  func.func @transform_4(%arg0: i32) -> (i32, i32) {
    %c0_i32 = arith.constant 0 : i32
    %c0_i32_0 = arith.constant 0 : i32
    %c0_i32_1 = arith.constant 0 : i32
    return %c0_i32, %c0_i32_0 : i32, i32
  }
  func.func @transform_5(%arg0: i32) -> (i32, i32) {
    %c0_i32 = arith.constant 0 : i32
    %c0_i32_0 = arith.constant 0 : i32
    return %arg0, %c0_i32 : i32, i32
  }
}

module attributes {stable_mosaic.version = 14 : i64} {
  func.func @_dense2_body(%arg0: i32, %arg1: memref<2x1280x64xf32, #tpu.memory_space<vmem>>, %arg2: memref<2x1280x1xf32, #tpu.memory_space<vmem>>, %arg3: memref<1x64xf32, #tpu.memory_space<vmem>>, %arg4: memref<1280x64xf32, #tpu.memory_space<vmem>>) attributes {dimension_semantics = [#tpu.dimension_semantics<arbitrary>], iteration_bounds = array<i64: 8>, scalar_prefetch = 0 : i64, scratch_operands = 0 : i64, tpu.core_type = #tpu.core_type<tc>, window_params = [{transform_indices = @transform_0, window_bounds = array<i64: 2, 1280, 64>}, {transform_indices = @transform_1, window_bounds = array<i64: 2, 1280, 1>}, {pipeline_mode = #tpu.pipeline_mode<synchronous>, transform_indices = @transform_2, window_bounds = array<i64: 1, 64>}, {transform_indices = @transform_3, window_bounds = array<i64: 1280, 64>}]} {
    %get3A = arith.constant 0 : index
    %get3A_0 = arith.constant 0 : index
    %get3A_1 = arith.constant 0 : index
    %get3A_2 = vector.load %arg1[%get3A, %get3A_0, %get3A_1] : memref<2x1280x64xf32, #tpu.memory_space<vmem>>, vector<1x1280x64xf32>
    %get3A_3 = vector.shape_cast %get3A_2 : vector<1x1280x64xf32> to vector<1280x64xf32>
    %get3A_4 = arith.constant 1 : index
    %get3A_5 = arith.constant 0 : index
    %get3A_6 = arith.constant 0 : index
    %get3A_7 = vector.load %arg1[%get3A_4, %get3A_5, %get3A_6] : memref<2x1280x64xf32, #tpu.memory_space<vmem>>, vector<1x1280x64xf32>
    %get3A_8 = vector.shape_cast %get3A_7 : vector<1x1280x64xf32> to vector<1280x64xf32>
    %add3A = arith.addf %get3A_3, %get3A_8 : vector<1280x64xf32>
    %get3A_9 = arith.constant 0 : index
    %get3A_10 = arith.constant 0 : index
    %get3A_11 = arith.constant 0 : index
    %get3A_12 = vector.load %arg2[%get3A_9, %get3A_10, %get3A_11] : memref<2x1280x1xf32, #tpu.memory_space<vmem>>, vector<1x1280x1xf32>
    %get3A_13 = vector.shape_cast %get3A_12 : vector<1x1280x1xf32> to vector<1280x1xf32>
    %get3A_14 = arith.constant 1 : index
    %get3A_15 = arith.constant 0 : index
    %get3A_16 = arith.constant 0 : index
    %get3A_17 = vector.load %arg2[%get3A_14, %get3A_15, %get3A_16] : memref<2x1280x1xf32, #tpu.memory_space<vmem>>, vector<1x1280x1xf32>
    %get3A_18 = vector.shape_cast %get3A_17 : vector<1x1280x1xf32> to vector<1280x1xf32>
    %add3A_19 = arith.addf %get3A_13, %get3A_18 : vector<1280x1xf32>
    %max3A = arith.constant 1.000000e+00 : f32
    %max3A_20 = vector.broadcast %max3A : f32 to vector<1280x1xf32>
    %max3A_21 = arith.maximumf %add3A_19, %max3A_20 : vector<1280x1xf32>
    %div3A = vector.broadcast %max3A_21 : vector<1280x1xf32> to vector<1280x64xf32>
    %div3A_22 = arith.divf %add3A, %div3A : vector<1280x64xf32>
    %get3A_23 = arith.constant 0 : index
    %get3A_24 = arith.constant 0 : index
    %get3A_25 = vector.load %arg3[%get3A_23, %get3A_24] : memref<1x64xf32, #tpu.memory_space<vmem>>, vector<1x64xf32>
    %add3A_26 = vector.broadcast %get3A_25 : vector<1x64xf32> to vector<1280x64xf32>
    %add3A_27 = arith.addf %div3A_22, %add3A_26 : vector<1280x64xf32>
    %swap3A = arith.constant 0 : index
    %swap3A_28 = arith.constant 0 : index
    %swap3A_29 = vector.load %arg4[%swap3A, %swap3A_28] : memref<1280x64xf32, #tpu.memory_space<vmem>>, vector<1280x64xf32>
    tpu.vector_store %arg4[%swap3A, %swap3A_28], %add3A_27 {strides = array<i32>} : memref<1280x64xf32, #tpu.memory_space<vmem>>, vector<1280x64xf32>,
    return
  }
  func.func @transform_0(%arg0: i32) -> (i32, i32, i32) {
    %c0_i32 = arith.constant 0 : i32
    %c0_i32_0 = arith.constant 0 : i32
    %c0_i32_1 = arith.constant 0 : i32
    return %c0_i32, %arg0, %c0_i32_0 : i32, i32, i32
  }
  func.func @transform_1(%arg0: i32) -> (i32, i32, i32) {
    %c0_i32 = arith.constant 0 : i32
    %c0_i32_0 = arith.constant 0 : i32
    %c0_i32_1 = arith.constant 0 : i32
    return %c0_i32, %arg0, %c0_i32_0 : i32, i32, i32
  }
  func.func @transform_2(%arg0: i32) -> (i32, i32) {
    %c0_i32 = arith.constant 0 : i32
    %c0_i32_0 = arith.constant 0 : i32
    %c0_i32_1 = arith.constant 0 : i32
    return %c0_i32, %c0_i32_0 : i32, i32
  }
  func.func @transform_3(%arg0: i32) -> (i32, i32) {
    %c0_i32 = arith.constant 0 : i32
    %c0_i32_0 = arith.constant 0 : i32
    return %arg0, %c0_i32 : i32, i32
  }
}

</mosaic_0001>

<sc_bundles>
// kernel: kernel.6.cloned.1.call-start
scs
__scs_entry_jumppad:
0x0: {  	(pc) =	sbr.rel $0x88, $3  }
0x1: {  	(tag) =	ssettag $0x0;
	lr =	simm.s32 $0x1  }
0x2: {  	[smem:$0x3F9B] =	sst lr;
	_ =	strace $0xD0000000  }
0x3: {  	_ = 	snop  }
0x4: {  	_ = 	snop  }
0x5: {  	_ = 	snop  }
0x6: {  	_ = 	snop  }
0x7: {  	_ = 	snop  }
__scs_overlays_trampoline_lowered:
0x8: {  	[smem:$0x3FAA] =	sst s0  }
0x9: {  	[smem:$0x3FAB] =	sst s1  }
0xa: {  	[smem:$0x3FAC] =	sst s2  }
0xb: {  	[smem:$0x3FAD] =	sst s3  }
0xc: {  	[smem:$0x3FAE] =	sst s4  }
0xd: {  	[smem:$0x3FAF] =	sst s5  }
0xe: {  	[smem:$0x3FB0] =	sst s6  }
0xf: {  	[smem:$0x3FB1] =	sst s7  }
0x10: {  	[smem:$0x3FB2] =	sst s8  }
0x11: {  	[smem:$0x3FB3] =	sst s9;
	s0 =	simm.s32 @!p0 $0x0  }
0x12: {  	s1 =	sld [smem:$0x3F99];
	s0 =	simm.s32 @p0 $0x1  }
0x13: {  	[smem:$0x3FB4] =	sst s0;
	s0 =	simm.s32 @!p1 $0x0  }
0x14: {  	s2 =	sld [smem:$0x3F98];
	s0 =	simm.s32 @p1 $0x1  }
0x15: {  	[smem:$0x3FB5] =	sst s0;
	s0 =	simm.s32 @!p2 $0x0  }
0x16: {  	s3 =	sld [smem:$0x3FDB];
	s0 =	simm.s32 @p2 $0x1  }
0x17: {  	s4 =	simm.s32 $0x1BF5;
	[smem:$0x3FB7] =	sst s0  }
0x18: {  	s0 =	sld [smem:$0x3F9A];
	_ =	swait.ge [sflag:s4], $0x0  }
0x19: {  	s7 =	sld [smem:$0x3F9B]  }
0x1a: {  	s8 =	sadd.s32 $0xFFFFE003, lr  }
0x1b: {  	s9 =	sadd.s32 $0xFFFFFEF7, lr;
	s5 =	simm.s32 $0xFFFFFFFF;
	p2 =	slt.u32 s8, $0xFFFFF086  }
0x1c: {  	p1 =	slt.u32 s9, $0xF7A;
	s5 =	simm.s32 @!p2 $0x0  }
0x1d: {  	s5 =	simm.s32 @p1 $0x1;
	p0 =	seq.s32 s7, s2  }
0x1e: {  	s7 =	smul.u32 @!p0 $0xF7A, s2;
	p2 =	seq.s32 @!p0 s5, $0x0  }
0x1f: {  	s9 =	smul.u32 $0xF7A, s1;
	s8 =	simm.s32 @!p0 $0x1BF5;
	p2 =	por !p2, p0  }
0x20: {  	[sflag:s8] =	ssyncset.s32 @!p0 $0xFFFFF086;
	s6 =	sadd.s32 @!p0 s3, s7;
	s7 =	simm.s32 @!p0 $0x108  }
0x21: {  	s3 =	sadd.s32 s3, s9;
	s6 =	sadd.s32 @!p0 $0x88, s6;
	s7 =	simm.s32 @p2 $0x1082  }
0x22: {  	[simem:s7], [sflag:s8] =	dma.local @!p0 [hbm:s6], $0xF7A  }
0x23: {  	s9 =	sor.u32 $0xD0000000, s2;
	s6 =	simm.s32 $0x108;
	_ =	swait.ge @!p0 [sflag:s8], $0x0  }
0x24: {  	s3 =	sadd.s32 $0x88, s3;
	s6 =	simm.s32 @!p1 $0x1082;
	[sflag:s4] =	ssyncset.s32 $0xFFFFF086  }
0x25: {  	[simem:s6], [sflag:s4] =	dma.local [hbm:s3], $0xF7A  }
0x26: {  	[smem:$0x3F9B] =	sst s1;
	(tag) =	ssettag s2;
	_ =	strace s9  }
0x27: {  	s1 =	sld [smem:$0x3FAB]  }
0x28: {  	s2 =	sld [smem:$0x3FAC]  }
0x29: {  	s4 =	sld [smem:$0x3FAE]  }
0x2a: {  	p0 =	seq.s32 s5, $0x0;
	s5 =	sld [smem:$0x3FAF]  }
0x2b: {  	s6 =	sld [smem:$0x3FB0]  }
0x2c: {  	s7 =	sld [smem:$0x3FB1]  }
0x2d: {  	s3 =	simm.s32 $0x108;
	s8 =	sld [smem:$0x3FB2]  }
0x2e: {  	s3 =	simm.s32 @!p0 $0x1082;
	s9 =	sld [smem:$0x3FB3]  }
0x2f: {  	lr =	sadd.s32 s0, s3;
	s0 =	sld [smem:$0x3FAA]  }
0x30: {  	s3 =	sld [smem:$0x3FAD]  }
0x31: {  	[smem:$0x3FB6] =	sst s10  }
0x32: {  	s10 =	sld [smem:$0x3FB4];
	_ =	sdelay $0x3  }
0x33: {  	p0 =	seq.s32 s10, $0x1;
	s10 =	sld [smem:$0x3FB6];
	_ =	sdelay $0x3  }
0x34: {  	[smem:$0x3FB6] =	sst s10  }
0x35: {  	s10 =	sld [smem:$0x3FB5];
	_ =	sdelay $0x3  }
0x36: {  	p1 =	seq.s32 s10, $0x1;
	s10 =	sld [smem:$0x3FB6];
	_ =	sdelay $0x3  }
0x37: {  	[smem:$0x3FB6] =	sst s10  }
0x38: {  	s10 =	sld [smem:$0x3FB7]  }
0x39: {  	_ = 	snop;
	(pc) =	sbr.ind lr, $3  }
0x3a: {  	_ = 	snop  }
0x3b: {  	_ = 	snop  }
0x3c: {  	p2 =	seq.s32 s10, $0x1;
	s10 =	sld [smem:$0x3FB6]  }
0x3d: {  	_ =	shalt  }
0x3e: {  	_ =	shalt  }
0x3f: {  	_ =	shalt  }
0x40: {  	_ =	shalt  }
0x41: {  	_ =	shalt  }
0x42: {  	_ =	shalt  }
0x43: {  	_ =	shalt  }
0x44: {  	_ =	shalt  }
0x45: {  	_ =	shalt  }
0x46: {  	_ =	shalt  }
0x47: {  	_ =	shalt  }
0x48: {  	_ =	shalt  }
0x49: {  	_ =	shalt  }
0x4a: {  	_ =	shalt  }
0x4b: {  	_ =	shalt  }
0x4c: {  	_ =	shalt  }
0x4d: {  	_ =	shalt  }
0x4e: {  	_ =	shalt  }
0x4f: {  	_ =	shalt  }
0x50: {  	_ =	shalt  }
0x51: {  	_ =	shalt  }
0x52: {  	_ =	shalt  }
0x53: {  	_ =	shalt  }
0x54: {  	_ =	shalt  }
0x55: {  	_ =	shalt  }
0x56: {  	_ =	shalt  }
0x57: {  	_ =	shalt  }
0x58: {  	_ =	shalt  }
0x59: {  	_ =	shalt  }
0x5a: {  	_ =	shalt  }
0x5b: {  	_ =	shalt  }
0x5c: {  	_ =	shalt  }
0x5d: {  	_ =	shalt  }
0x5e: {  	_ =	shalt  }
0x5f: {  	_ =	shalt  }
0x60: {  	_ =	shalt  }
0x61: {  	_ =	shalt  }
0x62: {  	_ =	shalt  }
0x63: {  	_ =	shalt  }
0x64: {  	_ =	shalt  }
0x65: {  	_ =	shalt  }
0x66: {  	_ =	shalt  }
0x67: {  	_ =	shalt  }
0x68: {  	_ =	shalt  }
0x69: {  	_ =	shalt  }
0x6a: {  	_ =	shalt  }
0x6b: {  	_ =	shalt  }
0x6c: {  	_ =	shalt  }
0x6d: {  	_ =	shalt  }
0x6e: {  	_ =	shalt  }
0x6f: {  	_ =	shalt  }
0x70: {  	_ =	shalt  }
0x71: {  	_ =	shalt  }
0x72: {  	_ =	shalt  }
0x73: {  	_ =	shalt  }
0x74: {  	_ =	shalt  }
0x75: {  	_ =	shalt  }
0x76: {  	_ =	shalt  }
0x77: {  	_ =	shalt  }
0x78: {  	_ =	shalt  }
0x79: {  	_ =	shalt  }
0x7a: {  	_ =	shalt  }
0x7b: {  	_ =	shalt  }
0x7c: {  	_ =	shalt  }
0x7d: {  	_ =	shalt  }
0x7e: {  	_ =	shalt  }
0x7f: {  	_ =	shalt  }
0x80: {  	_ =	shalt  }
0x81: {  	_ =	shalt  }
0x82: {  	_ =	shalt  }
0x83: {  	_ =	shalt  }
0x84: {  	_ =	shalt  }
0x85: {  	_ =	shalt  }
0x86: {  	_ =	shalt  }
0x87: {  	_ =	shalt  }
.Lfunc_end0:
.L_simem_size_0:
called_computation_lowered:
.L_overlay_start_0:
0x88: {  	s2 =	sld [smem:$0x3FD9]  }
0x89: {  	s3 =	sld [smem:$0x3FFE];
	_ =	sdelay $0x1  }
0x8a: {  	s1 =	srdreg.scid  }
0x8b: {  	s0 =	sand.u32 $0x1, s1  }
0x8c: {  	s17 =	sshll.u32 s0, $0xA;
	s2 =	sadd.s32 s3, s2  }
0x8d: {  	s2 =	sadd.s32 s2, s17  }
0x8e: {  	[smem:$0x3FC2] =	sst s2  }
0x8f: {  	_ = 	snop  }
0x90: {  	s2 =	sld [smem:$0x3FC9]  }
0x91: {  	s18 =	sld [smem:$0x3FD0];
	(tm) =	ssettm $0x1  }
0x92: {  	s4 =	sld [smem:$0x3FFB];
	_ =	sdelay $0x3  }
0x93: {  	_ =	strace s4  }
0x94: {  	s4 =	sld [smem:$0x3FFC];
	_ =	sdelay $0x3  }
0x95: {  	_ =	strace s4  }
0x96: {  	s4 =	sld [smem:$0x3FFD];
	_ =	sdelay $0x3  }
0x97: {  	_ =	strace s4  }
0x98: {  	_ =	strace $0x8FFFFFFF  }
0x99: {  	s19 =	sld [smem:$0x3FDB];
	_ =	sdelay $0x1  }
0x9a: {  	s5 =	simm.s32 $_scs_section_size  }
0x9b: {  	s6 =	simm.s32 $_size__tile_overlayer_lowered;
	s7 =	simm.s32 $_tile_overlayer_lowered  }
0x9c: {  	s22 =	simm.s32 $0x1BFF;
	s21 =	sshll.u32 s7, $0x1;
	s4 =	sadd.s32 s5, s19  }
0x9d: {  	s8 =	simm.s32 $0x0;
	s20 =	sshll.u32 s6, $0x1;
	s6 =	sadd.s32 s21, s4  }
0x9e: {  	[timem:s8], [sflag:s22] =	dma.local [hbm:s6], s20  }
0x9f: {  	_ =	swait.ge [sflag:s22], s20  }
0xa0: {  	s5 =	ssub.s32 $0x0, s20;
	[sflag:s22] =	ssyncset.done $0x0  }
0xa1: {  	[sflag:s22] =	ssyncadd.s32 s5;
	_ =	sdelay $0x1  }
0xa2: {  	s23 =	simm.s32 $0x1B8B  }
0xa3: {  	_ =	swait.ge [sflag:s23], $0x1  }
0xa4: {  	[sflag:s23] =	ssyncset.done $0x0  }
0xa5: {  	s25 =	simm.s32 $0x1B8E;
	s24 =	sld [smem:$0x3FFE];
	[sflag:s23] =	ssyncadd.s32 $0xFFFFFFFF  }
0xa6: {  	s26 =	simm.s32 $execute0_lowered;
	[smem:$0x3FD2] =	sst s25  }
0xa7: {  	s6 =	sshll.u32 s26, $0x1;
	_ =	strace $0x80000046;
	[dreg:$0x1] =	wrdreg $0xFFFFFFFF  }
0xa8: {  	s28 =	simm.s32 $_size_execute0_lowered;
	s4 =	sadd.s32 s4, s6;
	[dreg:$0x0] =	wrdreg $0x0  }
0xa9: {  	s6 =	sshll.u32 s28, $0x1;
	[dreg:$0x2] =	wrdreg s4  }
0xaa: {  	[dreg:$0x3] =	wrdreg s6  }
0xab: {  	[dreg:$0x4] =	wrdreg $0xC0  }
0xac: {  	_ =	task [dreg:s8], $0x5FFFF  }
0xad: {  	[dreg:$0x1] =	wrdreg $0xFFFFFFFF  }
0xae: {  	[dreg:$0x0] =	wrdreg $0x60  }
0xaf: {  	[dreg:$0x2] =	wrdreg s2  }
0xb0: {  	[dreg:$0x3] =	wrdreg s24  }
0xb1: {  	[dreg:$0x4] =	wrdreg s18  }
0xb2: {  	[dreg:$0x5] =	wrdreg $0x84800  }
0xb3: {  	[dreg:$0x6] =	wrdreg $0x1C4800  }
0xb4: {  	[dreg:$0x7] =	wrdreg $0x9  }
0xb5: {  	_ =	task.clear_ibuf [dreg:s8], $0x8FFFF;
	_ =	strace $0x90000046  }
0xb6: {  	s29 =	simm.s32 $0x9;
	_ =	strace $0x80000048  }
0xb7: {  	_ =	swait.ge [sflag:s29], $0x1  }
0xb8: {  	[sflag:s29] =	ssyncadd.s32 $0xFFFFFFFF  }
0xb9: {  	_ =	strace $0x90000048  }
0xba: {  	_ =	sfence  }
0xbb: {  	s30 =	sld [smem:$0x0];
	_ =	sdelay $0x2  }
0xbc: {  	s31 =	sshll.u32 s1, $0xD;
	s1 =	sshrl.u32 s1, $0x2  }
0xbd: {  	s3 =	sand.u32 $0x4000, s31;
	s1 =	sadd.s32 s1, s30  }
0xbe: {  	s0 =	sor.u32 s3, s0;
	s1 =	sshll.u32 s1, $0x11  }
0xbf: {  	s0 =	sor.u32 s1, s0  }
0xc0: {  	s0 =	sadd.s32 $0x8F2B, s0  }
0xc1: {  	[sflag:s0] =	ssyncadd.remote.s32 $0x1  }
0xc2: {  	_ =	sfence.sel $0xFFFF  }
0xc3: {  	[dreg:$0x0] =	wrdreg $0xFFFFFFFF;
	(pc) =	sbr.abs _section_cstart, $3  }
0xc4: {  	[dreg:$0x1] =	wrdreg $0xFFFFFFFF  }
0xc5: {  	_ =	task.clear_ibuf [dreg:s8], $0x2FFFF;
	_ =	strace $0x9FFFFFFF  }
0xc6: {  	(tm) =	ssettm $0x7FFFFFFF  }
0xc7: {  	_ =	shalt  }
tec
execute0_lowered:
.L_overlay_start_1:
0x0: {  	(tag) =	ssettag $0x1  }
0x1: {  	s1 =	rddreg [dreg:$0x0]  }
0x2: {  	s0 =	rddreg [dreg:$0x1]  }
0x3: {  	s2 =	rddreg [dreg:$0x2]  }
0x4: {  	s3 =	rddreg [dreg:$0x3]  }
0x5: {  	s4 =	rddreg [dreg:$0x4];
	s5 =	simm.s32 $0x0  }
0x6: {  	s16 =	stileid.u32;
	s8 =	srdreg.scid;
	s28 =	simm.s32 $0x3  }
0x7: {  	s29 =	simm.s32 $0x80;
	s30 =	simm.s32 $0x400;
	s6 =	smul.u32 $0x14000, s16  }
0x8: {  	s31 =	simm.s32 $0x4;
	[smem:$0x7FF] =	sst s5;
	s7 =	smul.u32 $0x280, s16  }
0x9: {  	s9 =	sand.u32 $0x1, s8;
	s12 =	sadd.s32 $0x1000, s0;
	s13 =	smul.u32 $0x50000, s16  }
0xa: {  	s19 =	sshll.u32 s16, $0x6;
	s26 =	smul.u32 $0x5000, s16;
	_ =	strace $0x80000047  }
0xb: {  	s11 =	smul.u32 $0x140000, s9;
	s18 =	sshll.u32 s9, $0x4;
	s14 =	ssub.s32 $0x2, s9  }
0xc: {  	s23 =	smul.u32 $0x50000, s9;
	s9 =	sshll.u32 s9, $0x7;
	s17 =	sshrl.u32 s6, $0x3  }
0xd: {  	s10 =	sshrl.u32 s7, $0x3;
	s15 =	sshrl.u32 s14, $0x1;
	s13 =	sshrl.u32 s13, $0x2  }
0xe: {  	s7 =	sadd.s32 s7, s4;
	s8 =	sadd.s32 s17, s0;
	s10 =	sadd.s32 s10, s0  }
0xf: {  	s6 =	sadd.s32 s6, s11;
	s11 =	sor.u32 s16, s18;
	s13 =	sadd.s32 s13, s3  }
0x10: {  	[dreg:$0xb] =	wrdreg s7;
	s7 =	sadd.s32 s26, s23;
	s6 =	sshrl.u32 s6, $0x3  }
0x11: {  	s11 =	smul.u32 $0x5000, s11;
	[dreg:$0x9] =	wrdreg s13;
	s8 =	sadd.s32 $0x15000, s8  }
0x12: {  	s21 =	sadd.s32 $0x3D000, s10;
	s18 =	sor.u32 $0xA00, s7;
	[dreg:$0xa] =	wrdreg s8  }
0x13: {  	s0 =	sadd.s32 s6, s0;
	s8 =	sor.u32 $0x1C0B, s19;
	[dreg:$0xd] =	wrdreg s21  }
0x14: {  	s6 =	ssub.s32 s14, s15;
	s0 =	sadd.s32 $0x3D600, s0;
	[dreg:$0x1a] =	wrdreg s8  }
0x15: {  	s11 =	sshrl.u32 s11, $0x3;
	s6 =	smax.u32 s6, $0x1;
	[dreg:$0x15] =	wrdreg s0  }
0x16: {  	s15 =	smul.u32 $0x500, s16;
	s20 =	sadd.s32 s12, s11;
	[dreg:$0x17] =	wrdreg s6  }
0x17: {  	s13 =	simm.s32 $0x180;
	s22 =	sadd.s32 $0x20, s20;
	[dreg:$0xc] =	wrdreg s20  }
0x18: {  	s9 =	sor.u32 s9, s15;
	s24 =	sadd.s32 $0x40, s20;
	[dreg:$0xe] =	wrdreg s22  }
0x19: {  	s6 =	simm.s32 $0x8400;
	s25 =	sadd.s32 $0x60, s20;
	[dreg:$0xf] =	wrdreg s24  }
0x1a: {  	s15 =	simm.s32 $0x8;
	s11 =	sadd.s32 $0x80, s20;
	[dreg:$0x10] =	wrdreg s25  }
0x1b: {  	s14 =	sadd.s32 $0xA0, s20;
	s16 =	sadd.s32 $0xC0, s20;
	[dreg:$0x11] =	wrdreg s11  }
0x1c: {  	s17 =	sadd.s32 $0x9E0, s20;
	s19 =	sshrl.u32 s9, $0x3;
	[dreg:$0x12] =	wrdreg s14  }
0x1d: {  	s20 =	sshrl.u32 s18, $0x3;
	s9 =	simm.s32 $0x7;
	[dreg:$0x13] =	wrdreg s16  }
0x1e: {  	s18 =	simm.s32 $0x380;
	[dreg:$0x14] =	wrdreg s17;
	s0 =	sadd.s32 s2, s19  }
0x1f: {  	s21 =	sadd.s32 s20, s12;
	s22 =	sor.u32 $0x900, s7;
	s24 =	sor.u32 $0x800, s7  }
0x20: {  	s7 =	sor.u32 $0x700, s7;
	s11 =	simm.s32 $0x9;
	s14 =	simm.s32 $0x6  }
0x21: {  	s16 =	simm.s32 $0xA;
	s17 =	simm.s32 $0x280;
	[dreg:$0x16] =	wrdreg s0  }
0x22: {  	s19 =	simm.s32 $0x0;
	[dreg:$0x6] =	wrdreg s21;
	s23 =	sshrl.u32 s22, $0x3  }
0x23: {  	s2 =	sshrl.u32 s24, $0x3;
	s26 =	sshrl.u32 s7, $0x3;
	s24 =	simm.s32 $0x100  }
0x24: {  	s7 =	simm.s32 $0x5;
	s0 =	sadd.s32 s23, s12;
	s25 =	sadd.s32 s2, s12  }
0x25: {  	s22 =	sadd.s32 s26, s12;
	s23 =	simm.s32 $0xB;
	s26 =	simm.s32 $0x300  }
0x26: {  	s2 =	simm.s32 $0x1;
	s12 =	simm.s32 $0x2;
	[dreg:$0x7] =	wrdreg s0  }
0x27: {  	v0 =	vimm.f32 $1.000000000e+00;
	[dreg:$0x8] =	wrdreg s25;
	s25 =	simm.s32 $0x200;
	s0 =	simm.s32 $0x4400  }
.LBB2_1:
0x28: {  	s10 =	rddreg [dreg:$0x9]  }
0x29: {  	s21 =	rddreg [dreg:$0xa];
	s20 =	sshrl.u32 s10, $0x3  }
0x2a: {  	[dreg:$0x18] =	wrdreg s20  }
0x2b: {  	[spmem:s20], [sflag:s8] =	dma.local [hbm:s21], $0x2800  }
0x2c: {  	_ =	swait.ge [sflag:s23], $0x2800  }
0x2d: {  	s8 =	rddreg [dreg:$0xb]  }
0x2e: {  	s20 =	rddreg [dreg:$0xd]  }
0x2f: {  	[sflag:s23] =	ssyncset.done $0x0;
	s21 =	rddreg [dreg:$0x1a];
	s10 =	sshrl.u32 s8, $0x3  }
0x30: {  	[sflag:s23] =	ssyncadd.s32 $0xFFFFD800;
	[dreg:$0x19] =	wrdreg s10  }
0x31: {  	[spmem:s10], [sflag:s21] =	dma.local [hbm:s20], $0x50  }
0x32: {  	s8 =	rddreg [dreg:$0x1a];
	_ =	swait.ge [sflag:s23], $0x50  }
0x33: {  	[sflag:s23] =	ssyncset.done $0x0  }
0x34: {  	[sflag:s23] =	ssyncadd.s32 $0xFFFFFFB0  }
0x35: {  	[tilespmem:$0x8400] =	vst v0  }
0x36: {  	[tilespmem:$0x8410] =	vst v0  }
0x37: {  	[tilespmem:$0x8420] =	vst v0  }
0x38: {  	[tilespmem:$0x8430] =	vst v0  }
0x39: {  	[tilespmem:$0x8440] =	vst v0  }
0x3a: {  	[tilespmem:$0x8450] =	vst v0  }
0x3b: {  	[tilespmem:$0x8460] =	vst v0  }
0x3c: {  	[tilespmem:$0x8470] =	vst v0  }
0x3d: {  	[bflag:$0x0] =	sbarrier.arrive $0xFFFF  }
0x3e: {  	s21 =	rddreg [dreg:$0xc]  }
0x3f: {  	[tilespmem:s5], [sflag:$0x3] =	stream.linear.gather [hbm4b:s21+s5], $0x100, $0x38;
	[tilespmem:$0x1C700] =	vst v63  }
0x40: {  	s20 =	rddreg [dreg:$0xe]  }
0x41: {  	[tilespmem:s24], [sflag:$0x4] =	stream.linear.gather [hbm4b:s20+s5], $0x100, $0x38;
	[tilespmem:$0x1C700] =	vst v63  }
0x42: {  	s21 =	rddreg [dreg:$0xf]  }
0x43: {  	[tilespmem:s25], [sflag:$0x5] =	stream.linear.gather [hbm4b:s21+s5], $0x100, $0x38;
	[tilespmem:$0x1C700] =	vst v63  }
0x44: {  	s20 =	rddreg [dreg:$0x10]  }
0x45: {  	[tilespmem:s26], [sflag:$0x6] =	stream.linear.gather [hbm4b:s20+s5], $0x100, $0x38;
	[tilespmem:$0x1C700] =	vst v63  }
0x46: {  	_ =	swait.ge [sflag:s28], $0x100  }
0x47: {  	[sflag:s28] =	ssyncset.done $0x0  }
0x48: {  	[sflag:s28] =	ssyncadd.s32 $0xFFFFFF00  }
0x49: {  	[tilespmem:s30], [sflag:$0x1] =	stream.indirect.gather [hbm4b:s1+s29], $0x80, s5, s29, $0xb8;
	[tilespmem:$0x1C700] =	vst v63  }
0x4a: {  	_ =	swait.ge [sflag:s31], $0x100  }
0x4b: {  	[sflag:s31] =	ssyncset.done $0x0  }
0x4c: {  	[sflag:s31] =	ssyncadd.s32 $0xFFFFFF00  }
0x4d: {  	[tilespmem:s0], [sflag:$0x2] =	stream.indirect.gather [hbm4b:s1+s29], $0x80, s24, s29, $0xb8;
	[tilespmem:$0x1C700] =	vst v63  }
0x4e: {  	_ =	swait.ge [sflag:s2], $0x4000  }
0x4f: {  	[sflag:s2] =	ssyncset.done $0x0  }
0x50: {  	[sflag:s2] =	ssyncadd.s32 $0xFFFFC000  }
0x51: {  	[spmem:s3] =	stream.indirect.scatter.add.f32 [tilespmem:s30], [sflag:$0x7], $0x80, s29, s29, $0xb8;
	[tilespmem:$0x1C700] =	vst v63  }
0x52: {  	_ = 	snop  }
0x53: {  	[spmem:s4] =	stream.indirect.scatter.add.f32 [tilespmem:s6], [sflag:$0x9], $0x1, s29, s29, $0xb8;
	[tilespmem:$0x1C700] =	vst v63  }
0x54: {  	_ =	swait.ge [sflag:s7], $0x100  }
0x55: {  	[sflag:s7] =	ssyncset.done $0x0  }
0x56: {  	[sflag:s7] =	ssyncadd.s32 $0xFFFFFF00  }
0x57: {  	_ =	swait.ge [sflag:s9], $0x4000  }
0x58: {  	[sflag:s9] =	ssyncset.done $0x0  }
0x59: {  	[sflag:s9] =	ssyncadd.s32 $0xFFFFC000  }
0x5a: {  	_ =	swait.ge [sflag:s11], $0x80  }
0x5b: {  	[sflag:s11] =	ssyncset.done $0x0  }
0x5c: {  	[sflag:s11] =	ssyncadd.s32 $0xFFFFFF80  }
0x5d: {  	[tilespmem:s30], [sflag:$0x1] =	stream.indirect.gather [hbm4b:s1+s29], $0x80, s25, s29, $0xb8;
	[tilespmem:$0x1C700] =	vst v63  }
0x5e: {  	s21 =	rddreg [dreg:$0x11]  }
0x5f: {  	[tilespmem:s5], [sflag:$0x3] =	stream.linear.gather [hbm4b:s21+s5], $0x100, $0x38;
	[tilespmem:$0x1C700] =	vst v63  }
0x60: {  	_ =	swait.ge [sflag:s12], $0x4000  }
0x61: {  	[sflag:s12] =	ssyncset.done $0x0  }
0x62: {  	[sflag:s12] =	ssyncadd.s32 $0xFFFFC000  }
0x63: {  	[spmem:s3] =	stream.indirect.scatter.add.f32 [tilespmem:s0], [sflag:$0x8], $0x80, s13, s29, $0xb8;
	[tilespmem:$0x1C700] =	vst v63  }
0x64: {  	_ = 	snop  }
0x65: {  	[spmem:s4] =	stream.indirect.scatter.add.f32 [tilespmem:s6], [sflag:$0xA], $0x1, s13, s29, $0xb8;
	[tilespmem:$0x1C700] =	vst v63  }
0x66: {  	_ =	swait.ge [sflag:s14], $0x100  }
0x67: {  	[sflag:s14] =	ssyncset.done $0x0  }
0x68: {  	[sflag:s14] =	ssyncadd.s32 $0xFFFFFF00  }
0x69: {  	_ =	swait.ge [sflag:s15], $0x4000  }
0x6a: {  	[sflag:s15] =	ssyncset.done $0x0  }
0x6b: {  	[sflag:s15] =	ssyncadd.s32 $0xFFFFC000  }
0x6c: {  	_ =	swait.ge [sflag:s16], $0x80  }
0x6d: {  	[sflag:s16] =	ssyncset.done $0x0  }
0x6e: {  	[sflag:s16] =	ssyncadd.s32 $0xFFFFFF80  }
0x6f: {  	[tilespmem:s0], [sflag:$0x2] =	stream.indirect.gather [hbm4b:s1+s29], $0x80, s26, s29, $0xb8;
	[tilespmem:$0x1C700] =	vst v63  }
0x70: {  	s20 =	rddreg [dreg:$0x12]  }
0x71: {  	[tilespmem:s24], [sflag:$0x4] =	stream.linear.gather [hbm4b:s20+s5], $0x100, $0x38;
	[tilespmem:$0x1C700] =	vst v63  }
0x72: {  	_ =	swait.ge [sflag:s2], $0x4000  }
0x73: {  	[sflag:s2] =	ssyncset.done $0x0  }
0x74: {  	[sflag:s2] =	ssyncadd.s32 $0xFFFFC000  }
0x75: {  	[spmem:s3] =	stream.indirect.scatter.add.f32 [tilespmem:s30], [sflag:$0x7], $0x80, s17, s29, $0xb8;
	[tilespmem:$0x1C700] =	vst v63  }
0x76: {  	_ = 	snop  }
0x77: {  	[spmem:s4] =	stream.indirect.scatter.add.f32 [tilespmem:s6], [sflag:$0x9], $0x1, s17, s29, $0xb8;
	[tilespmem:$0x1C700] =	vst v63  }
0x78: {  	_ =	swait.ge [sflag:s28], $0x100  }
0x79: {  	[sflag:s28] =	ssyncset.done $0x0  }
0x7a: {  	[sflag:s28] =	ssyncadd.s32 $0xFFFFFF00  }
0x7b: {  	_ =	swait.ge [sflag:s9], $0x4000  }
0x7c: {  	[sflag:s9] =	ssyncset.done $0x0  }
0x7d: {  	[sflag:s9] =	ssyncadd.s32 $0xFFFFC000  }
0x7e: {  	_ =	swait.ge [sflag:s11], $0x80  }
0x7f: {  	[sflag:s11] =	ssyncset.done $0x0  }
0x80: {  	[sflag:s11] =	ssyncadd.s32 $0xFFFFFF80  }
0x81: {  	[tilespmem:s30], [sflag:$0x1] =	stream.indirect.gather [hbm4b:s1+s29], $0x80, s5, s29, $0xb8;
	[tilespmem:$0x1C700] =	vst v63  }
0x82: {  	s21 =	rddreg [dreg:$0x13]  }
0x83: {  	[tilespmem:s25], [sflag:$0x5] =	stream.linear.gather [hbm4b:s21+s5], $0x100, $0x38;
	[tilespmem:$0x1C700] =	vst v63  }
0x84: {  	_ =	swait.ge [sflag:s12], $0x4000  }
0x85: {  	[sflag:s12] =	ssyncset.done $0x0  }
0x86: {  	[sflag:s12] =	ssyncadd.s32 $0xFFFFC000  }
0x87: {  	[spmem:s3] =	stream.indirect.scatter.add.f32 [tilespmem:s0], [sflag:$0x8], $0x80, s18, s29, $0xb8;
	[tilespmem:$0x1C700] =	vst v63  }
0x88: {  	_ = 	snop  }
0x89: {  	[spmem:s4] =	stream.indirect.scatter.add.f32 [tilespmem:s6], [sflag:$0xA], $0x1, s18, s29, $0xb8;
	[tilespmem:$0x1C700] =	vst v63  }
0x8a: {  	_ =	swait.ge [sflag:s31], $0x100  }
0x8b: {  	[sflag:s31] =	ssyncset.done $0x0  }
0x8c: {  	[sflag:s31] =	ssyncadd.s32 $0xFFFFFF00  }
0x8d: {  	_ =	swait.ge [sflag:s15], $0x4000  }
0x8e: {  	[sflag:s15] =	ssyncset.done $0x0  }
0x8f: {  	[sflag:s15] =	ssyncadd.s32 $0xFFFFC000  }
0x90: {  	_ =	swait.ge [sflag:s16], $0x80  }
0x91: {  	[sflag:s16] =	ssyncset.done $0x0  }
0x92: {  	[sflag:s16] =	ssyncadd.s32 $0xFFFFFF80  }
0x93: {  	[tilespmem:s0], [sflag:$0x2] =	stream.indirect.gather [hbm4b:s1+s29], $0x80, s24, s29, $0xb8;
	[tilespmem:$0x1C700] =	vst v63  }
0x94: {  	s20 =	sadd.s32 $0x0, s22  }
0x95: {  	[tilespmem:s26], [sflag:$0x6] =	stream.linear.gather [hbm4b:s20+s5], $0x100, $0x38;
	[tilespmem:$0x1C700] =	vst v63  }
0x96: {  	_ =	swait.ge [sflag:s2], $0x4000  }
0x97: {  	[sflag:s2] =	ssyncset.done $0x0  }
0x98: {  	[sflag:s2] =	ssyncadd.s32 $0xFFFFC000  }
0x99: {  	[spmem:s3] =	stream.indirect.scatter.add.f32 [tilespmem:s30], [sflag:$0x7], $0x80, s29, s29, $0xb8;
	[tilespmem:$0x1C700] =	vst v63  }
0x9a: {  	_ = 	snop  }
0x9b: {  	[spmem:s4] =	stream.indirect.scatter.add.f32 [tilespmem:s6], [sflag:$0x9], $0x1, s29, s29, $0xb8;
	[tilespmem:$0x1C700] =	vst v63  }
0x9c: {  	_ =	swait.ge [sflag:s7], $0x100  }
0x9d: {  	[sflag:s7] =	ssyncset.done $0x0  }
0x9e: {  	[sflag:s7] =	ssyncadd.s32 $0xFFFFFF00  }
0x9f: {  	_ =	swait.ge [sflag:s9], $0x4000  }
0xa0: {  	[sflag:s9] =	ssyncset.done $0x0  }
0xa1: {  	[sflag:s9] =	ssyncadd.s32 $0xFFFFC000  }
0xa2: {  	_ =	swait.ge [sflag:s11], $0x80  }
0xa3: {  	[sflag:s11] =	ssyncset.done $0x0  }
0xa4: {  	s21 =	rddreg [dreg:$0x8];
	[sflag:s11] =	ssyncadd.s32 $0xFFFFFF80  }
0xa5: {  	[tilespmem:s30], [sflag:$0x1] =	stream.indirect.gather [hbm4b:s1+s29], $0x80, s25, s29, $0xb8;
	[tilespmem:$0x1C700] =	vst v63  }
0xa6: {  	s10 =	sadd.s32 $0x0, s21  }
0xa7: {  	[tilespmem:s5], [sflag:$0x3] =	stream.linear.gather [hbm4b:s10+s5], $0x100, $0x38;
	[tilespmem:$0x1C700] =	vst v63  }
0xa8: {  	_ =	swait.ge [sflag:s12], $0x4000  }
0xa9: {  	[sflag:s12] =	ssyncset.done $0x0  }
0xaa: {  	[sflag:s12] =	ssyncadd.s32 $0xFFFFC000  }
0xab: {  	[spmem:s3] =	stream.indirect.scatter.add.f32 [tilespmem:s0], [sflag:$0x8], $0x80, s13, s29, $0xb8;
	[tilespmem:$0x1C700] =	vst v63  }
0xac: {  	_ = 	snop  }
0xad: {  	[spmem:s4] =	stream.indirect.scatter.add.f32 [tilespmem:s6], [sflag:$0xA], $0x1, s13, s29, $0xb8;
	[tilespmem:$0x1C700] =	vst v63  }
0xae: {  	_ =	swait.ge [sflag:s14], $0x100  }
0xaf: {  	[sflag:s14] =	ssyncset.done $0x0  }
0xb0: {  	[sflag:s14] =	ssyncadd.s32 $0xFFFFFF00  }
0xb1: {  	_ =	swait.ge [sflag:s15], $0x4000  }
0xb2: {  	[sflag:s15] =	ssyncset.done $0x0  }
0xb3: {  	[sflag:s15] =	ssyncadd.s32 $0xFFFFC000  }
0xb4: {  	_ =	swait.ge [sflag:s16], $0x80  }
0xb5: {  	[sflag:s16] =	ssyncset.done $0x0  }
0xb6: {  	s20 =	rddreg [dreg:$0x7];
	[sflag:s16] =	ssyncadd.s32 $0xFFFFFF80  }
0xb7: {  	[tilespmem:s0], [sflag:$0x2] =	stream.indirect.gather [hbm4b:s1+s29], $0x80, s26, s29, $0xb8;
	[tilespmem:$0x1C700] =	vst v63  }
0xb8: {  	s10 =	sadd.s32 $0x0, s20  }
0xb9: {  	[tilespmem:s24], [sflag:$0x4] =	stream.linear.gather [hbm4b:s10+s5], $0x100, $0x38;
	[tilespmem:$0x1C700] =	vst v63  }
0xba: {  	_ =	swait.ge [sflag:s2], $0x4000  }
0xbb: {  	[sflag:s2] =	ssyncset.done $0x0  }
0xbc: {  	[sflag:s2] =	ssyncadd.s32 $0xFFFFC000  }
0xbd: {  	[spmem:s3] =	stream.indirect.scatter.add.f32 [tilespmem:s30], [sflag:$0x7], $0x80, s17, s29, $0xb8;
	[tilespmem:$0x1C700] =	vst v63  }
0xbe: {  	_ = 	snop  }
0xbf: {  	[spmem:s4] =	stream.indirect.scatter.add.f32 [tilespmem:s6], [sflag:$0x9], $0x1, s17, s29, $0xb8;
	[tilespmem:$0x1C700] =	vst v63  }
0xc0: {  	_ =	swait.ge [sflag:s28], $0x100  }
0xc1: {  	[sflag:s28] =	ssyncset.done $0x0  }
0xc2: {  	[sflag:s28] =	ssyncadd.s32 $0xFFFFFF00  }
0xc3: {  	_ =	swait.ge [sflag:s9], $0x4000  }
0xc4: {  	[sflag:s9] =	ssyncset.done $0x0  }
0xc5: {  	[sflag:s9] =	ssyncadd.s32 $0xFFFFC000  }
0xc6: {  	_ =	swait.ge [sflag:s11], $0x80  }
0xc7: {  	[sflag:s11] =	ssyncset.done $0x0  }
0xc8: {  	s21 =	rddreg [dreg:$0x6];
	[sflag:s11] =	ssyncadd.s32 $0xFFFFFF80  }
0xc9: {  	[tilespmem:s30], [sflag:$0x1] =	stream.indirect.gather [hbm4b:s1+s29], $0x80, s5, s29, $0xb8;
	[tilespmem:$0x1C700] =	vst v63  }
0xca: {  	s10 =	sadd.s32 $0x0, s21  }
0xcb: {  	[tilespmem:s25], [sflag:$0x5] =	stream.linear.gather [hbm4b:s10+s5], $0x100, $0x38;
	[tilespmem:$0x1C700] =	vst v63  }
0xcc: {  	_ =	swait.ge [sflag:s12], $0x4000  }
0xcd: {  	[sflag:s12] =	ssyncset.done $0x0  }
0xce: {  	s10 =	simm.s32 $0x80;
	[sflag:s12] =	ssyncadd.s32 $0xFFFFC000  }
0xcf: {  	[spmem:s3] =	stream.indirect.scatter.add.f32 [tilespmem:s0], [sflag:$0x8], $0x80, s18, s29, $0xb8;
	[tilespmem:$0x1C700] =	vst v63  }
.LBB2_2:
0xd0: {  	[spmem:s4] =	stream.indirect.scatter.add.f32 [tilespmem:s6], [sflag:$0xA], $0x1, s18, s29, $0xb8;
	[tilespmem:$0x1C700] =	vst v63  }
0xd1: {  	_ =	swait.ge [sflag:s31], $0x100  }
0xd2: {  	[sflag:s31] =	ssyncset.done $0x0  }
0xd3: {  	[sflag:s31] =	ssyncadd.s32 $0xFFFFFF00  }
0xd4: {  	_ =	swait.ge [sflag:s15], $0x4000  }
0xd5: {  	[sflag:s15] =	ssyncset.done $0x0  }
0xd6: {  	[sflag:s15] =	ssyncadd.s32 $0xFFFFC000  }
0xd7: {  	_ =	swait.ge [sflag:s16], $0x80  }
0xd8: {  	[sflag:s16] =	ssyncset.done $0x0  }
0xd9: {  	s20 =	smov.u32 s10;
	[sflag:s16] =	ssyncadd.s32 $0xFFFFFF80  }
0xda: {  	[tilespmem:s0], [sflag:$0x2] =	stream.indirect.gather [hbm4b:s1+s29], $0x80, s24, s29, $0xb8;
	[tilespmem:$0x1C700] =	vst v63  }
0xdb: {  	s21 =	sadd.s32 s20, s22  }
0xdc: {  	[tilespmem:s26], [sflag:$0x6] =	stream.linear.gather [hbm4b:s21+s5], $0x100, $0x38;
	[tilespmem:$0x1C700] =	vst v63  }
0xdd: {  	_ =	swait.ge [sflag:s2], $0x4000  }
0xde: {  	[sflag:s2] =	ssyncset.done $0x0  }
0xdf: {  	[sflag:s2] =	ssyncadd.s32 $0xFFFFC000  }
0xe0: {  	[spmem:s3] =	stream.indirect.scatter.add.f32 [tilespmem:s30], [sflag:$0x7], $0x80, s29, s29, $0xb8;
	[tilespmem:$0x1C700] =	vst v63  }
0xe1: {  	_ = 	snop  }
0xe2: {  	[spmem:s4] =	stream.indirect.scatter.add.f32 [tilespmem:s6], [sflag:$0x9], $0x1, s29, s29, $0xb8;
	[tilespmem:$0x1C700] =	vst v63  }
0xe3: {  	_ =	swait.ge [sflag:s7], $0x100  }
0xe4: {  	[sflag:s7] =	ssyncset.done $0x0  }
0xe5: {  	[sflag:s7] =	ssyncadd.s32 $0xFFFFFF00  }
0xe6: {  	_ =	swait.ge [sflag:s9], $0x4000  }
0xe7: {  	[sflag:s9] =	ssyncset.done $0x0  }
0xe8: {  	[sflag:s9] =	ssyncadd.s32 $0xFFFFC000  }
0xe9: {  	_ =	swait.ge [sflag:s11], $0x80  }
0xea: {  	[sflag:s11] =	ssyncset.done $0x0  }
0xeb: {  	s21 =	rddreg [dreg:$0x8];
	[sflag:s11] =	ssyncadd.s32 $0xFFFFFF80  }
0xec: {  	[tilespmem:s30], [sflag:$0x1] =	stream.indirect.gather [hbm4b:s1+s29], $0x80, s25, s29, $0xb8;
	[tilespmem:$0x1C700] =	vst v63  }
0xed: {  	s21 =	sadd.s32 s20, s21  }
0xee: {  	[tilespmem:s5], [sflag:$0x3] =	stream.linear.gather [hbm4b:s21+s5], $0x100, $0x38;
	[tilespmem:$0x1C700] =	vst v63  }
0xef: {  	_ =	swait.ge [sflag:s12], $0x4000  }
0xf0: {  	[sflag:s12] =	ssyncset.done $0x0  }
0xf1: {  	[sflag:s12] =	ssyncadd.s32 $0xFFFFC000  }
0xf2: {  	[spmem:s3] =	stream.indirect.scatter.add.f32 [tilespmem:s0], [sflag:$0x8], $0x80, s13, s29, $0xb8;
	[tilespmem:$0x1C700] =	vst v63  }
0xf3: {  	_ = 	snop  }
0xf4: {  	[spmem:s4] =	stream.indirect.scatter.add.f32 [tilespmem:s6], [sflag:$0xA], $0x1, s13, s29, $0xb8;
	[tilespmem:$0x1C700] =	vst v63  }
0xf5: {  	_ =	swait.ge [sflag:s14], $0x100  }
0xf6: {  	[sflag:s14] =	ssyncset.done $0x0  }
0xf7: {  	[sflag:s14] =	ssyncadd.s32 $0xFFFFFF00  }
0xf8: {  	_ =	swait.ge [sflag:s15], $0x4000  }
0xf9: {  	[sflag:s15] =	ssyncset.done $0x0  }
0xfa: {  	[sflag:s15] =	ssyncadd.s32 $0xFFFFC000  }
0xfb: {  	_ =	swait.ge [sflag:s16], $0x80  }
0xfc: {  	[sflag:s16] =	ssyncset.done $0x0  }
0xfd: {  	s21 =	rddreg [dreg:$0x7];
	[sflag:s16] =	ssyncadd.s32 $0xFFFFFF80  }
0xfe: {  	[tilespmem:s0], [sflag:$0x2] =	stream.indirect.gather [hbm4b:s1+s29], $0x80, s26, s29, $0xb8;
	[tilespmem:$0x1C700] =	vst v63  }
0xff: {  	s21 =	sadd.s32 s20, s21  }
0x100: {  	[tilespmem:s24], [sflag:$0x4] =	stream.linear.gather [hbm4b:s21+s5], $0x100, $0x38;
	[tilespmem:$0x1C700] =	vst v63  }
0x101: {  	_ =	swait.ge [sflag:s2], $0x4000  }
0x102: {  	[sflag:s2] =	ssyncset.done $0x0  }
0x103: {  	[sflag:s2] =	ssyncadd.s32 $0xFFFFC000  }
0x104: {  	[spmem:s3] =	stream.indirect.scatter.add.f32 [tilespmem:s30], [sflag:$0x7], $0x80, s17, s29, $0xb8;
	[tilespmem:$0x1C700] =	vst v63  }
0x105: {  	_ = 	snop  }
0x106: {  	[spmem:s4] =	stream.indirect.scatter.add.f32 [tilespmem:s6], [sflag:$0x9], $0x1, s17, s29, $0xb8;
	[tilespmem:$0x1C700] =	vst v63  }
0x107: {  	_ =	swait.ge [sflag:s28], $0x100  }
0x108: {  	[sflag:s28] =	ssyncset.done $0x0  }
0x109: {  	[sflag:s28] =	ssyncadd.s32 $0xFFFFFF00  }
0x10a: {  	_ =	swait.ge [sflag:s9], $0x4000  }
0x10b: {  	[sflag:s9] =	ssyncset.done $0x0  }
0x10c: {  	[sflag:s9] =	ssyncadd.s32 $0xFFFFC000  }
0x10d: {  	_ =	swait.ge [sflag:s11], $0x80  }
0x10e: {  	[sflag:s11] =	ssyncset.done $0x0  }
0x10f: {  	s21 =	rddreg [dreg:$0x6];
	[sflag:s11] =	ssyncadd.s32 $0xFFFFFF80  }
0x110: {  	[tilespmem:s30], [sflag:$0x1] =	stream.indirect.gather [hbm4b:s1+s29], $0x80, s5, s29, $0xb8;
	[tilespmem:$0x1C700] =	vst v63  }
0x111: {  	p0 =	sne.s32 s10, $0x880;
	s20 =	sadd.s32 s20, s21  }
0x112: {  	[tilespmem:s25], [sflag:$0x5] =	stream.linear.gather [hbm4b:s20+s5], $0x100, $0x38;
	[tilespmem:$0x1C700] =	vst v63  }
.Ltmp0:
0x113: {  	_ = 	snop;
	(pc) =	sbr.rel @p0 .LBB2_2-.Ltmp0, $4  }
0x114: {  	_ =	swait.ge [sflag:s12], $0x4000  }
0x115: {  	[sflag:s12] =	ssyncset.done $0x0  }
0x116: {  	s10 =	sadd.s32 $0x80, s10;
	[sflag:s12] =	ssyncadd.s32 $0xFFFFC000  }
0x117: {  	[spmem:s3] =	stream.indirect.scatter.add.f32 [tilespmem:s0], [sflag:$0x8], $0x80, s18, s29, $0xb8;
	[tilespmem:$0x1C700] =	vst v63  }
0x118: {  	[spmem:s4] =	stream.indirect.scatter.add.f32 [tilespmem:s6], [sflag:$0xA], $0x1, s18, s29, $0xb8;
	[tilespmem:$0x1C700] =	vst v63  }
0x119: {  	_ =	swait.ge [sflag:s31], $0x100  }
0x11a: {  	[sflag:s31] =	ssyncset.done $0x0  }
0x11b: {  	[sflag:s31] =	ssyncadd.s32 $0xFFFFFF00  }
0x11c: {  	_ =	swait.ge [sflag:s15], $0x4000  }
0x11d: {  	[sflag:s15] =	ssyncset.done $0x0  }
0x11e: {  	[sflag:s15] =	ssyncadd.s32 $0xFFFFC000  }
0x11f: {  	_ =	swait.ge [sflag:s16], $0x80  }
0x120: {  	[sflag:s16] =	ssyncset.done $0x0  }
0x121: {  	[sflag:s16] =	ssyncadd.s32 $0xFFFFFF80  }
0x122: {  	[tilespmem:s0], [sflag:$0x2] =	stream.indirect.gather [hbm4b:s1+s29], $0x80, s24, s29, $0xb8;
	[tilespmem:$0x1C700] =	vst v63  }
0x123: {  	s10 =	rddreg [dreg:$0x14]  }
0x124: {  	[tilespmem:s26], [sflag:$0x6] =	stream.linear.gather [hbm4b:s10+s5], $0x100, $0x38;
	[tilespmem:$0x1C700] =	vst v63  }
0x125: {  	_ =	swait.ge [sflag:s2], $0x4000  }
0x126: {  	[sflag:s2] =	ssyncset.done $0x0  }
0x127: {  	[sflag:s2] =	ssyncadd.s32 $0xFFFFC000  }
0x128: {  	[spmem:s3] =	stream.indirect.scatter.add.f32 [tilespmem:s30], [sflag:$0x7], $0x80, s29, s29, $0xb8;
	[tilespmem:$0x1C700] =	vst v63  }
0x129: {  	_ = 	snop  }
0x12a: {  	[spmem:s4] =	stream.indirect.scatter.add.f32 [tilespmem:s6], [sflag:$0x9], $0x1, s29, s29, $0xb8;
	[tilespmem:$0x1C700] =	vst v63  }
0x12b: {  	_ =	swait.ge [sflag:s7], $0x100  }
0x12c: {  	[sflag:s7] =	ssyncset.done $0x0  }
0x12d: {  	[sflag:s7] =	ssyncadd.s32 $0xFFFFFF00  }
0x12e: {  	_ =	swait.ge [sflag:s9], $0x4000  }
0x12f: {  	[sflag:s9] =	ssyncset.done $0x0  }
0x130: {  	[sflag:s9] =	ssyncadd.s32 $0xFFFFC000  }
0x131: {  	_ =	swait.ge [sflag:s11], $0x80  }
0x132: {  	[sflag:s11] =	ssyncset.done $0x0  }
0x133: {  	[sflag:s11] =	ssyncadd.s32 $0xFFFFFF80  }
0x134: {  	[tilespmem:s30], [sflag:$0x1] =	stream.indirect.gather [hbm4b:s1+s29], $0x80, s25, s29, $0xb8;
	[tilespmem:$0x1C700] =	vst v63  }
0x135: {  	_ =	swait.ge [sflag:s12], $0x4000  }
0x136: {  	[sflag:s12] =	ssyncset.done $0x0  }
0x137: {  	[sflag:s12] =	ssyncadd.s32 $0xFFFFC000  }
0x138: {  	[spmem:s3] =	stream.indirect.scatter.add.f32 [tilespmem:s0], [sflag:$0x8], $0x80, s13, s29, $0xb8;
	[tilespmem:$0x1C700] =	vst v63  }
0x139: {  	_ = 	snop  }
0x13a: {  	[spmem:s4] =	stream.indirect.scatter.add.f32 [tilespmem:s6], [sflag:$0xA], $0x1, s13, s29, $0xb8;
	[tilespmem:$0x1C700] =	vst v63  }
0x13b: {  	_ =	swait.ge [sflag:s14], $0x100  }
0x13c: {  	[sflag:s14] =	ssyncset.done $0x0  }
0x13d: {  	[sflag:s14] =	ssyncadd.s32 $0xFFFFFF00  }
0x13e: {  	_ =	swait.ge [sflag:s15], $0x4000  }
0x13f: {  	[sflag:s15] =	ssyncset.done $0x0  }
0x140: {  	[sflag:s15] =	ssyncadd.s32 $0xFFFFC000  }
0x141: {  	_ =	swait.ge [sflag:s16], $0x80  }
0x142: {  	[sflag:s16] =	ssyncset.done $0x0  }
0x143: {  	[sflag:s16] =	ssyncadd.s32 $0xFFFFFF80  }
0x144: {  	[tilespmem:s0], [sflag:$0x2] =	stream.indirect.gather [hbm4b:s1+s29], $0x80, s26, s29, $0xb8;
	[tilespmem:$0x1C700] =	vst v63  }
0x145: {  	_ =	swait.ge [sflag:s2], $0x4000  }
0x146: {  	[sflag:s2] =	ssyncset.done $0x0  }
0x147: {  	[sflag:s2] =	ssyncadd.s32 $0xFFFFC000  }
0x148: {  	[spmem:s3] =	stream.indirect.scatter.add.f32 [tilespmem:s30], [sflag:$0x7], $0x80, s17, s29, $0xb8;
	[tilespmem:$0x1C700] =	vst v63  }
0x149: {  	_ = 	snop  }
0x14a: {  	[spmem:s4] =	stream.indirect.scatter.add.f32 [tilespmem:s6], [sflag:$0x9], $0x1, s17, s29, $0xb8;
	[tilespmem:$0x1C700] =	vst v63  }
0x14b: {  	_ =	swait.ge [sflag:s9], $0x4000  }
0x14c: {  	[sflag:s9] =	ssyncset.done $0x0  }
0x14d: {  	[sflag:s9] =	ssyncadd.s32 $0xFFFFC000  }
0x14e: {  	_ =	swait.ge [sflag:s11], $0x80  }
0x14f: {  	[sflag:s11] =	ssyncset.done $0x0  }
0x150: {  	[sflag:s11] =	ssyncadd.s32 $0xFFFFFF80  }
0x151: {  	_ =	swait.ge [sflag:s12], $0x4000  }
0x152: {  	[sflag:s12] =	ssyncset.done $0x0  }
0x153: {  	[sflag:s12] =	ssyncadd.s32 $0xFFFFC000  }
0x154: {  	[spmem:s3] =	stream.indirect.scatter.add.f32 [tilespmem:s0], [sflag:$0x8], $0x80, s18, s29, $0xb8;
	[tilespmem:$0x1C700] =	vst v63  }
0x155: {  	_ = 	snop  }
0x156: {  	[spmem:s4] =	stream.indirect.scatter.add.f32 [tilespmem:s6], [sflag:$0xA], $0x1, s18, s29, $0xb8;
	[tilespmem:$0x1C700] =	vst v63  }
0x157: {  	_ =	swait.ge [sflag:s15], $0x4000  }
0x158: {  	[sflag:s15] =	ssyncset.done $0x0  }
0x159: {  	[sflag:s15] =	ssyncadd.s32 $0xFFFFC000  }
0x15a: {  	_ =	swait.ge [sflag:s16], $0x80  }
0x15b: {  	[sflag:s16] =	ssyncset.done $0x0  }
0x15c: {  	[sflag:s16] =	ssyncadd.s32 $0xFFFFFF80  }
0x15d: {  	[bflag:$0x0] =	sbarrier.arrive $0xFFFF  }
0x15e: {  	s21 =	rddreg [dreg:$0x15]  }
0x15f: {  	s20 =	rddreg [dreg:$0x18]  }
0x160: {  	[hbm:s21], [sflag:s8] =	dma.local [spmem:s20], $0x2800  }
0x161: {  	_ =	swait.ge [sflag:s23], $0x2800  }
0x162: {  	s10 =	rddreg [dreg:$0x16]  }
0x163: {  	s20 =	simm.s32 $0x20;
	[sflag:s23] =	ssyncset.done $0x0;
	s8 =	rddreg [dreg:$0x19]  }
0x164: {  	s21 =	simm.s32 $0x10;
	[sflag:s23] =	ssyncadd.s32 $0xFFFFD800;
	s23 =	rddreg [dreg:$0x1a]  }
0x165: {  	[hbm:s10@s20], [sflag:s23] =	dma.strided [spmem:s8@s21], $0x50, s2, $0x10   }
0x166: {  	s23 =	simm.s32 $0xB  }
0x167: {  	s8 =	rddreg [dreg:$0x1a];
	_ =	swait.ge [sflag:s23], $0x50  }
0x168: {  	s19 =	sadd.s32 $0x1, s19;
	s21 =	rddreg [dreg:$0x17]  }
0x169: {  	p0 =	sne.s32 s19, s21  }
.Ltmp1:
0x16a: {  	_ = 	snop;
	(pc) =	sbr.rel @p0 .LBB2_1-.Ltmp1, $3  }
0x16b: {  	_ =	sdelay $0x1  }
0x16c: {  	[sflag:s23] =	ssyncset.done $0x0  }
0x16d: {  	[sflag:s23] =	ssyncadd.s32 $0xFFFFFFB0  }
0x16e: {  	_ =	sfence.sel $0x180000  }
0x16f: {  	[bflag:$0x0] =	sbarrier.arrive $0xFFFF  }
0x170: {  	_ =	strace $0x90000047  }
0x171: {  	s0 =	stileid.u32;
	[bflag:$0x2] =	sbarrier.arrive $0xFFFF  }
0x172: {  	p0 =	sne.s32 s0, $0x0;
	s0 =	rddreg [dreg:$0x5]  }
0x173: {  	s0 =	sadd.s32 @!p0 $0x100000, s0  }
0x174: {  	[sflag:s0] =	ssyncadd.tile.s32 @!p0 $0x1;
	_ =	shalt  }
.Lfunc_end2:
_tile_overlayer_lowered:
.L_overlay_start_2:
0x175: {  	(tag) =	ssettag $0x2  }
0x176: {  	s0 =	rddreg [dreg:$0x0];
	s2 =	stileid.u32  }
0x177: {  	s1 =	rddreg [dreg:$0x1];
	p0 =	sne.s32 s2, $0x0  }
0x178: {  	s3 =	rddreg [dreg:$0x2];
	[bflag:$0x3] =	sbarrier.arrive $0xFFFF;
	s2 =	simm.s32 @!p0 $0x1C0B  }
0x179: {  	[timem:s3], [sflag:s2] =	dma.local @!p0 [hbm:s0], s1  }
0x17a: {  	s0 =	simm.s32 @!p0 $0xB  }
0x17b: {  	_ =	swait.ge @!p0 [sflag:s0], s1  }
0x17c: {  	s1 =	ssub.s32 @!p0 $0x0, s1;
	[sflag:s0] =	ssyncset.done @!p0 $0x0  }
0x17d: {  	[sflag:s0] =	ssyncadd.s32 @!p0 s1  }
0x17e: {  	[bflag:$0x3] =	sbarrier.arrive $0xFFFF  }
0x17f: {  	_ =	shalt  }

// kernel: kernel.9.cloned.1.call-start
scs
__scs_entry_jumppad:
0x0: {  	(pc) =	sbr.rel $0x88, $3  }
0x1: {  	(tag) =	ssettag $0x0;
	lr =	simm.s32 $0x1  }
0x2: {  	[smem:$0x3F9B] =	sst lr;
	_ =	strace $0xD0000000  }
0x3: {  	_ = 	snop  }
0x4: {  	_ = 	snop  }
0x5: {  	_ = 	snop  }
0x6: {  	_ = 	snop  }
0x7: {  	_ = 	snop  }
__scs_overlays_trampoline_lowered:
0x8: {  	[smem:$0x3FAA] =	sst s0  }
0x9: {  	[smem:$0x3FAB] =	sst s1  }
0xa: {  	[smem:$0x3FAC] =	sst s2  }
0xb: {  	[smem:$0x3FAD] =	sst s3  }
0xc: {  	[smem:$0x3FAE] =	sst s4  }
0xd: {  	[smem:$0x3FAF] =	sst s5  }
0xe: {  	[smem:$0x3FB0] =	sst s6  }
0xf: {  	[smem:$0x3FB1] =	sst s7  }
0x10: {  	[smem:$0x3FB2] =	sst s8  }
0x11: {  	[smem:$0x3FB3] =	sst s9;
	s0 =	simm.s32 @!p0 $0x0  }
0x12: {  	s1 =	sld [smem:$0x3F99];
	s0 =	simm.s32 @p0 $0x1  }
0x13: {  	[smem:$0x3FB4] =	sst s0;
	s0 =	simm.s32 @!p1 $0x0  }
0x14: {  	s2 =	sld [smem:$0x3F98];
	s0 =	simm.s32 @p1 $0x1  }
0x15: {  	[smem:$0x3FB5] =	sst s0;
	s0 =	simm.s32 @!p2 $0x0  }
0x16: {  	s3 =	sld [smem:$0x3FDB];
	s0 =	simm.s32 @p2 $0x1  }
0x17: {  	s4 =	simm.s32 $0x1BF5;
	[smem:$0x3FB7] =	sst s0  }
0x18: {  	s0 =	sld [smem:$0x3F9A];
	_ =	swait.ge [sflag:s4], $0x0  }
0x19: {  	s7 =	sld [smem:$0x3F9B]  }
0x1a: {  	s8 =	sadd.s32 $0xFFFFE003, lr  }
0x1b: {  	s9 =	sadd.s32 $0xFFFFFEF7, lr;
	s5 =	simm.s32 $0xFFFFFFFF;
	p2 =	slt.u32 s8, $0xFFFFF086  }
0x1c: {  	p1 =	slt.u32 s9, $0xF7A;
	s5 =	simm.s32 @!p2 $0x0  }
0x1d: {  	s5 =	simm.s32 @p1 $0x1;
	p0 =	seq.s32 s7, s2  }
0x1e: {  	s7 =	smul.u32 @!p0 $0xF7A, s2;
	p2 =	seq.s32 @!p0 s5, $0x0  }
0x1f: {  	s9 =	smul.u32 $0xF7A, s1;
	s8 =	simm.s32 @!p0 $0x1BF5;
	p2 =	por !p2, p0  }
0x20: {  	[sflag:s8] =	ssyncset.s32 @!p0 $0xFFFFF086;
	s6 =	sadd.s32 @!p0 s3, s7;
	s7 =	simm.s32 @!p0 $0x108  }
0x21: {  	s3 =	sadd.s32 s3, s9;
	s6 =	sadd.s32 @!p0 $0x88, s6;
	s7 =	simm.s32 @p2 $0x1082  }
0x22: {  	[simem:s7], [sflag:s8] =	dma.local @!p0 [hbm:s6], $0xF7A  }
0x23: {  	s9 =	sor.u32 $0xD0000000, s2;
	s6 =	simm.s32 $0x108;
	_ =	swait.ge @!p0 [sflag:s8], $0x0  }
0x24: {  	s3 =	sadd.s32 $0x88, s3;
	s6 =	simm.s32 @!p1 $0x1082;
	[sflag:s4] =	ssyncset.s32 $0xFFFFF086  }
0x25: {  	[simem:s6], [sflag:s4] =	dma.local [hbm:s3], $0xF7A  }
0x26: {  	[smem:$0x3F9B] =	sst s1;
	(tag) =	ssettag s2;
	_ =	strace s9  }
0x27: {  	s1 =	sld [smem:$0x3FAB]  }
0x28: {  	s2 =	sld [smem:$0x3FAC]  }
0x29: {  	s4 =	sld [smem:$0x3FAE]  }
0x2a: {  	p0 =	seq.s32 s5, $0x0;
	s5 =	sld [smem:$0x3FAF]  }
0x2b: {  	s6 =	sld [smem:$0x3FB0]  }
0x2c: {  	s7 =	sld [smem:$0x3FB1]  }
0x2d: {  	s3 =	simm.s32 $0x108;
	s8 =	sld [smem:$0x3FB2]  }
0x2e: {  	s3 =	simm.s32 @!p0 $0x1082;
	s9 =	sld [smem:$0x3FB3]  }
0x2f: {  	lr =	sadd.s32 s0, s3;
	s0 =	sld [smem:$0x3FAA]  }
0x30: {  	s3 =	sld [smem:$0x3FAD]  }
0x31: {  	[smem:$0x3FB6] =	sst s10  }
0x32: {  	s10 =	sld [smem:$0x3FB4];
	_ =	sdelay $0x3  }
0x33: {  	p0 =	seq.s32 s10, $0x1;
	s10 =	sld [smem:$0x3FB6];
	_ =	sdelay $0x3  }
0x34: {  	[smem:$0x3FB6] =	sst s10  }
0x35: {  	s10 =	sld [smem:$0x3FB5];
	_ =	sdelay $0x3  }
0x36: {  	p1 =	seq.s32 s10, $0x1;
	s10 =	sld [smem:$0x3FB6];
	_ =	sdelay $0x3  }
0x37: {  	[smem:$0x3FB6] =	sst s10  }
0x38: {  	s10 =	sld [smem:$0x3FB7]  }
0x39: {  	_ = 	snop;
	(pc) =	sbr.ind lr, $3  }
0x3a: {  	_ = 	snop  }
0x3b: {  	_ = 	snop  }
0x3c: {  	p2 =	seq.s32 s10, $0x1;
	s10 =	sld [smem:$0x3FB6]  }
0x3d: {  	_ =	shalt  }
0x3e: {  	_ =	shalt  }
0x3f: {  	_ =	shalt  }
0x40: {  	_ =	shalt  }
0x41: {  	_ =	shalt  }
0x42: {  	_ =	shalt  }
0x43: {  	_ =	shalt  }
0x44: {  	_ =	shalt  }
0x45: {  	_ =	shalt  }
0x46: {  	_ =	shalt  }
0x47: {  	_ =	shalt  }
0x48: {  	_ =	shalt  }
0x49: {  	_ =	shalt  }
0x4a: {  	_ =	shalt  }
0x4b: {  	_ =	shalt  }
0x4c: {  	_ =	shalt  }
0x4d: {  	_ =	shalt  }
0x4e: {  	_ =	shalt  }
0x4f: {  	_ =	shalt  }
0x50: {  	_ =	shalt  }
0x51: {  	_ =	shalt  }
0x52: {  	_ =	shalt  }
0x53: {  	_ =	shalt  }
0x54: {  	_ =	shalt  }
0x55: {  	_ =	shalt  }
0x56: {  	_ =	shalt  }
0x57: {  	_ =	shalt  }
0x58: {  	_ =	shalt  }
0x59: {  	_ =	shalt  }
0x5a: {  	_ =	shalt  }
0x5b: {  	_ =	shalt  }
0x5c: {  	_ =	shalt  }
0x5d: {  	_ =	shalt  }
0x5e: {  	_ =	shalt  }
0x5f: {  	_ =	shalt  }
0x60: {  	_ =	shalt  }
0x61: {  	_ =	shalt  }
0x62: {  	_ =	shalt  }
0x63: {  	_ =	shalt  }
0x64: {  	_ =	shalt  }
0x65: {  	_ =	shalt  }
0x66: {  	_ =	shalt  }
0x67: {  	_ =	shalt  }
0x68: {  	_ =	shalt  }
0x69: {  	_ =	shalt  }
0x6a: {  	_ =	shalt  }
0x6b: {  	_ =	shalt  }
0x6c: {  	_ =	shalt  }
0x6d: {  	_ =	shalt  }
0x6e: {  	_ =	shalt  }
0x6f: {  	_ =	shalt  }
0x70: {  	_ =	shalt  }
0x71: {  	_ =	shalt  }
0x72: {  	_ =	shalt  }
0x73: {  	_ =	shalt  }
0x74: {  	_ =	shalt  }
0x75: {  	_ =	shalt  }
0x76: {  	_ =	shalt  }
0x77: {  	_ =	shalt  }
0x78: {  	_ =	shalt  }
0x79: {  	_ =	shalt  }
0x7a: {  	_ =	shalt  }
0x7b: {  	_ =	shalt  }
0x7c: {  	_ =	shalt  }
0x7d: {  	_ =	shalt  }
0x7e: {  	_ =	shalt  }
0x7f: {  	_ =	shalt  }
0x80: {  	_ =	shalt  }
0x81: {  	_ =	shalt  }
0x82: {  	_ =	shalt  }
0x83: {  	_ =	shalt  }
0x84: {  	_ =	shalt  }
0x85: {  	_ =	shalt  }
0x86: {  	_ =	shalt  }
0x87: {  	_ =	shalt  }
.Lfunc_end0:
.L_simem_size_0:
called_computation.1_lowered:
.L_overlay_start_0:
0x88: {  	s2 =	sld [smem:$0x3FD9]  }
0x89: {  	s3 =	sld [smem:$0x3FFE];
	_ =	sdelay $0x1  }
0x8a: {  	s1 =	srdreg.scid  }
0x8b: {  	s0 =	sand.u32 $0x1, s1  }
0x8c: {  	s16 =	sshll.u32 s0, $0xA;
	s2 =	sadd.s32 s3, s2  }
0x8d: {  	s2 =	sadd.s32 s2, s16  }
0x8e: {  	[smem:$0x3FC2] =	sst s2  }
0x8f: {  	_ = 	snop  }
0x90: {  	(tm) =	ssettm $0x1  }
0x91: {  	s17 =	sld [smem:$0x3FFB];
	_ =	sdelay $0x3  }
0x92: {  	_ =	strace s17  }
0x93: {  	s2 =	sld [smem:$0x3FFC];
	_ =	sdelay $0x3  }
0x94: {  	_ =	strace s2  }
0x95: {  	s2 =	sld [smem:$0x3FFD];
	_ =	sdelay $0x3  }
0x96: {  	_ =	strace s2  }
0x97: {  	_ =	strace $0x8FFFFFFF  }
0x98: {  	s18 =	sld [smem:$0x3FDB];
	_ =	sdelay $0x1  }
0x99: {  	s19 =	simm.s32 $_scs_section_size  }
0x9a: {  	s4 =	simm.s32 $_size__tile_overlayer_lowered;
	s5 =	simm.s32 $_tile_overlayer_lowered  }
0x9b: {  	s22 =	simm.s32 $0x1BFF;
	s21 =	sshll.u32 s5, $0x1;
	s2 =	sadd.s32 s19, s18  }
0x9c: {  	s6 =	simm.s32 $0x0;
	s20 =	sshll.u32 s4, $0x1;
	s4 =	sadd.s32 s21, s2  }
0x9d: {  	[timem:s6], [sflag:s22] =	dma.local [hbm:s4], s20  }
0x9e: {  	_ =	swait.ge [sflag:s22], s20  }
0x9f: {  	s3 =	ssub.s32 $0x0, s20;
	[sflag:s22] =	ssyncset.done $0x0  }
0xa0: {  	[sflag:s22] =	ssyncadd.s32 s3;
	_ =	sdelay $0x1  }
0xa1: {  	s23 =	simm.s32 $0x1B8B  }
0xa2: {  	_ =	swait.ge [sflag:s23], $0x1  }
0xa3: {  	[sflag:s23] =	ssyncset.done $0x0  }
0xa4: {  	s25 =	simm.s32 $0x1B8E;
	s24 =	sld [smem:$0x3FFE];
	[sflag:s23] =	ssyncadd.s32 $0xFFFFFFFF  }
0xa5: {  	s26 =	simm.s32 $execute0_lowered;
	[smem:$0x3FD2] =	sst s25  }
0xa6: {  	s4 =	sshll.u32 s26, $0x1;
	_ =	strace $0x80000049;
	[dreg:$0x1] =	wrdreg $0xFFFFFFFF  }
0xa7: {  	s28 =	simm.s32 $_size_execute0_lowered;
	s2 =	sadd.s32 s2, s4;
	[dreg:$0x0] =	wrdreg $0x0  }
0xa8: {  	s4 =	sshll.u32 s28, $0x1;
	[dreg:$0x2] =	wrdreg s2  }
0xa9: {  	[dreg:$0x3] =	wrdreg s4  }
0xaa: {  	[dreg:$0x4] =	wrdreg $0xC0  }
0xab: {  	_ =	task [dreg:s6], $0x5FFFF  }
0xac: {  	[dreg:$0x1] =	wrdreg $0xFFFFFFFF  }
0xad: {  	[dreg:$0x0] =	wrdreg $0x60  }
0xae: {  	[dreg:$0x2] =	wrdreg s24  }
0xaf: {  	[dreg:$0x3] =	wrdreg $0x44000  }
0xb0: {  	[dreg:$0x4] =	wrdreg $0x9  }
0xb1: {  	_ =	task.clear_ibuf [dreg:s6], $0x5FFFF;
	_ =	strace $0x90000049  }
0xb2: {  	s29 =	simm.s32 $0x9;
	_ =	strace $0x8000004B  }
0xb3: {  	_ =	swait.ge [sflag:s29], $0x1  }
0xb4: {  	[sflag:s29] =	ssyncadd.s32 $0xFFFFFFFF  }
0xb5: {  	_ =	strace $0x9000004B  }
0xb6: {  	_ =	sfence  }
0xb7: {  	s30 =	sld [smem:$0x0];
	_ =	sdelay $0x2  }
0xb8: {  	s31 =	sshll.u32 s1, $0xD;
	s1 =	sshrl.u32 s1, $0x2  }
0xb9: {  	s3 =	sand.u32 $0x4000, s31;
	s1 =	sadd.s32 s1, s30  }
0xba: {  	s0 =	sor.u32 s3, s0;
	s1 =	sshll.u32 s1, $0x11  }
0xbb: {  	s0 =	sor.u32 s1, s0  }
0xbc: {  	s0 =	sadd.s32 $0x8F2B, s0  }
0xbd: {  	[sflag:s0] =	ssyncadd.remote.s32 $0x1  }
0xbe: {  	_ =	sfence.sel $0xFFFF  }
0xbf: {  	[dreg:$0x0] =	wrdreg $0xFFFFFFFF;
	(pc) =	sbr.abs _section_cstart, $3  }
0xc0: {  	[dreg:$0x1] =	wrdreg $0xFFFFFFFF  }
0xc1: {  	_ =	task.clear_ibuf [dreg:s6], $0x2FFFF;
	_ =	strace $0x9FFFFFFF  }
0xc2: {  	(tm) =	ssettm $0x7FFFFFFF  }
0xc3: {  	_ =	shalt  }
tec
execute0_lowered:
.L_overlay_start_1:
0x0: {  	(tag) =	ssettag $0x1  }
0x1: {  	s0 =	rddreg [dreg:$0x0]  }
0x2: {  	s2 =	rddreg [dreg:$0x1];
	s3 =	simm.s32 $0x0  }
0x3: {  	s11 =	stileid.u32;
	s1 =	srdreg.scid;
	s28 =	simm.s32 $0x80  }
0x4: {  	s29 =	simm.s32 $0x400;
	s30 =	simm.s32 $0x4;
	s31 =	simm.s32 $0x2400  }
0x5: {  	[smem:$0x7FF] =	sst s3;
	s5 =	smul.u32 $0xA000, s11;
	s1 =	sand.u32 $0x1, s1  }
0x6: {  	s4 =	sadd.s32 $0x15000, s0;
	s8 =	sadd.s32 $0x1000, s0;
	s14 =	smul.u32 $0x5000, s11  }
0x7: {  	s12 =	sshll.u32 s11, $0x6;
	_ =	strace $0x8000004A;
	s6 =	smul.u32 $0xA0000, s1  }
0x8: {  	s9 =	sshll.u32 s1, $0x4;
	s10 =	ssub.s32 $0x2, s1;
	s1 =	smul.u32 $0x50000, s1  }
0x9: {  	s7 =	sshrl.u32 s5, $0x3;
	s9 =	sor.u32 s11, s9;
	s26 =	sshrl.u32 s10, $0x1  }
0xa: {  	s11 =	simm.s32 $0x8;
	s7 =	sadd.s32 s7, s0;
	s6 =	sadd.s32 s5, s6  }
0xb: {  	s9 =	smul.u32 $0x5000, s9;
	s10 =	ssub.s32 s10, s26;
	s5 =	sadd.s32 s5, s2  }
0xc: {  	s1 =	sadd.s32 s14, s1;
	s14 =	simm.s32 $0x0;
	s6 =	sshrl.u32 s6, $0x3  }
0xd: {  	s7 =	sadd.s32 $0x29000, s7;
	s21 =	sor.u32 $0xA00, s1;
	s22 =	smax.u32 s10, $0x1  }
0xe: {  	s24 =	sor.u32 $0x900, s1;
	s25 =	sor.u32 $0x800, s1;
	s1 =	sor.u32 $0x700, s1  }
0xf: {  	s10 =	simm.s32 $0x6;
	s0 =	sadd.s32 s6, s0;
	[dreg:$0x3] =	wrdreg s7  }
0x10: {  	s13 =	sshrl.u32 s9, $0x3;
	s6 =	sor.u32 $0x1C09, s12;
	[dreg:$0xd] =	wrdreg s22  }
0x11: {  	s23 =	sshrl.u32 s21, $0x3;
	s9 =	sshrl.u32 s25, $0x3;
	s7 =	sadd.s32 s8, s13  }
0x12: {  	s26 =	sshrl.u32 s1, $0x3;
	s0 =	sadd.s32 $0x3D000, s0;
	[dreg:$0x4] =	wrdreg s7  }
0x13: {  	s21 =	sshrl.u32 s5, $0x3;
	s15 =	sadd.s32 $0x20, s7;
	[dreg:$0xc] =	wrdreg s0  }
0x14: {  	s22 =	simm.s32 $0x9;
	s16 =	sadd.s32 $0x40, s7;
	[dreg:$0x5] =	wrdreg s15  }
0x15: {  	s25 =	simm.s32 $0x300;
	s17 =	sadd.s32 $0x60, s7;
	[dreg:$0x6] =	wrdreg s16  }
0x16: {  	s1 =	simm.s32 $0x5;
	s18 =	sadd.s32 $0x80, s7;
	[dreg:$0x7] =	wrdreg s17  }
0x17: {  	s5 =	simm.s32 $0x7;
	s19 =	sadd.s32 $0xA0, s7;
	[dreg:$0x8] =	wrdreg s18  }
0x18: {  	s12 =	simm.s32 $0x280;
	s20 =	sadd.s32 $0xC0, s7;
	[dreg:$0x9] =	wrdreg s19  }
0x19: {  	s13 =	simm.s32 $0x380;
	s7 =	sadd.s32 $0x9E0, s7;
	[dreg:$0xa] =	wrdreg s20  }
0x1a: {  	s0 =	sshrl.u32 s24, $0x3;
	s24 =	simm.s32 $0x200;
	[dreg:$0xb] =	wrdreg s7  }
0x1b: {  	s17 =	sadd.s32 s23, s8;
	s18 =	sadd.s32 s0, s8;
	s19 =	sadd.s32 s9, s8  }
0x1c: {  	s20 =	sadd.s32 s26, s8;
	s23 =	simm.s32 $0x100;
	s26 =	simm.s32 $0x3  }
0x1d: {  	s0 =	simm.s32 $0x1;
	s8 =	simm.s32 $0x2;
	s9 =	simm.s32 $0x180  }
.LBB2_1:
0x1e: {  	s7 =	rddreg [dreg:$0x3]  }
0x1f: {  	[spmem:s21], [sflag:s6] =	dma.local [hbm:s7], $0x1400  }
0x20: {  	_ =	swait.ge [sflag:s22], $0x1400  }
0x21: {  	[sflag:s22] =	ssyncset.done $0x0  }
0x22: {  	[sflag:s22] =	ssyncadd.s32 $0xFFFFEC00  }
0x23: {  	[bflag:$0x0] =	sbarrier.arrive $0xFFFF  }
0x24: {  	s15 =	rddreg [dreg:$0x4]  }
0x25: {  	[tilespmem:s3], [sflag:$0x3] =	stream.linear.gather [hbm4b:s15+s3], $0x100, $0x38;
	[tilespmem:$0xE400] =	vst v63  }
0x26: {  	s16 =	rddreg [dreg:$0x5]  }
0x27: {  	[tilespmem:s23], [sflag:$0x4] =	stream.linear.gather [hbm4b:s16+s3], $0x100, $0x38;
	[tilespmem:$0xE400] =	vst v63  }
0x28: {  	s15 =	rddreg [dreg:$0x6]  }
0x29: {  	[tilespmem:s24], [sflag:$0x5] =	stream.linear.gather [hbm4b:s15+s3], $0x100, $0x38;
	[tilespmem:$0xE400] =	vst v63  }
0x2a: {  	s16 =	rddreg [dreg:$0x7]  }
0x2b: {  	[tilespmem:s25], [sflag:$0x6] =	stream.linear.gather [hbm4b:s16+s3], $0x100, $0x38;
	[tilespmem:$0xE400] =	vst v63  }
0x2c: {  	_ =	swait.ge [sflag:s26], $0x100  }
0x2d: {  	[sflag:s26] =	ssyncset.done $0x0  }
0x2e: {  	[sflag:s26] =	ssyncadd.s32 $0xFFFFFF00  }
0x2f: {  	[tilespmem:s29], [sflag:$0x1] =	stream.indirect.gather [hbm4b:s4+s28], $0x40, s3, s28, $0xb8;
	[tilespmem:$0xE400] =	vst v63  }
0x30: {  	_ =	swait.ge [sflag:s30], $0x100  }
0x31: {  	[sflag:s30] =	ssyncset.done $0x0  }
0x32: {  	[sflag:s30] =	ssyncadd.s32 $0xFFFFFF00  }
0x33: {  	[tilespmem:s31], [sflag:$0x2] =	stream.indirect.gather [hbm4b:s4+s28], $0x40, s23, s28, $0xb8;
	[tilespmem:$0xE400] =	vst v63  }
0x34: {  	_ =	swait.ge [sflag:s0], $0x2000  }
0x35: {  	[sflag:s0] =	ssyncset.done $0x0  }
0x36: {  	[sflag:s0] =	ssyncadd.s32 $0xFFFFE000  }
0x37: {  	[spmem:s2] =	stream.indirect.scatter.add.f32 [tilespmem:s29], [sflag:$0x7], $0x40, s28, s28, $0xb8;
	[tilespmem:$0xE400] =	vst v63  }
0x38: {  	_ =	swait.ge [sflag:s1], $0x100  }
0x39: {  	[sflag:s1] =	ssyncset.done $0x0  }
0x3a: {  	[sflag:s1] =	ssyncadd.s32 $0xFFFFFF00  }
0x3b: {  	_ =	swait.ge [sflag:s5], $0x2000  }
0x3c: {  	[sflag:s5] =	ssyncset.done $0x0  }
0x3d: {  	[sflag:s5] =	ssyncadd.s32 $0xFFFFE000  }
0x3e: {  	[tilespmem:s29], [sflag:$0x1] =	stream.indirect.gather [hbm4b:s4+s28], $0x40, s24, s28, $0xb8;
	[tilespmem:$0xE400] =	vst v63  }
0x3f: {  	s15 =	rddreg [dreg:$0x8]  }
0x40: {  	[tilespmem:s3], [sflag:$0x3] =	stream.linear.gather [hbm4b:s15+s3], $0x100, $0x38;
	[tilespmem:$0xE400] =	vst v63  }
0x41: {  	_ =	swait.ge [sflag:s8], $0x2000  }
0x42: {  	[sflag:s8] =	ssyncset.done $0x0  }
0x43: {  	[sflag:s8] =	ssyncadd.s32 $0xFFFFE000  }
0x44: {  	[spmem:s2] =	stream.indirect.scatter.add.f32 [tilespmem:s31], [sflag:$0x8], $0x40, s9, s28, $0xb8;
	[tilespmem:$0xE400] =	vst v63  }
0x45: {  	_ =	swait.ge [sflag:s10], $0x100  }
0x46: {  	[sflag:s10] =	ssyncset.done $0x0  }
0x47: {  	[sflag:s10] =	ssyncadd.s32 $0xFFFFFF00  }
0x48: {  	_ =	swait.ge [sflag:s11], $0x2000  }
0x49: {  	[sflag:s11] =	ssyncset.done $0x0  }
0x4a: {  	[sflag:s11] =	ssyncadd.s32 $0xFFFFE000  }
0x4b: {  	[tilespmem:s31], [sflag:$0x2] =	stream.indirect.gather [hbm4b:s4+s28], $0x40, s25, s28, $0xb8;
	[tilespmem:$0xE400] =	vst v63  }
0x4c: {  	s16 =	rddreg [dreg:$0x9]  }
0x4d: {  	[tilespmem:s23], [sflag:$0x4] =	stream.linear.gather [hbm4b:s16+s3], $0x100, $0x38;
	[tilespmem:$0xE400] =	vst v63  }
0x4e: {  	_ =	swait.ge [sflag:s0], $0x2000  }
0x4f: {  	[sflag:s0] =	ssyncset.done $0x0  }
0x50: {  	[sflag:s0] =	ssyncadd.s32 $0xFFFFE000  }
0x51: {  	[spmem:s2] =	stream.indirect.scatter.add.f32 [tilespmem:s29], [sflag:$0x7], $0x40, s12, s28, $0xb8;
	[tilespmem:$0xE400] =	vst v63  }
0x52: {  	_ =	swait.ge [sflag:s26], $0x100  }
0x53: {  	[sflag:s26] =	ssyncset.done $0x0  }
0x54: {  	[sflag:s26] =	ssyncadd.s32 $0xFFFFFF00  }
0x55: {  	_ =	swait.ge [sflag:s5], $0x2000  }
0x56: {  	[sflag:s5] =	ssyncset.done $0x0  }
0x57: {  	[sflag:s5] =	ssyncadd.s32 $0xFFFFE000  }
0x58: {  	[tilespmem:s29], [sflag:$0x1] =	stream.indirect.gather [hbm4b:s4+s28], $0x40, s3, s28, $0xb8;
	[tilespmem:$0xE400] =	vst v63  }
0x59: {  	s15 =	rddreg [dreg:$0xa]  }
0x5a: {  	[tilespmem:s24], [sflag:$0x5] =	stream.linear.gather [hbm4b:s15+s3], $0x100, $0x38;
	[tilespmem:$0xE400] =	vst v63  }
0x5b: {  	_ =	swait.ge [sflag:s8], $0x2000  }
0x5c: {  	[sflag:s8] =	ssyncset.done $0x0  }
0x5d: {  	[sflag:s8] =	ssyncadd.s32 $0xFFFFE000  }
0x5e: {  	[spmem:s2] =	stream.indirect.scatter.add.f32 [tilespmem:s31], [sflag:$0x8], $0x40, s13, s28, $0xb8;
	[tilespmem:$0xE400] =	vst v63  }
0x5f: {  	_ =	swait.ge [sflag:s30], $0x100  }
0x60: {  	[sflag:s30] =	ssyncset.done $0x0  }
0x61: {  	[sflag:s30] =	ssyncadd.s32 $0xFFFFFF00  }
0x62: {  	_ =	swait.ge [sflag:s11], $0x2000  }
0x63: {  	[sflag:s11] =	ssyncset.done $0x0  }
0x64: {  	[sflag:s11] =	ssyncadd.s32 $0xFFFFE000  }
0x65: {  	[tilespmem:s31], [sflag:$0x2] =	stream.indirect.gather [hbm4b:s4+s28], $0x40, s23, s28, $0xb8;
	[tilespmem:$0xE400] =	vst v63  }
0x66: {  	s15 =	sadd.s32 $0x0, s20  }
0x67: {  	[tilespmem:s25], [sflag:$0x6] =	stream.linear.gather [hbm4b:s15+s3], $0x100, $0x38;
	[tilespmem:$0xE400] =	vst v63  }
0x68: {  	_ =	swait.ge [sflag:s0], $0x2000  }
0x69: {  	[sflag:s0] =	ssyncset.done $0x0  }
0x6a: {  	[sflag:s0] =	ssyncadd.s32 $0xFFFFE000  }
0x6b: {  	[spmem:s2] =	stream.indirect.scatter.add.f32 [tilespmem:s29], [sflag:$0x7], $0x40, s28, s28, $0xb8;
	[tilespmem:$0xE400] =	vst v63  }
0x6c: {  	_ =	swait.ge [sflag:s1], $0x100  }
0x6d: {  	[sflag:s1] =	ssyncset.done $0x0  }
0x6e: {  	[sflag:s1] =	ssyncadd.s32 $0xFFFFFF00  }
0x6f: {  	_ =	swait.ge [sflag:s5], $0x2000  }
0x70: {  	[sflag:s5] =	ssyncset.done $0x0  }
0x71: {  	[sflag:s5] =	ssyncadd.s32 $0xFFFFE000  }
0x72: {  	[tilespmem:s29], [sflag:$0x1] =	stream.indirect.gather [hbm4b:s4+s28], $0x40, s24, s28, $0xb8;
	[tilespmem:$0xE400] =	vst v63  }
0x73: {  	s16 =	sadd.s32 $0x0, s19  }
0x74: {  	[tilespmem:s3], [sflag:$0x3] =	stream.linear.gather [hbm4b:s16+s3], $0x100, $0x38;
	[tilespmem:$0xE400] =	vst v63  }
0x75: {  	_ =	swait.ge [sflag:s8], $0x2000  }
0x76: {  	[sflag:s8] =	ssyncset.done $0x0  }
0x77: {  	[sflag:s8] =	ssyncadd.s32 $0xFFFFE000  }
0x78: {  	[spmem:s2] =	stream.indirect.scatter.add.f32 [tilespmem:s31], [sflag:$0x8], $0x40, s9, s28, $0xb8;
	[tilespmem:$0xE400] =	vst v63  }
0x79: {  	_ =	swait.ge [sflag:s10], $0x100  }
0x7a: {  	[sflag:s10] =	ssyncset.done $0x0  }
0x7b: {  	[sflag:s10] =	ssyncadd.s32 $0xFFFFFF00  }
0x7c: {  	_ =	swait.ge [sflag:s11], $0x2000  }
0x7d: {  	[sflag:s11] =	ssyncset.done $0x0  }
0x7e: {  	[sflag:s11] =	ssyncadd.s32 $0xFFFFE000  }
0x7f: {  	[tilespmem:s31], [sflag:$0x2] =	stream.indirect.gather [hbm4b:s4+s28], $0x40, s25, s28, $0xb8;
	[tilespmem:$0xE400] =	vst v63  }
0x80: {  	s7 =	sadd.s32 $0x0, s18  }
0x81: {  	[tilespmem:s23], [sflag:$0x4] =	stream.linear.gather [hbm4b:s7+s3], $0x100, $0x38;
	[tilespmem:$0xE400] =	vst v63  }
0x82: {  	_ =	swait.ge [sflag:s0], $0x2000  }
0x83: {  	[sflag:s0] =	ssyncset.done $0x0  }
0x84: {  	[sflag:s0] =	ssyncadd.s32 $0xFFFFE000  }
0x85: {  	[spmem:s2] =	stream.indirect.scatter.add.f32 [tilespmem:s29], [sflag:$0x7], $0x40, s12, s28, $0xb8;
	[tilespmem:$0xE400] =	vst v63  }
0x86: {  	_ =	swait.ge [sflag:s26], $0x100  }
0x87: {  	[sflag:s26] =	ssyncset.done $0x0  }
0x88: {  	[sflag:s26] =	ssyncadd.s32 $0xFFFFFF00  }
0x89: {  	_ =	swait.ge [sflag:s5], $0x2000  }
0x8a: {  	[sflag:s5] =	ssyncset.done $0x0  }
0x8b: {  	[sflag:s5] =	ssyncadd.s32 $0xFFFFE000  }
0x8c: {  	[tilespmem:s29], [sflag:$0x1] =	stream.indirect.gather [hbm4b:s4+s28], $0x40, s3, s28, $0xb8;
	[tilespmem:$0xE400] =	vst v63  }
0x8d: {  	s16 =	sadd.s32 $0x0, s17  }
0x8e: {  	[tilespmem:s24], [sflag:$0x5] =	stream.linear.gather [hbm4b:s16+s3], $0x100, $0x38;
	[tilespmem:$0xE400] =	vst v63  }
0x8f: {  	_ =	swait.ge [sflag:s8], $0x2000  }
0x90: {  	[sflag:s8] =	ssyncset.done $0x0  }
0x91: {  	s15 =	simm.s32 $0x80;
	[sflag:s8] =	ssyncadd.s32 $0xFFFFE000  }
.LBB2_2:
0x92: {  	[spmem:s2] =	stream.indirect.scatter.add.f32 [tilespmem:s31], [sflag:$0x8], $0x40, s13, s28, $0xb8;
	[tilespmem:$0xE400] =	vst v63  }
0x93: {  	s16 =	smov.u32 s15  }
0x94: {  	p0 =	sne.s32 s15, $0x880;
	s15 =	sadd.s32 $0x80, s15;
	_ =	swait.ge [sflag:s30], $0x100  }
0x95: {  	[sflag:s30] =	ssyncset.done $0x0  }
0x96: {  	[sflag:s30] =	ssyncadd.s32 $0xFFFFFF00  }
0x97: {  	_ =	swait.ge [sflag:s11], $0x2000  }
0x98: {  	[sflag:s11] =	ssyncset.done $0x0  }
0x99: {  	[sflag:s11] =	ssyncadd.s32 $0xFFFFE000  }
0x9a: {  	[tilespmem:s31], [sflag:$0x2] =	stream.indirect.gather [hbm4b:s4+s28], $0x40, s23, s28, $0xb8;
	[tilespmem:$0xE400] =	vst v63  }
0x9b: {  	s7 =	sadd.s32 s16, s20  }
0x9c: {  	[tilespmem:s25], [sflag:$0x6] =	stream.linear.gather [hbm4b:s7+s3], $0x100, $0x38;
	[tilespmem:$0xE400] =	vst v63  }
0x9d: {  	_ =	swait.ge [sflag:s0], $0x2000  }
0x9e: {  	[sflag:s0] =	ssyncset.done $0x0  }
0x9f: {  	[sflag:s0] =	ssyncadd.s32 $0xFFFFE000  }
0xa0: {  	[spmem:s2] =	stream.indirect.scatter.add.f32 [tilespmem:s29], [sflag:$0x7], $0x40, s28, s28, $0xb8;
	[tilespmem:$0xE400] =	vst v63  }
0xa1: {  	_ =	swait.ge [sflag:s1], $0x100  }
0xa2: {  	[sflag:s1] =	ssyncset.done $0x0  }
0xa3: {  	[sflag:s1] =	ssyncadd.s32 $0xFFFFFF00  }
0xa4: {  	_ =	swait.ge [sflag:s5], $0x2000  }
0xa5: {  	[sflag:s5] =	ssyncset.done $0x0  }
0xa6: {  	[sflag:s5] =	ssyncadd.s32 $0xFFFFE000  }
0xa7: {  	[tilespmem:s29], [sflag:$0x1] =	stream.indirect.gather [hbm4b:s4+s28], $0x40, s24, s28, $0xb8;
	[tilespmem:$0xE400] =	vst v63  }
0xa8: {  	s7 =	sadd.s32 s16, s19  }
0xa9: {  	[tilespmem:s3], [sflag:$0x3] =	stream.linear.gather [hbm4b:s7+s3], $0x100, $0x38;
	[tilespmem:$0xE400] =	vst v63  }
0xaa: {  	_ =	swait.ge [sflag:s8], $0x2000  }
0xab: {  	[sflag:s8] =	ssyncset.done $0x0  }
0xac: {  	[sflag:s8] =	ssyncadd.s32 $0xFFFFE000  }
0xad: {  	[spmem:s2] =	stream.indirect.scatter.add.f32 [tilespmem:s31], [sflag:$0x8], $0x40, s9, s28, $0xb8;
	[tilespmem:$0xE400] =	vst v63  }
0xae: {  	_ =	swait.ge [sflag:s10], $0x100  }
0xaf: {  	[sflag:s10] =	ssyncset.done $0x0  }
0xb0: {  	[sflag:s10] =	ssyncadd.s32 $0xFFFFFF00  }
0xb1: {  	_ =	swait.ge [sflag:s11], $0x2000  }
0xb2: {  	[sflag:s11] =	ssyncset.done $0x0  }
0xb3: {  	[sflag:s11] =	ssyncadd.s32 $0xFFFFE000  }
0xb4: {  	[tilespmem:s31], [sflag:$0x2] =	stream.indirect.gather [hbm4b:s4+s28], $0x40, s25, s28, $0xb8;
	[tilespmem:$0xE400] =	vst v63  }
0xb5: {  	s7 =	sadd.s32 s16, s18  }
0xb6: {  	[tilespmem:s23], [sflag:$0x4] =	stream.linear.gather [hbm4b:s7+s3], $0x100, $0x38;
	[tilespmem:$0xE400] =	vst v63  }
0xb7: {  	_ =	swait.ge [sflag:s0], $0x2000  }
0xb8: {  	[sflag:s0] =	ssyncset.done $0x0  }
0xb9: {  	[sflag:s0] =	ssyncadd.s32 $0xFFFFE000  }
0xba: {  	[spmem:s2] =	stream.indirect.scatter.add.f32 [tilespmem:s29], [sflag:$0x7], $0x40, s12, s28, $0xb8;
	[tilespmem:$0xE400] =	vst v63  }
0xbb: {  	_ =	swait.ge [sflag:s26], $0x100  }
0xbc: {  	[sflag:s26] =	ssyncset.done $0x0  }
0xbd: {  	[sflag:s26] =	ssyncadd.s32 $0xFFFFFF00  }
0xbe: {  	_ =	swait.ge [sflag:s5], $0x2000  }
0xbf: {  	[sflag:s5] =	ssyncset.done $0x0  }
0xc0: {  	[sflag:s5] =	ssyncadd.s32 $0xFFFFE000  }
0xc1: {  	[tilespmem:s29], [sflag:$0x1] =	stream.indirect.gather [hbm4b:s4+s28], $0x40, s3, s28, $0xb8;
	[tilespmem:$0xE400] =	vst v63  }
.Ltmp0:
0xc2: {  	s7 =	sadd.s32 s16, s17;
	(pc) =	sbr.rel @p0 .LBB2_2-.Ltmp0, $4  }
0xc3: {  	[tilespmem:s24], [sflag:$0x5] =	stream.linear.gather [hbm4b:s7+s3], $0x100, $0x38;
	[tilespmem:$0xE400] =	vst v63  }
0xc4: {  	_ =	swait.ge [sflag:s8], $0x2000  }
0xc5: {  	[sflag:s8] =	ssyncset.done $0x0  }
0xc6: {  	[sflag:s8] =	ssyncadd.s32 $0xFFFFE000  }
0xc7: {  	[spmem:s2] =	stream.indirect.scatter.add.f32 [tilespmem:s31], [sflag:$0x8], $0x40, s13, s28, $0xb8;
	[tilespmem:$0xE400] =	vst v63  }
0xc8: {  	_ =	swait.ge [sflag:s30], $0x100  }
0xc9: {  	[sflag:s30] =	ssyncset.done $0x0  }
0xca: {  	[sflag:s30] =	ssyncadd.s32 $0xFFFFFF00  }
0xcb: {  	_ =	swait.ge [sflag:s11], $0x2000  }
0xcc: {  	[sflag:s11] =	ssyncset.done $0x0  }
0xcd: {  	[sflag:s11] =	ssyncadd.s32 $0xFFFFE000  }
0xce: {  	[tilespmem:s31], [sflag:$0x2] =	stream.indirect.gather [hbm4b:s4+s28], $0x40, s23, s28, $0xb8;
	[tilespmem:$0xE400] =	vst v63  }
0xcf: {  	s7 =	rddreg [dreg:$0xb]  }
0xd0: {  	[tilespmem:s25], [sflag:$0x6] =	stream.linear.gather [hbm4b:s7+s3], $0x100, $0x38;
	[tilespmem:$0xE400] =	vst v63  }
0xd1: {  	_ =	swait.ge [sflag:s0], $0x2000  }
0xd2: {  	[sflag:s0] =	ssyncset.done $0x0  }
0xd3: {  	[sflag:s0] =	ssyncadd.s32 $0xFFFFE000  }
0xd4: {  	[spmem:s2] =	stream.indirect.scatter.add.f32 [tilespmem:s29], [sflag:$0x7], $0x40, s28, s28, $0xb8;
	[tilespmem:$0xE400] =	vst v63  }
0xd5: {  	_ =	swait.ge [sflag:s1], $0x100  }
0xd6: {  	[sflag:s1] =	ssyncset.done $0x0  }
0xd7: {  	[sflag:s1] =	ssyncadd.s32 $0xFFFFFF00  }
0xd8: {  	_ =	swait.ge [sflag:s5], $0x2000  }
0xd9: {  	[sflag:s5] =	ssyncset.done $0x0  }
0xda: {  	[sflag:s5] =	ssyncadd.s32 $0xFFFFE000  }
0xdb: {  	[tilespmem:s29], [sflag:$0x1] =	stream.indirect.gather [hbm4b:s4+s28], $0x40, s24, s28, $0xb8;
	[tilespmem:$0xE400] =	vst v63  }
0xdc: {  	_ =	swait.ge [sflag:s8], $0x2000  }
0xdd: {  	[sflag:s8] =	ssyncset.done $0x0  }
0xde: {  	[sflag:s8] =	ssyncadd.s32 $0xFFFFE000  }
0xdf: {  	[spmem:s2] =	stream.indirect.scatter.add.f32 [tilespmem:s31], [sflag:$0x8], $0x40, s9, s28, $0xb8;
	[tilespmem:$0xE400] =	vst v63  }
0xe0: {  	_ =	swait.ge [sflag:s10], $0x100  }
0xe1: {  	[sflag:s10] =	ssyncset.done $0x0  }
0xe2: {  	[sflag:s10] =	ssyncadd.s32 $0xFFFFFF00  }
0xe3: {  	_ =	swait.ge [sflag:s11], $0x2000  }
0xe4: {  	[sflag:s11] =	ssyncset.done $0x0  }
0xe5: {  	[sflag:s11] =	ssyncadd.s32 $0xFFFFE000  }
0xe6: {  	[tilespmem:s31], [sflag:$0x2] =	stream.indirect.gather [hbm4b:s4+s28], $0x40, s25, s28, $0xb8;
	[tilespmem:$0xE400] =	vst v63  }
0xe7: {  	_ =	swait.ge [sflag:s0], $0x2000  }
0xe8: {  	[sflag:s0] =	ssyncset.done $0x0  }
0xe9: {  	[sflag:s0] =	ssyncadd.s32 $0xFFFFE000  }
0xea: {  	[spmem:s2] =	stream.indirect.scatter.add.f32 [tilespmem:s29], [sflag:$0x7], $0x40, s12, s28, $0xb8;
	[tilespmem:$0xE400] =	vst v63  }
0xeb: {  	_ =	swait.ge [sflag:s5], $0x2000  }
0xec: {  	[sflag:s5] =	ssyncset.done $0x0  }
0xed: {  	[sflag:s5] =	ssyncadd.s32 $0xFFFFE000  }
0xee: {  	_ =	swait.ge [sflag:s8], $0x2000  }
0xef: {  	[sflag:s8] =	ssyncset.done $0x0  }
0xf0: {  	[sflag:s8] =	ssyncadd.s32 $0xFFFFE000  }
0xf1: {  	[spmem:s2] =	stream.indirect.scatter.add.f32 [tilespmem:s31], [sflag:$0x8], $0x40, s13, s28, $0xb8;
	[tilespmem:$0xE400] =	vst v63  }
0xf2: {  	_ =	swait.ge [sflag:s11], $0x2000  }
0xf3: {  	[sflag:s11] =	ssyncset.done $0x0  }
0xf4: {  	[sflag:s11] =	ssyncadd.s32 $0xFFFFE000  }
0xf5: {  	[bflag:$0x0] =	sbarrier.arrive $0xFFFF  }
0xf6: {  	s15 =	rddreg [dreg:$0xc]  }
0xf7: {  	[hbm:s15], [sflag:s6] =	dma.local [spmem:s21], $0x1400  }
0xf8: {  	_ =	swait.ge [sflag:s22], $0x1400  }
0xf9: {  	s14 =	sadd.s32 $0x1, s14;
	s16 =	rddreg [dreg:$0xd]  }
0xfa: {  	p0 =	sne.s32 s14, s16  }
.Ltmp1:
0xfb: {  	_ = 	snop;
	(pc) =	sbr.rel @p0 .LBB2_1-.Ltmp1, $3  }
0xfc: {  	_ =	sdelay $0x1  }
0xfd: {  	[sflag:s22] =	ssyncset.done $0x0  }
0xfe: {  	[sflag:s22] =	ssyncadd.s32 $0xFFFFEC00  }
0xff: {  	_ =	sfence.sel $0x180000  }
0x100: {  	[bflag:$0x0] =	sbarrier.arrive $0xFFFF  }
0x101: {  	_ =	strace $0x9000004A  }
0x102: {  	s0 =	stileid.u32;
	[bflag:$0x2] =	sbarrier.arrive $0xFFFF  }
0x103: {  	p0 =	sne.s32 s0, $0x0;
	s0 =	rddreg [dreg:$0x2]  }
0x104: {  	s0 =	sadd.s32 @!p0 $0x100000, s0  }
0x105: {  	[sflag:s0] =	ssyncadd.tile.s32 @!p0 $0x1;
	_ =	shalt  }
.Lfunc_end2:
_tile_overlayer_lowered:
.L_overlay_start_2:
0x106: {  	(tag) =	ssettag $0x2  }
0x107: {  	s0 =	rddreg [dreg:$0x0];
	s2 =	stileid.u32  }
0x108: {  	s1 =	rddreg [dreg:$0x1];
	p0 =	sne.s32 s2, $0x0  }
0x109: {  	s3 =	rddreg [dreg:$0x2];
	[bflag:$0x3] =	sbarrier.arrive $0xFFFF;
	s2 =	simm.s32 @!p0 $0x1C09  }
0x10a: {  	[timem:s3], [sflag:s2] =	dma.local @!p0 [hbm:s0], s1  }
0x10b: {  	s0 =	simm.s32 @!p0 $0x9  }
0x10c: {  	_ =	swait.ge @!p0 [sflag:s0], s1  }
0x10d: {  	s1 =	ssub.s32 @!p0 $0x0, s1;
	[sflag:s0] =	ssyncset.done @!p0 $0x0  }
0x10e: {  	[sflag:s0] =	ssyncadd.s32 @!p0 s1  }
0x10f: {  	[bflag:$0x3] =	sbarrier.arrive $0xFFFF  }
0x110: {  	_ =	shalt  }

</sc_bundles>
